<compile_context>
chip_gen: v7x
topology: tpu7x:2x2x1
jax: 0.10.2.dev20260603
libtpu: 0.0.44.dev20260713+nightly
codegen_flags: <defaults>
</compile_context>

<pallas_src>
import functools

import jax
import jax.numpy as jnp
from jax import lax
from jax.experimental import pallas as pl
from jax.experimental.pallas import tpu as pltpu
from jax.experimental.pallas import tpu_sc as plsc

CHUNK = 640
N_CHUNKS = 49
SPAN = 31360
RING = 64


def _lane0(vec):
    return vec[0]


def _gather_sc(idx1, table_t, tail_t, B, D, V, NW, NC):
    mesh = plsc.VectorSubcoreMesh(core_axis_name="c", subcore_axis_name="s")
    n_grp = B // 16
    tail = V % 128
    v_al = V - tail

    @functools.partial(
        pl.kernel,
        mesh=mesh,
        out_type=jax.ShapeDtypeStruct((B * D,), jnp.float32),
        scratch_types=[
            pltpu.VMEM((B + 16,), jnp.int32),
            pltpu.VMEM((B + 16,), jnp.int32),
            pltpu.VMEM((32,), jnp.int32),
            pltpu.VMEM((D, CHUNK), jnp.float32),
            pltpu.VMEM((D, CHUNK), jnp.float32),
            pltpu.VMEM((D, tail), jnp.float32),
            pltpu.VMEM((RING * D,), jnp.float32),
            pltpu.SemaphoreType.DMA,
            pltpu.SemaphoreType.DMA,
        ],
        compiler_params=pltpu.CompilerParams(needs_layout_passes=False),
    )
    def k(table_hbm, tail_hbm, idx_hbm, out_hbm,
          idx_v, mu, tu, chunk_a, chunk_b, tail_v, ring_v, sem, sem2):
        wid = lax.axis_index("s") * NC + lax.axis_index("c")
        ulo = wid * SPAN
        uhi = ulo + N_CHUNKS * CHUNK
        lanes = lax.iota(jnp.int32, 16)
        pltpu.sync_copy(idx_hbm, idx_v.at[pl.ds(0, B)])

        def scan_range(g, cnt):
            v = idx_v[pl.ds(g * 16, 16)]
            msk = jnp.logical_and(ulo <= v, v < uhi)
            packed = ((v - ulo) << 14) | (lanes + g * 16)
            plsc.store_compressed(mu.at[pl.ds(cnt, 16)], packed, mask=msk)
            return cnt + _lane0(plsc.all_reduce_population_count(msk))

        def s_of(c):
            return jnp.minimum(ulo + c * CHUNK, v_al - CHUNK)

        def prefetch(c, buf):
            pltpu.async_copy(table_hbm.at[:, pl.ds(s_of(c), CHUNK)], buf, sem2)

        def wait_chunk(buf):
            pltpu.make_async_copy(
                table_hbm.at[:, pl.ds(0, CHUNK)], buf, sem2
            ).wait()

        prefetch(0, chunk_a)
        prefetch(1, chunk_b)

        n_match = lax.fori_loop(0, n_grp, scan_range, 0)
        mu[pl.ds(n_match, 16)] = jnp.full((16,), -1, jnp.int32)
        mgrp = (n_match + 15) // 16

        OCT_W = 8 * CHUNK
        oct_bounds = []
        ocnt = 0
        for oc in range(8):
            lo = oc * OCT_W

            def build(g, cnt, lo=lo):
                p = mu[pl.ds(g * 16, 16)]
                du = p >> 14
                msk = jnp.logical_and(lo <= du, du < lo + OCT_W)
                plsc.store_compressed(idx_v.at[pl.ds(cnt, 16)], p, mask=msk)
                return cnt + _lane0(plsc.all_reduce_population_count(msk))

            oct_bounds.append(ocnt)
            ocnt = lax.fori_loop(0, mgrp, build, ocnt)
        oct_bounds.append(ocnt)
        idx_v[pl.ds(ocnt, 16)] = jnp.full((16,), -1, jnp.int32)
        starts = jnp.zeros((16,), jnp.int32)
        ends = jnp.zeros((16,), jnp.int32)
        for oc in range(8):
            starts = jnp.where(lax.iota(jnp.int32, 16) == oc, oct_bounds[oc], starts)
            ends = jnp.where(lax.iota(jnp.int32, 16) == oc, oct_bounds[oc + 1], ends)

        def process(s, m, buf, width):
            dlo = s - ulo
            oc1 = dlo // OCT_W
            oc2 = (dlo + width - 1) // OCT_W
            oc_starts = jnp.where(lax.iota(jnp.int32, 16) == oc1, starts, 0)
            oc_ends = jnp.where(lax.iota(jnp.int32, 16) == oc2, ends, 0)
            lo_g = jnp.sum(oc_starts) // 16
            hi_g = (jnp.sum(oc_ends) + 15) // 16

            def scan_chunk(g, mm):
                p = idx_v[pl.ds(g * 16, 16)]
                du = p >> 14
                msk = jnp.logical_and(dlo <= du, du < dlo + width)
                plsc.store_compressed(tu.at[pl.ds(0, 16)], p, mask=msk)
                n_g = _lane0(plsc.all_reduce_population_count(msk))

                def per_match(j, m2):
                    p0 = _lane0(tu[pl.ds(j, 16)])
                    u_loc = (p0 >> 14) - dlo
                    b = p0 & 16383
                    cols = jnp.full((16,), u_loc, jnp.int32)
                    slot = (m2 % RING) * D

                    @pl.when(m2 >= RING)
                    def _drain():
                        pltpu.make_async_copy(
                            out_hbm.at[pl.ds(0, D)],
                            ring_v.at[pl.ds(0, D)],
                            sem,
                        ).wait()

                    for kk in range(D // 16):
                        vals = plsc.load_gather(buf, [lanes + 16 * kk, cols])
                        ring_v[pl.ds(slot + 16 * kk, 16)] = vals
                    pltpu.async_copy(
                        ring_v.at[pl.ds(slot, D)],
                        out_hbm.at[pl.ds(b * D, D)],
                        sem,
                    )
                    return m2 + 1

                return lax.fori_loop(0, n_g, per_match, mm)

            return lax.fori_loop(lo_g, hi_g, scan_chunk, m)

        def pair(g, m):
            wait_chunk(chunk_a)
            m = process(s_of(2 * g), m, chunk_a, CHUNK)
            prefetch(2 * g + 2, chunk_a)
            wait_chunk(chunk_b)
            m = process(s_of(2 * g + 1), m, chunk_b, CHUNK)
            prefetch(2 * g + 3, chunk_b)
            return m

        m_total = lax.fori_loop(0, N_CHUNKS // 2, pair, 0)
        wait_chunk(chunk_a)
        m_total = process(s_of(N_CHUNKS - 1), m_total, chunk_a, CHUNK)
        wait_chunk(chunk_b)
        if tail:
            pltpu.sync_copy(tail_hbm, tail_v)
            m_total = process(v_al, m_total, tail_v, tail)

        def drain_rest(j, _):
            pltpu.make_async_copy(
                out_hbm.at[pl.ds(0, D)], ring_v.at[pl.ds(0, D)], sem
            ).wait()
            return 0

        lax.fori_loop(0, jnp.minimum(m_total, RING), drain_rest, 0)

    return k(table_t, tail_t, idx1)


def kernel(user_idxs, emb_table):
    (B,) = user_idxs.shape
    V, D = emb_table.shape
    info = plsc.get_sparse_core_info()
    NC, NS = info.num_cores, info.num_subcores
    NW = NC * NS
    tail_t = emb_table[V - V % 128:].T
    out1 = _gather_sc(
        user_idxs.astype(jnp.int32), emb_table.T, tail_t, B, D, V, NW, NC
    )
    return out1.reshape(B, D)

# --- scband reference (transcript-rebuilt; emitter-appended) ---
"""Pipeline reference for scband-user-tower-55963423867000 (READ-ONLY COPY).

The authoritative reference and input builder live on the scoring server;
editing this copy changes nothing except your own understanding.
"""

import jax, jax.numpy as jnp
import numpy as np

NUM_USERS = 1000000
EMBED_DIM = 64
BATCH = 16384


def setup_inputs(seed: int = 0) -> dict:
    key = jax.random.key(seed)
    k_idx, k_emb = jax.random.split(key)
    user_idxs = jax.random.randint(k_idx, (BATCH,), 0, NUM_USERS, dtype=jnp.int64 if jax.config.jax_enable_x64 else jnp.int32)
    emb_table = jax.random.normal(k_emb, (NUM_USERS, EMBED_DIM), dtype=jnp.float32)
    return {"user_idxs": user_idxs, "emb_table": emb_table}


def reference(user_idxs, emb_table):
    # nn.Embedding forward: row gather from the table
    return jnp.take(emb_table, user_idxs, axis=0)

if __name__ == "__main__":
    import jax
    _d = setup_inputs()
    print(jax.jit(kernel)(*tuple(_d.values())))

</pallas_src>

<mosaic_0001>
#map = affine_map<(d0, d1) -> (0, 0)>
#map1 = affine_map<(d0, d1) -> (0)>
module attributes {stable_mosaic.version = 14 : i64} {
  func.func @k(%arg0: i32, %arg1: i32, %arg2: memref<64x1000000xf32, #tpu.memory_space<hbm>>, %arg3: memref<64x64xf32, #tpu.memory_space<hbm>>, %arg4: memref<16384xi32, #tpu.memory_space<hbm>>, %arg5: memref<1048576xf32, #tpu.memory_space<hbm>>, %arg6: memref<16400xi32, #tpu.memory_space<vmem>>, %arg7: memref<16400xi32, #tpu.memory_space<vmem>>, %arg8: memref<32xi32, #tpu.memory_space<vmem>>, %arg9: memref<64x640xf32, #tpu.memory_space<vmem>>, %arg10: memref<64x640xf32, #tpu.memory_space<vmem>>, %arg11: memref<64x64xf32, #tpu.memory_space<vmem>>, %arg12: memref<4096xf32, #tpu.memory_space<vmem>>, %arg13: memref<!tpu.dma_semaphore, #tpu.memory_space<semaphore_mem>>, %arg14: memref<!tpu.dma_semaphore, #tpu.memory_space<semaphore_mem>>) attributes {dimension_semantics = [#tpu.dimension_semantics<core_parallel>, #tpu.dimension_semantics<subcore_parallel>], iteration_bounds = array<i64: 2, 16>, scalar_prefetch = 0 : i64, scratch_operands = 9 : i64, tpu.core_type = #tpu.core_type<sc_vector_subcore>, window_params = [{transform_indices = #map}, {transform_indices = #map}, {transform_indices = #map1}, {transform_indices = #map1}]} {
    %mul3A = arith.constant 2 : i32
    %mul3A_0 = arith.muli %arg1, %mul3A : i32
    %add3A = arith.addi %mul3A_0, %arg0 : i32
    %mul3A_1 = arith.constant 31360 : i32
    %mul3A_2 = arith.muli %add3A, %mul3A_1 : i32
    %add3A_3 = arith.constant 31360 : i32
    %add3A_4 = arith.addi %mul3A_2, %add3A_3 : i32
    %iota3A = tpu.iota {dimensions = array<i32: 0>} : vector<16xi32>
    "tpu.region"() ({
      %run_scoped3A = tpu.sem_alloc : memref<!tpu.dma_semaphore, #tpu.memory_space<semaphore_mem>>
      %dma_start3A_539 = arith.constant 0 : i32
      %dma_start3A_540 = tpu.memref_slice %arg6[%dma_start3A_539] : memref<16400xi32, #tpu.memory_space<vmem>> -> memref<16384xi32, #tpu.memory_space<vmem>>
      %dma_start3A_541 = arith.constant 0 : i32
      %dma_start3A_542 = tpu.memref_slice %arg6[%dma_start3A_541] : memref<16400xi32, #tpu.memory_space<vmem>> -> memref<16384xi32, #tpu.memory_space<vmem>>
      tpu.enqueue_dma source(%arg4 : memref<16384xi32, #tpu.memory_space<hbm>>) target(%dma_start3A_542 : memref<16384xi32, #tpu.memory_space<vmem>>) target_semaphore(%run_scoped3A : memref<!tpu.dma_semaphore, #tpu.memory_space<semaphore_mem>>)
      %dma_wait3A_543 = arith.constant 0 : i32
      %dma_wait3A_544 = tpu.memref_slice %arg6[%dma_wait3A_543] : memref<16400xi32, #tpu.memory_space<vmem>> -> memref<16384xi32, #tpu.memory_space<vmem>>
      %dma_wait3A_545 = arith.constant 0 : i32
      %dma_wait3A_546 = tpu.memref_slice %arg6[%dma_wait3A_545] : memref<16400xi32, #tpu.memory_space<vmem>> -> memref<16384xi32, #tpu.memory_space<vmem>>
      tpu.wait_dma2 semaphore(%run_scoped3A : memref<!tpu.dma_semaphore, #tpu.memory_space<semaphore_mem>>) src(%arg4 : memref<16384xi32, #tpu.memory_space<hbm>>) dst(%dma_wait3A_546 : memref<16384xi32, #tpu.memory_space<vmem>>)
      tpu.yield
    }) : () -> ()
    %add3A_5 = arith.constant 0 : i32
    %add3A_6 = arith.addi %mul3A_2, %add3A_5 : i32
    %min3A = arith.constant 999296 : i32
    %min3A_7 = arith.minsi %add3A_6, %min3A : i32
    %dma_start3A = arith.constant 0 : i32
    %dma_start3A_8 = tpu.memref_slice %arg2[%dma_start3A, %min3A_7] : memref<64x1000000xf32, #tpu.memory_space<hbm>> -> memref<64x640xf32, #tpu.memory_space<hbm>>
    %dma_start3A_9 = arith.constant 0 : i32
    %dma_start3A_10 = tpu.memref_slice %arg2[%dma_start3A_9, %min3A_7] : memref<64x1000000xf32, #tpu.memory_space<hbm>> -> memref<64x640xf32, #tpu.memory_space<hbm>>
    tpu.enqueue_dma source(%dma_start3A_10 : memref<64x640xf32, #tpu.memory_space<hbm>>) target(%arg9 : memref<64x640xf32, #tpu.memory_space<vmem>>) target_semaphore(%arg14 : memref<!tpu.dma_semaphore, #tpu.memory_space<semaphore_mem>>)
    %add3A_11 = arith.constant 640 : i32
    %add3A_12 = arith.addi %mul3A_2, %add3A_11 : i32
    %min3A_13 = arith.constant 999296 : i32
    %min3A_14 = arith.minsi %add3A_12, %min3A_13 : i32
    %dma_start3A_15 = arith.constant 0 : i32
    %dma_start3A_16 = tpu.memref_slice %arg2[%dma_start3A_15, %min3A_14] : memref<64x1000000xf32, #tpu.memory_space<hbm>> -> memref<64x640xf32, #tpu.memory_space<hbm>>
    %dma_start3A_17 = arith.constant 0 : i32
    %dma_start3A_18 = tpu.memref_slice %arg2[%dma_start3A_17, %min3A_14] : memref<64x1000000xf32, #tpu.memory_space<hbm>> -> memref<64x640xf32, #tpu.memory_space<hbm>>
    tpu.enqueue_dma source(%dma_start3A_18 : memref<64x640xf32, #tpu.memory_space<hbm>>) target(%arg10 : memref<64x640xf32, #tpu.memory_space<vmem>>) target_semaphore(%arg14 : memref<!tpu.dma_semaphore, #tpu.memory_space<semaphore_mem>>)
    %scan3A = arith.constant 0 : i32
    %scan3A_19 = arith.constant 0 : i32
    %scan3A_20 = arith.constant 1024 : i32
    %scan3A_21 = arith.addi %scan3A_19, %scan3A_20 : i32
    %scan3A_22 = arith.constant 1 : i32
    %scan3A_23 = scf.for %scan3A_539 = %scan3A_19 to %scan3A_21 step %scan3A_22 iter_args(%scan3A_540 = %scan3A) -> (i32)  : i32 {
      %mul3A_541 = arith.constant 16 : i32
      %mul3A_542 = arith.muli %scan3A_539, %mul3A_541 : i32
      %get3A = arith.index_cast %mul3A_542 : i32 to index
      %get3A_543 = tpu.vector_load %arg6[%get3A] {strides = array<i32>} : memref<16400xi32, #tpu.memory_space<vmem>>, vector<16xi32>,
      %le3A = vector.broadcast %mul3A_2 : i32 to vector<16xi32>
      %le3A_544 = arith.cmpi sle, %le3A, %get3A_543 : vector<16xi32>
      %lt3A = vector.broadcast %add3A_4 : i32 to vector<16xi32>
      %lt3A_545 = arith.cmpi slt, %get3A_543, %lt3A : vector<16xi32>
      %and3A_546 = arith.andi %le3A_544, %lt3A_545 : vector<16xi1>
      %sub3A_547 = vector.broadcast %mul3A_2 : i32 to vector<16xi32>
      %sub3A_548 = arith.subi %get3A_543, %sub3A_547 : vector<16xi32>
      %shift_left3A = arith.constant 14 : i32
      %shift_left3A_549 = vector.broadcast %shift_left3A : i32 to vector<16xi32>
      %shift_left3A_550 = arith.shli %sub3A_548, %shift_left3A_549 : vector<16xi32>
      %mul3A_551 = arith.constant 16 : i32
      %mul3A_552 = arith.muli %scan3A_539, %mul3A_551 : i32
      %add3A_553 = vector.broadcast %mul3A_552 : i32 to vector<16xi32>
      %add3A_554 = arith.addi %iota3A, %add3A_553 : vector<16xi32>
      %or3A = arith.ori %shift_left3A_550, %add3A_554 : vector<16xi32>
      %swap3A_555 = arith.index_cast %scan3A_540 : i32 to index
      %swap3A_556 = tpu.vector_load %arg7[%swap3A_555] masked %and3A_546 {strides = array<i32>} : memref<16400xi32, #tpu.memory_space<vmem>>, vector<16xi32>, vector<16xi1>
      tpu.vector_store %arg7[%swap3A_555], %or3A masked %and3A_546 {strides = array<i32>} : memref<16400xi32, #tpu.memory_space<vmem>>, vector<16xi32>, vector<16xi1>
      %all_reduce_population_count3A = tpu.all_reduce %and3A_546 {dim = 0 : i64, kind = #tpu.reduction_kind<sum>} : vector<16xi1> -> vector<16xi32>
      %slice3A = vector.extract_strided_slice %all_reduce_population_count3A {offsets = [0], sizes = [1], strides = [1]} : vector<16xi32> to vector<1xi32>
      %squeeze3A = vector.extract %slice3A[0] : i32 from vector<1xi32>
      %add3A_557 = arith.addi %scan3A_540, %squeeze3A : i32
      scf.yield %add3A_557 : i32
    }
    %scan3A_24 = arith.constant 1024 : i32
    %broadcast_in_dim3A = arith.constant -1 : i32
    %broadcast_in_dim3A_25 = vector.broadcast %broadcast_in_dim3A : i32 to vector<16xi32>
    %swap3A = arith.index_cast %scan3A_23 : i32 to index
    %swap3A_26 = tpu.vector_load %arg7[%swap3A] {strides = array<i32>} : memref<16400xi32, #tpu.memory_space<vmem>>, vector<16xi32>,
    tpu.vector_store %arg7[%swap3A], %broadcast_in_dim3A_25 {strides = array<i32>} : memref<16400xi32, #tpu.memory_space<vmem>>, vector<16xi32>,
    %add3A_27 = arith.constant 15 : i32
    %add3A_28 = arith.addi %scan3A_23, %add3A_27 : i32
    %jit3A = arith.constant 16 : i32
    %div3A = arith.divsi %add3A_28, %jit3A : i32
    %sign3A = arith.constant 0 : i32
    %sign3A_29 = arith.cmpi sgt, %add3A_28, %sign3A : i32
    %sign3A_30 = arith.extui %sign3A_29 : i1 to i32
    %sign3A_31 = arith.constant 0 : i32
    %sign3A_32 = arith.cmpi slt, %add3A_28, %sign3A_31 : i32
    %sign3A_33 = arith.extui %sign3A_32 : i1 to i32
    %sign3A_34 = arith.subi %sign3A_30, %sign3A_33 : i32
    %sign3A_35 = arith.constant 0 : i32
    %sign3A_36 = arith.cmpi sgt, %jit3A, %sign3A_35 : i32
    %sign3A_37 = arith.extui %sign3A_36 : i1 to i32
    %sign3A_38 = arith.constant 0 : i32
    %sign3A_39 = arith.cmpi slt, %jit3A, %sign3A_38 : i32
    %sign3A_40 = arith.extui %sign3A_39 : i1 to i32
    %sign3A_41 = arith.subi %sign3A_37, %sign3A_40 : i32
    %ne3A = arith.cmpi ne, %sign3A_34, %sign3A_41 : i32
    %rem3A = arith.remsi %add3A_28, %jit3A : i32
    %ne3A_42 = arith.constant 0 : i32
    %ne3A_43 = arith.cmpi ne, %rem3A, %ne3A_42 : i32
    %and3A = arith.andi %ne3A, %ne3A_43 : i1
    %sub3A = arith.constant 1 : i32
    %sub3A_44 = arith.subi %div3A, %sub3A : i32
    %select_n3A = arith.select %and3A, %sub3A_44, %div3A : i32
    %while3A = arith.constant 0 : i32
    %while3A_45 = arith.constant 0 : i32
    %while3A_46 = arith.subi %select_n3A, %while3A : i32
    %while3A_47 = arith.addi %while3A, %while3A_46 : i32
    %while3A_48 = arith.constant 1 : i32
    %while3A_49 = arith.divsi %while3A_46, %while3A_48 : i32
    %while3A_50 = arith.muli %while3A_49, %while3A_48 : i32
    %while3A_51 = arith.addi %while3A, %while3A_50 : i32
    %while3A_52 = arith.constant 1 : i32
    %while3A_53 = scf.for %while3A_539 = %while3A to %while3A_51 step %while3A_52 iter_args(%while3A_540 = %while3A_45) -> (i32)  : i32 {
      %mul3A_541 = arith.constant 16 : i32
      %mul3A_542 = arith.muli %while3A_539, %mul3A_541 : i32
      %get3A = arith.index_cast %mul3A_542 : i32 to index
      %get3A_543 = tpu.vector_load %arg7[%get3A] {strides = array<i32>} : memref<16400xi32, #tpu.memory_space<vmem>>, vector<16xi32>,
      %shift_right_arithmetic3A = arith.constant 14 : i32
      %shift_right_arithmetic3A_544 = vector.broadcast %shift_right_arithmetic3A : i32 to vector<16xi32>
      %shift_right_arithmetic3A_545 = arith.shrsi %get3A_543, %shift_right_arithmetic3A_544 : vector<16xi32>
      %ge3A = arith.constant 0 : i32
      %ge3A_546 = vector.broadcast %ge3A : i32 to vector<16xi32>
      %ge3A_547 = arith.cmpi sge, %shift_right_arithmetic3A_545, %ge3A_546 : vector<16xi32>
      %lt3A = arith.constant 5120 : i32
      %lt3A_548 = vector.broadcast %lt3A : i32 to vector<16xi32>
      %lt3A_549 = arith.cmpi slt, %shift_right_arithmetic3A_545, %lt3A_548 : vector<16xi32>
      %and3A_550 = arith.andi %ge3A_547, %lt3A_549 : vector<16xi1>
      %swap3A_551 = arith.index_cast %while3A_540 : i32 to index
      %swap3A_552 = tpu.vector_load %arg6[%swap3A_551] masked %and3A_550 {strides = array<i32>} : memref<16400xi32, #tpu.memory_space<vmem>>, vector<16xi32>, vector<16xi1>
      tpu.vector_store %arg6[%swap3A_551], %get3A_543 masked %and3A_550 {strides = array<i32>} : memref<16400xi32, #tpu.memory_space<vmem>>, vector<16xi32>, vector<16xi1>
      %all_reduce_population_count3A = tpu.all_reduce %and3A_550 {dim = 0 : i64, kind = #tpu.reduction_kind<sum>} : vector<16xi1> -> vector<16xi32>
      %slice3A = vector.extract_strided_slice %all_reduce_population_count3A {offsets = [0], sizes = [1], strides = [1]} : vector<16xi32> to vector<1xi32>
      %squeeze3A = vector.extract %slice3A[0] : i32 from vector<1xi32>
      %add3A_553 = arith.addi %while3A_540, %squeeze3A : i32
      scf.yield %add3A_553 : i32
    }
    %while3A_54 = arith.constant 1 : i32
    %while3A_55 = scf.for %while3A_539 = %while3A_51 to %while3A_47 step %while3A_54 iter_args(%while3A_540 = %while3A_53) -> (i32)  : i32 {
      %mul3A_541 = arith.constant 16 : i32
      %mul3A_542 = arith.muli %while3A_539, %mul3A_541 : i32
      %get3A = arith.index_cast %mul3A_542 : i32 to index
      %get3A_543 = tpu.vector_load %arg7[%get3A] {strides = array<i32>} : memref<16400xi32, #tpu.memory_space<vmem>>, vector<16xi32>,
      %shift_right_arithmetic3A = arith.constant 14 : i32
      %shift_right_arithmetic3A_544 = vector.broadcast %shift_right_arithmetic3A : i32 to vector<16xi32>
      %shift_right_arithmetic3A_545 = arith.shrsi %get3A_543, %shift_right_arithmetic3A_544 : vector<16xi32>
      %ge3A = arith.constant 0 : i32
      %ge3A_546 = vector.broadcast %ge3A : i32 to vector<16xi32>
      %ge3A_547 = arith.cmpi sge, %shift_right_arithmetic3A_545, %ge3A_546 : vector<16xi32>
      %lt3A = arith.constant 5120 : i32
      %lt3A_548 = vector.broadcast %lt3A : i32 to vector<16xi32>
      %lt3A_549 = arith.cmpi slt, %shift_right_arithmetic3A_545, %lt3A_548 : vector<16xi32>
      %and3A_550 = arith.andi %ge3A_547, %lt3A_549 : vector<16xi1>
      %swap3A_551 = arith.index_cast %while3A_540 : i32 to index
      %swap3A_552 = tpu.vector_load %arg6[%swap3A_551] masked %and3A_550 {strides = array<i32>} : memref<16400xi32, #tpu.memory_space<vmem>>, vector<16xi32>, vector<16xi1>
      tpu.vector_store %arg6[%swap3A_551], %get3A_543 masked %and3A_550 {strides = array<i32>} : memref<16400xi32, #tpu.memory_space<vmem>>, vector<16xi32>, vector<16xi1>
      %all_reduce_population_count3A = tpu.all_reduce %and3A_550 {dim = 0 : i64, kind = #tpu.reduction_kind<sum>} : vector<16xi1> -> vector<16xi32>
      %slice3A = vector.extract_strided_slice %all_reduce_population_count3A {offsets = [0], sizes = [1], strides = [1]} : vector<16xi32> to vector<1xi32>
      %squeeze3A = vector.extract %slice3A[0] : i32 from vector<1xi32>
      %add3A_553 = arith.addi %while3A_540, %squeeze3A : i32
      scf.yield %add3A_553 : i32
    }
    %while3A_56 = arith.constant 0 : i32
    %while3A_57 = arith.subi %select_n3A, %while3A_56 : i32
    %while3A_58 = arith.addi %while3A_56, %while3A_57 : i32
    %while3A_59 = arith.constant 1 : i32
    %while3A_60 = arith.divsi %while3A_57, %while3A_59 : i32
    %while3A_61 = arith.muli %while3A_60, %while3A_59 : i32
    %while3A_62 = arith.addi %while3A_56, %while3A_61 : i32
    %while3A_63 = arith.constant 1 : i32
    %while3A_64 = scf.for %while3A_539 = %while3A_56 to %while3A_62 step %while3A_63 iter_args(%while3A_540 = %while3A_55) -> (i32)  : i32 {
      %mul3A_541 = arith.constant 16 : i32
      %mul3A_542 = arith.muli %while3A_539, %mul3A_541 : i32
      %get3A = arith.index_cast %mul3A_542 : i32 to index
      %get3A_543 = tpu.vector_load %arg7[%get3A] {strides = array<i32>} : memref<16400xi32, #tpu.memory_space<vmem>>, vector<16xi32>,
      %shift_right_arithmetic3A = arith.constant 14 : i32
      %shift_right_arithmetic3A_544 = vector.broadcast %shift_right_arithmetic3A : i32 to vector<16xi32>
      %shift_right_arithmetic3A_545 = arith.shrsi %get3A_543, %shift_right_arithmetic3A_544 : vector<16xi32>
      %ge3A = arith.constant 5120 : i32
      %ge3A_546 = vector.broadcast %ge3A : i32 to vector<16xi32>
      %ge3A_547 = arith.cmpi sge, %shift_right_arithmetic3A_545, %ge3A_546 : vector<16xi32>
      %lt3A = arith.constant 10240 : i32
      %lt3A_548 = vector.broadcast %lt3A : i32 to vector<16xi32>
      %lt3A_549 = arith.cmpi slt, %shift_right_arithmetic3A_545, %lt3A_548 : vector<16xi32>
      %and3A_550 = arith.andi %ge3A_547, %lt3A_549 : vector<16xi1>
      %swap3A_551 = arith.index_cast %while3A_540 : i32 to index
      %swap3A_552 = tpu.vector_load %arg6[%swap3A_551] masked %and3A_550 {strides = array<i32>} : memref<16400xi32, #tpu.memory_space<vmem>>, vector<16xi32>, vector<16xi1>
      tpu.vector_store %arg6[%swap3A_551], %get3A_543 masked %and3A_550 {strides = array<i32>} : memref<16400xi32, #tpu.memory_space<vmem>>, vector<16xi32>, vector<16xi1>
      %all_reduce_population_count3A = tpu.all_reduce %and3A_550 {dim = 0 : i64, kind = #tpu.reduction_kind<sum>} : vector<16xi1> -> vector<16xi32>
      %slice3A = vector.extract_strided_slice %all_reduce_population_count3A {offsets = [0], sizes = [1], strides = [1]} : vector<16xi32> to vector<1xi32>
      %squeeze3A = vector.extract %slice3A[0] : i32 from vector<1xi32>
      %add3A_553 = arith.addi %while3A_540, %squeeze3A : i32
      scf.yield %add3A_553 : i32
    }
    %while3A_65 = arith.constant 1 : i32
    %while3A_66 = scf.for %while3A_539 = %while3A_62 to %while3A_58 step %while3A_65 iter_args(%while3A_540 = %while3A_64) -> (i32)  : i32 {
      %mul3A_541 = arith.constant 16 : i32
      %mul3A_542 = arith.muli %while3A_539, %mul3A_541 : i32
      %get3A = arith.index_cast %mul3A_542 : i32 to index
      %get3A_543 = tpu.vector_load %arg7[%get3A] {strides = array<i32>} : memref<16400xi32, #tpu.memory_space<vmem>>, vector<16xi32>,
      %shift_right_arithmetic3A = arith.constant 14 : i32
      %shift_right_arithmetic3A_544 = vector.broadcast %shift_right_arithmetic3A : i32 to vector<16xi32>
      %shift_right_arithmetic3A_545 = arith.shrsi %get3A_543, %shift_right_arithmetic3A_544 : vector<16xi32>
      %ge3A = arith.constant 5120 : i32
      %ge3A_546 = vector.broadcast %ge3A : i32 to vector<16xi32>
      %ge3A_547 = arith.cmpi sge, %shift_right_arithmetic3A_545, %ge3A_546 : vector<16xi32>
      %lt3A = arith.constant 10240 : i32
      %lt3A_548 = vector.broadcast %lt3A : i32 to vector<16xi32>
      %lt3A_549 = arith.cmpi slt, %shift_right_arithmetic3A_545, %lt3A_548 : vector<16xi32>
      %and3A_550 = arith.andi %ge3A_547, %lt3A_549 : vector<16xi1>
      %swap3A_551 = arith.index_cast %while3A_540 : i32 to index
      %swap3A_552 = tpu.vector_load %arg6[%swap3A_551] masked %and3A_550 {strides = array<i32>} : memref<16400xi32, #tpu.memory_space<vmem>>, vector<16xi32>, vector<16xi1>
      tpu.vector_store %arg6[%swap3A_551], %get3A_543 masked %and3A_550 {strides = array<i32>} : memref<16400xi32, #tpu.memory_space<vmem>>, vector<16xi32>, vector<16xi1>
      %all_reduce_population_count3A = tpu.all_reduce %and3A_550 {dim = 0 : i64, kind = #tpu.reduction_kind<sum>} : vector<16xi1> -> vector<16xi32>
      %slice3A = vector.extract_strided_slice %all_reduce_population_count3A {offsets = [0], sizes = [1], strides = [1]} : vector<16xi32> to vector<1xi32>
      %squeeze3A = vector.extract %slice3A[0] : i32 from vector<1xi32>
      %add3A_553 = arith.addi %while3A_540, %squeeze3A : i32
      scf.yield %add3A_553 : i32
    }
    %while3A_67 = arith.constant 0 : i32
    %while3A_68 = arith.subi %select_n3A, %while3A_67 : i32
    %while3A_69 = arith.addi %while3A_67, %while3A_68 : i32
    %while3A_70 = arith.constant 1 : i32
    %while3A_71 = arith.divsi %while3A_68, %while3A_70 : i32
    %while3A_72 = arith.muli %while3A_71, %while3A_70 : i32
    %while3A_73 = arith.addi %while3A_67, %while3A_72 : i32
    %while3A_74 = arith.constant 1 : i32
    %while3A_75 = scf.for %while3A_539 = %while3A_67 to %while3A_73 step %while3A_74 iter_args(%while3A_540 = %while3A_66) -> (i32)  : i32 {
      %mul3A_541 = arith.constant 16 : i32
      %mul3A_542 = arith.muli %while3A_539, %mul3A_541 : i32
      %get3A = arith.index_cast %mul3A_542 : i32 to index
      %get3A_543 = tpu.vector_load %arg7[%get3A] {strides = array<i32>} : memref<16400xi32, #tpu.memory_space<vmem>>, vector<16xi32>,
      %shift_right_arithmetic3A = arith.constant 14 : i32
      %shift_right_arithmetic3A_544 = vector.broadcast %shift_right_arithmetic3A : i32 to vector<16xi32>
      %shift_right_arithmetic3A_545 = arith.shrsi %get3A_543, %shift_right_arithmetic3A_544 : vector<16xi32>
      %ge3A = arith.constant 10240 : i32
      %ge3A_546 = vector.broadcast %ge3A : i32 to vector<16xi32>
      %ge3A_547 = arith.cmpi sge, %shift_right_arithmetic3A_545, %ge3A_546 : vector<16xi32>
      %lt3A = arith.constant 15360 : i32
      %lt3A_548 = vector.broadcast %lt3A : i32 to vector<16xi32>
      %lt3A_549 = arith.cmpi slt, %shift_right_arithmetic3A_545, %lt3A_548 : vector<16xi32>
      %and3A_550 = arith.andi %ge3A_547, %lt3A_549 : vector<16xi1>
      %swap3A_551 = arith.index_cast %while3A_540 : i32 to index
      %swap3A_552 = tpu.vector_load %arg6[%swap3A_551] masked %and3A_550 {strides = array<i32>} : memref<16400xi32, #tpu.memory_space<vmem>>, vector<16xi32>, vector<16xi1>
      tpu.vector_store %arg6[%swap3A_551], %get3A_543 masked %and3A_550 {strides = array<i32>} : memref<16400xi32, #tpu.memory_space<vmem>>, vector<16xi32>, vector<16xi1>
      %all_reduce_population_count3A = tpu.all_reduce %and3A_550 {dim = 0 : i64, kind = #tpu.reduction_kind<sum>} : vector<16xi1> -> vector<16xi32>
      %slice3A = vector.extract_strided_slice %all_reduce_population_count3A {offsets = [0], sizes = [1], strides = [1]} : vector<16xi32> to vector<1xi32>
      %squeeze3A = vector.extract %slice3A[0] : i32 from vector<1xi32>
      %add3A_553 = arith.addi %while3A_540, %squeeze3A : i32
      scf.yield %add3A_553 : i32
    }
    %while3A_76 = arith.constant 1 : i32
    %while3A_77 = scf.for %while3A_539 = %while3A_73 to %while3A_69 step %while3A_76 iter_args(%while3A_540 = %while3A_75) -> (i32)  : i32 {
      %mul3A_541 = arith.constant 16 : i32
      %mul3A_542 = arith.muli %while3A_539, %mul3A_541 : i32
      %get3A = arith.index_cast %mul3A_542 : i32 to index
      %get3A_543 = tpu.vector_load %arg7[%get3A] {strides = array<i32>} : memref<16400xi32, #tpu.memory_space<vmem>>, vector<16xi32>,
      %shift_right_arithmetic3A = arith.constant 14 : i32
      %shift_right_arithmetic3A_544 = vector.broadcast %shift_right_arithmetic3A : i32 to vector<16xi32>
      %shift_right_arithmetic3A_545 = arith.shrsi %get3A_543, %shift_right_arithmetic3A_544 : vector<16xi32>
      %ge3A = arith.constant 10240 : i32
      %ge3A_546 = vector.broadcast %ge3A : i32 to vector<16xi32>
      %ge3A_547 = arith.cmpi sge, %shift_right_arithmetic3A_545, %ge3A_546 : vector<16xi32>
      %lt3A = arith.constant 15360 : i32
      %lt3A_548 = vector.broadcast %lt3A : i32 to vector<16xi32>
      %lt3A_549 = arith.cmpi slt, %shift_right_arithmetic3A_545, %lt3A_548 : vector<16xi32>
      %and3A_550 = arith.andi %ge3A_547, %lt3A_549 : vector<16xi1>
      %swap3A_551 = arith.index_cast %while3A_540 : i32 to index
      %swap3A_552 = tpu.vector_load %arg6[%swap3A_551] masked %and3A_550 {strides = array<i32>} : memref<16400xi32, #tpu.memory_space<vmem>>, vector<16xi32>, vector<16xi1>
      tpu.vector_store %arg6[%swap3A_551], %get3A_543 masked %and3A_550 {strides = array<i32>} : memref<16400xi32, #tpu.memory_space<vmem>>, vector<16xi32>, vector<16xi1>
      %all_reduce_population_count3A = tpu.all_reduce %and3A_550 {dim = 0 : i64, kind = #tpu.reduction_kind<sum>} : vector<16xi1> -> vector<16xi32>
      %slice3A = vector.extract_strided_slice %all_reduce_population_count3A {offsets = [0], sizes = [1], strides = [1]} : vector<16xi32> to vector<1xi32>
      %squeeze3A = vector.extract %slice3A[0] : i32 from vector<1xi32>
      %add3A_553 = arith.addi %while3A_540, %squeeze3A : i32
      scf.yield %add3A_553 : i32
    }
    %while3A_78 = arith.constant 0 : i32
    %while3A_79 = arith.subi %select_n3A, %while3A_78 : i32
    %while3A_80 = arith.addi %while3A_78, %while3A_79 : i32
    %while3A_81 = arith.constant 1 : i32
    %while3A_82 = arith.divsi %while3A_79, %while3A_81 : i32
    %while3A_83 = arith.muli %while3A_82, %while3A_81 : i32
    %while3A_84 = arith.addi %while3A_78, %while3A_83 : i32
    %while3A_85 = arith.constant 1 : i32
    %while3A_86 = scf.for %while3A_539 = %while3A_78 to %while3A_84 step %while3A_85 iter_args(%while3A_540 = %while3A_77) -> (i32)  : i32 {
      %mul3A_541 = arith.constant 16 : i32
      %mul3A_542 = arith.muli %while3A_539, %mul3A_541 : i32
      %get3A = arith.index_cast %mul3A_542 : i32 to index
      %get3A_543 = tpu.vector_load %arg7[%get3A] {strides = array<i32>} : memref<16400xi32, #tpu.memory_space<vmem>>, vector<16xi32>,
      %shift_right_arithmetic3A = arith.constant 14 : i32
      %shift_right_arithmetic3A_544 = vector.broadcast %shift_right_arithmetic3A : i32 to vector<16xi32>
      %shift_right_arithmetic3A_545 = arith.shrsi %get3A_543, %shift_right_arithmetic3A_544 : vector<16xi32>
      %ge3A = arith.constant 15360 : i32
      %ge3A_546 = vector.broadcast %ge3A : i32 to vector<16xi32>
      %ge3A_547 = arith.cmpi sge, %shift_right_arithmetic3A_545, %ge3A_546 : vector<16xi32>
      %lt3A = arith.constant 20480 : i32
      %lt3A_548 = vector.broadcast %lt3A : i32 to vector<16xi32>
      %lt3A_549 = arith.cmpi slt, %shift_right_arithmetic3A_545, %lt3A_548 : vector<16xi32>
      %and3A_550 = arith.andi %ge3A_547, %lt3A_549 : vector<16xi1>
      %swap3A_551 = arith.index_cast %while3A_540 : i32 to index
      %swap3A_552 = tpu.vector_load %arg6[%swap3A_551] masked %and3A_550 {strides = array<i32>} : memref<16400xi32, #tpu.memory_space<vmem>>, vector<16xi32>, vector<16xi1>
      tpu.vector_store %arg6[%swap3A_551], %get3A_543 masked %and3A_550 {strides = array<i32>} : memref<16400xi32, #tpu.memory_space<vmem>>, vector<16xi32>, vector<16xi1>
      %all_reduce_population_count3A = tpu.all_reduce %and3A_550 {dim = 0 : i64, kind = #tpu.reduction_kind<sum>} : vector<16xi1> -> vector<16xi32>
      %slice3A = vector.extract_strided_slice %all_reduce_population_count3A {offsets = [0], sizes = [1], strides = [1]} : vector<16xi32> to vector<1xi32>
      %squeeze3A = vector.extract %slice3A[0] : i32 from vector<1xi32>
      %add3A_553 = arith.addi %while3A_540, %squeeze3A : i32
      scf.yield %add3A_553 : i32
    }
    %while3A_87 = arith.constant 1 : i32
    %while3A_88 = scf.for %while3A_539 = %while3A_84 to %while3A_80 step %while3A_87 iter_args(%while3A_540 = %while3A_86) -> (i32)  : i32 {
      %mul3A_541 = arith.constant 16 : i32
      %mul3A_542 = arith.muli %while3A_539, %mul3A_541 : i32
      %get3A = arith.index_cast %mul3A_542 : i32 to index
      %get3A_543 = tpu.vector_load %arg7[%get3A] {strides = array<i32>} : memref<16400xi32, #tpu.memory_space<vmem>>, vector<16xi32>,
      %shift_right_arithmetic3A = arith.constant 14 : i32
      %shift_right_arithmetic3A_544 = vector.broadcast %shift_right_arithmetic3A : i32 to vector<16xi32>
      %shift_right_arithmetic3A_545 = arith.shrsi %get3A_543, %shift_right_arithmetic3A_544 : vector<16xi32>
      %ge3A = arith.constant 15360 : i32
      %ge3A_546 = vector.broadcast %ge3A : i32 to vector<16xi32>
      %ge3A_547 = arith.cmpi sge, %shift_right_arithmetic3A_545, %ge3A_546 : vector<16xi32>
      %lt3A = arith.constant 20480 : i32
      %lt3A_548 = vector.broadcast %lt3A : i32 to vector<16xi32>
      %lt3A_549 = arith.cmpi slt, %shift_right_arithmetic3A_545, %lt3A_548 : vector<16xi32>
      %and3A_550 = arith.andi %ge3A_547, %lt3A_549 : vector<16xi1>
      %swap3A_551 = arith.index_cast %while3A_540 : i32 to index
      %swap3A_552 = tpu.vector_load %arg6[%swap3A_551] masked %and3A_550 {strides = array<i32>} : memref<16400xi32, #tpu.memory_space<vmem>>, vector<16xi32>, vector<16xi1>
      tpu.vector_store %arg6[%swap3A_551], %get3A_543 masked %and3A_550 {strides = array<i32>} : memref<16400xi32, #tpu.memory_space<vmem>>, vector<16xi32>, vector<16xi1>
      %all_reduce_population_count3A = tpu.all_reduce %and3A_550 {dim = 0 : i64, kind = #tpu.reduction_kind<sum>} : vector<16xi1> -> vector<16xi32>
      %slice3A = vector.extract_strided_slice %all_reduce_population_count3A {offsets = [0], sizes = [1], strides = [1]} : vector<16xi32> to vector<1xi32>
      %squeeze3A = vector.extract %slice3A[0] : i32 from vector<1xi32>
      %add3A_553 = arith.addi %while3A_540, %squeeze3A : i32
      scf.yield %add3A_553 : i32
    }
    %while3A_89 = arith.constant 0 : i32
    %while3A_90 = arith.subi %select_n3A, %while3A_89 : i32
    %while3A_91 = arith.addi %while3A_89, %while3A_90 : i32
    %while3A_92 = arith.constant 1 : i32
    %while3A_93 = arith.divsi %while3A_90, %while3A_92 : i32
    %while3A_94 = arith.muli %while3A_93, %while3A_92 : i32
    %while3A_95 = arith.addi %while3A_89, %while3A_94 : i32
    %while3A_96 = arith.constant 1 : i32
    %while3A_97 = scf.for %while3A_539 = %while3A_89 to %while3A_95 step %while3A_96 iter_args(%while3A_540 = %while3A_88) -> (i32)  : i32 {
      %mul3A_541 = arith.constant 16 : i32
      %mul3A_542 = arith.muli %while3A_539, %mul3A_541 : i32
      %get3A = arith.index_cast %mul3A_542 : i32 to index
      %get3A_543 = tpu.vector_load %arg7[%get3A] {strides = array<i32>} : memref<16400xi32, #tpu.memory_space<vmem>>, vector<16xi32>,
      %shift_right_arithmetic3A = arith.constant 14 : i32
      %shift_right_arithmetic3A_544 = vector.broadcast %shift_right_arithmetic3A : i32 to vector<16xi32>
      %shift_right_arithmetic3A_545 = arith.shrsi %get3A_543, %shift_right_arithmetic3A_544 : vector<16xi32>
      %ge3A = arith.constant 20480 : i32
      %ge3A_546 = vector.broadcast %ge3A : i32 to vector<16xi32>
      %ge3A_547 = arith.cmpi sge, %shift_right_arithmetic3A_545, %ge3A_546 : vector<16xi32>
      %lt3A = arith.constant 25600 : i32
      %lt3A_548 = vector.broadcast %lt3A : i32 to vector<16xi32>
      %lt3A_549 = arith.cmpi slt, %shift_right_arithmetic3A_545, %lt3A_548 : vector<16xi32>
      %and3A_550 = arith.andi %ge3A_547, %lt3A_549 : vector<16xi1>
      %swap3A_551 = arith.index_cast %while3A_540 : i32 to index
      %swap3A_552 = tpu.vector_load %arg6[%swap3A_551] masked %and3A_550 {strides = array<i32>} : memref<16400xi32, #tpu.memory_space<vmem>>, vector<16xi32>, vector<16xi1>
      tpu.vector_store %arg6[%swap3A_551], %get3A_543 masked %and3A_550 {strides = array<i32>} : memref<16400xi32, #tpu.memory_space<vmem>>, vector<16xi32>, vector<16xi1>
      %all_reduce_population_count3A = tpu.all_reduce %and3A_550 {dim = 0 : i64, kind = #tpu.reduction_kind<sum>} : vector<16xi1> -> vector<16xi32>
      %slice3A = vector.extract_strided_slice %all_reduce_population_count3A {offsets = [0], sizes = [1], strides = [1]} : vector<16xi32> to vector<1xi32>
      %squeeze3A = vector.extract %slice3A[0] : i32 from vector<1xi32>
      %add3A_553 = arith.addi %while3A_540, %squeeze3A : i32
      scf.yield %add3A_553 : i32
    }
    %while3A_98 = arith.constant 1 : i32
    %while3A_99 = scf.for %while3A_539 = %while3A_95 to %while3A_91 step %while3A_98 iter_args(%while3A_540 = %while3A_97) -> (i32)  : i32 {
      %mul3A_541 = arith.constant 16 : i32
      %mul3A_542 = arith.muli %while3A_539, %mul3A_541 : i32
      %get3A = arith.index_cast %mul3A_542 : i32 to index
      %get3A_543 = tpu.vector_load %arg7[%get3A] {strides = array<i32>} : memref<16400xi32, #tpu.memory_space<vmem>>, vector<16xi32>,
      %shift_right_arithmetic3A = arith.constant 14 : i32
      %shift_right_arithmetic3A_544 = vector.broadcast %shift_right_arithmetic3A : i32 to vector<16xi32>
      %shift_right_arithmetic3A_545 = arith.shrsi %get3A_543, %shift_right_arithmetic3A_544 : vector<16xi32>
      %ge3A = arith.constant 20480 : i32
      %ge3A_546 = vector.broadcast %ge3A : i32 to vector<16xi32>
      %ge3A_547 = arith.cmpi sge, %shift_right_arithmetic3A_545, %ge3A_546 : vector<16xi32>
      %lt3A = arith.constant 25600 : i32
      %lt3A_548 = vector.broadcast %lt3A : i32 to vector<16xi32>
      %lt3A_549 = arith.cmpi slt, %shift_right_arithmetic3A_545, %lt3A_548 : vector<16xi32>
      %and3A_550 = arith.andi %ge3A_547, %lt3A_549 : vector<16xi1>
      %swap3A_551 = arith.index_cast %while3A_540 : i32 to index
      %swap3A_552 = tpu.vector_load %arg6[%swap3A_551] masked %and3A_550 {strides = array<i32>} : memref<16400xi32, #tpu.memory_space<vmem>>, vector<16xi32>, vector<16xi1>
      tpu.vector_store %arg6[%swap3A_551], %get3A_543 masked %and3A_550 {strides = array<i32>} : memref<16400xi32, #tpu.memory_space<vmem>>, vector<16xi32>, vector<16xi1>
      %all_reduce_population_count3A = tpu.all_reduce %and3A_550 {dim = 0 : i64, kind = #tpu.reduction_kind<sum>} : vector<16xi1> -> vector<16xi32>
      %slice3A = vector.extract_strided_slice %all_reduce_population_count3A {offsets = [0], sizes = [1], strides = [1]} : vector<16xi32> to vector<1xi32>
      %squeeze3A = vector.extract %slice3A[0] : i32 from vector<1xi32>
      %add3A_553 = arith.addi %while3A_540, %squeeze3A : i32
      scf.yield %add3A_553 : i32
    }
    %while3A_100 = arith.constant 0 : i32
    %while3A_101 = arith.subi %select_n3A, %while3A_100 : i32
    %while3A_102 = arith.addi %while3A_100, %while3A_101 : i32
    %while3A_103 = arith.constant 1 : i32
    %while3A_104 = arith.divsi %while3A_101, %while3A_103 : i32
    %while3A_105 = arith.muli %while3A_104, %while3A_103 : i32
    %while3A_106 = arith.addi %while3A_100, %while3A_105 : i32
    %while3A_107 = arith.constant 1 : i32
    %while3A_108 = scf.for %while3A_539 = %while3A_100 to %while3A_106 step %while3A_107 iter_args(%while3A_540 = %while3A_99) -> (i32)  : i32 {
      %mul3A_541 = arith.constant 16 : i32
      %mul3A_542 = arith.muli %while3A_539, %mul3A_541 : i32
      %get3A = arith.index_cast %mul3A_542 : i32 to index
      %get3A_543 = tpu.vector_load %arg7[%get3A] {strides = array<i32>} : memref<16400xi32, #tpu.memory_space<vmem>>, vector<16xi32>,
      %shift_right_arithmetic3A = arith.constant 14 : i32
      %shift_right_arithmetic3A_544 = vector.broadcast %shift_right_arithmetic3A : i32 to vector<16xi32>
      %shift_right_arithmetic3A_545 = arith.shrsi %get3A_543, %shift_right_arithmetic3A_544 : vector<16xi32>
      %ge3A = arith.constant 25600 : i32
      %ge3A_546 = vector.broadcast %ge3A : i32 to vector<16xi32>
      %ge3A_547 = arith.cmpi sge, %shift_right_arithmetic3A_545, %ge3A_546 : vector<16xi32>
      %lt3A = arith.constant 30720 : i32
      %lt3A_548 = vector.broadcast %lt3A : i32 to vector<16xi32>
      %lt3A_549 = arith.cmpi slt, %shift_right_arithmetic3A_545, %lt3A_548 : vector<16xi32>
      %and3A_550 = arith.andi %ge3A_547, %lt3A_549 : vector<16xi1>
      %swap3A_551 = arith.index_cast %while3A_540 : i32 to index
      %swap3A_552 = tpu.vector_load %arg6[%swap3A_551] masked %and3A_550 {strides = array<i32>} : memref<16400xi32, #tpu.memory_space<vmem>>, vector<16xi32>, vector<16xi1>
      tpu.vector_store %arg6[%swap3A_551], %get3A_543 masked %and3A_550 {strides = array<i32>} : memref<16400xi32, #tpu.memory_space<vmem>>, vector<16xi32>, vector<16xi1>
      %all_reduce_population_count3A = tpu.all_reduce %and3A_550 {dim = 0 : i64, kind = #tpu.reduction_kind<sum>} : vector<16xi1> -> vector<16xi32>
      %slice3A = vector.extract_strided_slice %all_reduce_population_count3A {offsets = [0], sizes = [1], strides = [1]} : vector<16xi32> to vector<1xi32>
      %squeeze3A = vector.extract %slice3A[0] : i32 from vector<1xi32>
      %add3A_553 = arith.addi %while3A_540, %squeeze3A : i32
      scf.yield %add3A_553 : i32
    }
    %while3A_109 = arith.constant 1 : i32
    %while3A_110 = scf.for %while3A_539 = %while3A_106 to %while3A_102 step %while3A_109 iter_args(%while3A_540 = %while3A_108) -> (i32)  : i32 {
      %mul3A_541 = arith.constant 16 : i32
      %mul3A_542 = arith.muli %while3A_539, %mul3A_541 : i32
      %get3A = arith.index_cast %mul3A_542 : i32 to index
      %get3A_543 = tpu.vector_load %arg7[%get3A] {strides = array<i32>} : memref<16400xi32, #tpu.memory_space<vmem>>, vector<16xi32>,
      %shift_right_arithmetic3A = arith.constant 14 : i32
      %shift_right_arithmetic3A_544 = vector.broadcast %shift_right_arithmetic3A : i32 to vector<16xi32>
      %shift_right_arithmetic3A_545 = arith.shrsi %get3A_543, %shift_right_arithmetic3A_544 : vector<16xi32>
      %ge3A = arith.constant 25600 : i32
      %ge3A_546 = vector.broadcast %ge3A : i32 to vector<16xi32>
      %ge3A_547 = arith.cmpi sge, %shift_right_arithmetic3A_545, %ge3A_546 : vector<16xi32>
      %lt3A = arith.constant 30720 : i32
      %lt3A_548 = vector.broadcast %lt3A : i32 to vector<16xi32>
      %lt3A_549 = arith.cmpi slt, %shift_right_arithmetic3A_545, %lt3A_548 : vector<16xi32>
      %and3A_550 = arith.andi %ge3A_547, %lt3A_549 : vector<16xi1>
      %swap3A_551 = arith.index_cast %while3A_540 : i32 to index
      %swap3A_552 = tpu.vector_load %arg6[%swap3A_551] masked %and3A_550 {strides = array<i32>} : memref<16400xi32, #tpu.memory_space<vmem>>, vector<16xi32>, vector<16xi1>
      tpu.vector_store %arg6[%swap3A_551], %get3A_543 masked %and3A_550 {strides = array<i32>} : memref<16400xi32, #tpu.memory_space<vmem>>, vector<16xi32>, vector<16xi1>
      %all_reduce_population_count3A = tpu.all_reduce %and3A_550 {dim = 0 : i64, kind = #tpu.reduction_kind<sum>} : vector<16xi1> -> vector<16xi32>
      %slice3A = vector.extract_strided_slice %all_reduce_population_count3A {offsets = [0], sizes = [1], strides = [1]} : vector<16xi32> to vector<1xi32>
      %squeeze3A = vector.extract %slice3A[0] : i32 from vector<1xi32>
      %add3A_553 = arith.addi %while3A_540, %squeeze3A : i32
      scf.yield %add3A_553 : i32
    }
    %while3A_111 = arith.constant 0 : i32
    %while3A_112 = arith.subi %select_n3A, %while3A_111 : i32
    %while3A_113 = arith.addi %while3A_111, %while3A_112 : i32
    %while3A_114 = arith.constant 1 : i32
    %while3A_115 = arith.divsi %while3A_112, %while3A_114 : i32
    %while3A_116 = arith.muli %while3A_115, %while3A_114 : i32
    %while3A_117 = arith.addi %while3A_111, %while3A_116 : i32
    %while3A_118 = arith.constant 1 : i32
    %while3A_119 = scf.for %while3A_539 = %while3A_111 to %while3A_117 step %while3A_118 iter_args(%while3A_540 = %while3A_110) -> (i32)  : i32 {
      %mul3A_541 = arith.constant 16 : i32
      %mul3A_542 = arith.muli %while3A_539, %mul3A_541 : i32
      %get3A = arith.index_cast %mul3A_542 : i32 to index
      %get3A_543 = tpu.vector_load %arg7[%get3A] {strides = array<i32>} : memref<16400xi32, #tpu.memory_space<vmem>>, vector<16xi32>,
      %shift_right_arithmetic3A = arith.constant 14 : i32
      %shift_right_arithmetic3A_544 = vector.broadcast %shift_right_arithmetic3A : i32 to vector<16xi32>
      %shift_right_arithmetic3A_545 = arith.shrsi %get3A_543, %shift_right_arithmetic3A_544 : vector<16xi32>
      %ge3A = arith.constant 30720 : i32
      %ge3A_546 = vector.broadcast %ge3A : i32 to vector<16xi32>
      %ge3A_547 = arith.cmpi sge, %shift_right_arithmetic3A_545, %ge3A_546 : vector<16xi32>
      %lt3A = arith.constant 35840 : i32
      %lt3A_548 = vector.broadcast %lt3A : i32 to vector<16xi32>
      %lt3A_549 = arith.cmpi slt, %shift_right_arithmetic3A_545, %lt3A_548 : vector<16xi32>
      %and3A_550 = arith.andi %ge3A_547, %lt3A_549 : vector<16xi1>
      %swap3A_551 = arith.index_cast %while3A_540 : i32 to index
      %swap3A_552 = tpu.vector_load %arg6[%swap3A_551] masked %and3A_550 {strides = array<i32>} : memref<16400xi32, #tpu.memory_space<vmem>>, vector<16xi32>, vector<16xi1>
      tpu.vector_store %arg6[%swap3A_551], %get3A_543 masked %and3A_550 {strides = array<i32>} : memref<16400xi32, #tpu.memory_space<vmem>>, vector<16xi32>, vector<16xi1>
      %all_reduce_population_count3A = tpu.all_reduce %and3A_550 {dim = 0 : i64, kind = #tpu.reduction_kind<sum>} : vector<16xi1> -> vector<16xi32>
      %slice3A = vector.extract_strided_slice %all_reduce_population_count3A {offsets = [0], sizes = [1], strides = [1]} : vector<16xi32> to vector<1xi32>
      %squeeze3A = vector.extract %slice3A[0] : i32 from vector<1xi32>
      %add3A_553 = arith.addi %while3A_540, %squeeze3A : i32
      scf.yield %add3A_553 : i32
    }
    %while3A_120 = arith.constant 1 : i32
    %while3A_121 = scf.for %while3A_539 = %while3A_117 to %while3A_113 step %while3A_120 iter_args(%while3A_540 = %while3A_119) -> (i32)  : i32 {
      %mul3A_541 = arith.constant 16 : i32
      %mul3A_542 = arith.muli %while3A_539, %mul3A_541 : i32
      %get3A = arith.index_cast %mul3A_542 : i32 to index
      %get3A_543 = tpu.vector_load %arg7[%get3A] {strides = array<i32>} : memref<16400xi32, #tpu.memory_space<vmem>>, vector<16xi32>,
      %shift_right_arithmetic3A = arith.constant 14 : i32
      %shift_right_arithmetic3A_544 = vector.broadcast %shift_right_arithmetic3A : i32 to vector<16xi32>
      %shift_right_arithmetic3A_545 = arith.shrsi %get3A_543, %shift_right_arithmetic3A_544 : vector<16xi32>
      %ge3A = arith.constant 30720 : i32
      %ge3A_546 = vector.broadcast %ge3A : i32 to vector<16xi32>
      %ge3A_547 = arith.cmpi sge, %shift_right_arithmetic3A_545, %ge3A_546 : vector<16xi32>
      %lt3A = arith.constant 35840 : i32
      %lt3A_548 = vector.broadcast %lt3A : i32 to vector<16xi32>
      %lt3A_549 = arith.cmpi slt, %shift_right_arithmetic3A_545, %lt3A_548 : vector<16xi32>
      %and3A_550 = arith.andi %ge3A_547, %lt3A_549 : vector<16xi1>
      %swap3A_551 = arith.index_cast %while3A_540 : i32 to index
      %swap3A_552 = tpu.vector_load %arg6[%swap3A_551] masked %and3A_550 {strides = array<i32>} : memref<16400xi32, #tpu.memory_space<vmem>>, vector<16xi32>, vector<16xi1>
      tpu.vector_store %arg6[%swap3A_551], %get3A_543 masked %and3A_550 {strides = array<i32>} : memref<16400xi32, #tpu.memory_space<vmem>>, vector<16xi32>, vector<16xi1>
      %all_reduce_population_count3A = tpu.all_reduce %and3A_550 {dim = 0 : i64, kind = #tpu.reduction_kind<sum>} : vector<16xi1> -> vector<16xi32>
      %slice3A = vector.extract_strided_slice %all_reduce_population_count3A {offsets = [0], sizes = [1], strides = [1]} : vector<16xi32> to vector<1xi32>
      %squeeze3A = vector.extract %slice3A[0] : i32 from vector<1xi32>
      %add3A_553 = arith.addi %while3A_540, %squeeze3A : i32
      scf.yield %add3A_553 : i32
    }
    %while3A_122 = arith.constant 0 : i32
    %while3A_123 = arith.subi %select_n3A, %while3A_122 : i32
    %while3A_124 = arith.addi %while3A_122, %while3A_123 : i32
    %while3A_125 = arith.constant 1 : i32
    %while3A_126 = arith.divsi %while3A_123, %while3A_125 : i32
    %while3A_127 = arith.muli %while3A_126, %while3A_125 : i32
    %while3A_128 = arith.addi %while3A_122, %while3A_127 : i32
    %while3A_129 = arith.constant 1 : i32
    %while3A_130 = scf.for %while3A_539 = %while3A_122 to %while3A_128 step %while3A_129 iter_args(%while3A_540 = %while3A_121) -> (i32)  : i32 {
      %mul3A_541 = arith.constant 16 : i32
      %mul3A_542 = arith.muli %while3A_539, %mul3A_541 : i32
      %get3A = arith.index_cast %mul3A_542 : i32 to index
      %get3A_543 = tpu.vector_load %arg7[%get3A] {strides = array<i32>} : memref<16400xi32, #tpu.memory_space<vmem>>, vector<16xi32>,
      %shift_right_arithmetic3A = arith.constant 14 : i32
      %shift_right_arithmetic3A_544 = vector.broadcast %shift_right_arithmetic3A : i32 to vector<16xi32>
      %shift_right_arithmetic3A_545 = arith.shrsi %get3A_543, %shift_right_arithmetic3A_544 : vector<16xi32>
      %ge3A = arith.constant 35840 : i32
      %ge3A_546 = vector.broadcast %ge3A : i32 to vector<16xi32>
      %ge3A_547 = arith.cmpi sge, %shift_right_arithmetic3A_545, %ge3A_546 : vector<16xi32>
      %lt3A = arith.constant 40960 : i32
      %lt3A_548 = vector.broadcast %lt3A : i32 to vector<16xi32>
      %lt3A_549 = arith.cmpi slt, %shift_right_arithmetic3A_545, %lt3A_548 : vector<16xi32>
      %and3A_550 = arith.andi %ge3A_547, %lt3A_549 : vector<16xi1>
      %swap3A_551 = arith.index_cast %while3A_540 : i32 to index
      %swap3A_552 = tpu.vector_load %arg6[%swap3A_551] masked %and3A_550 {strides = array<i32>} : memref<16400xi32, #tpu.memory_space<vmem>>, vector<16xi32>, vector<16xi1>
      tpu.vector_store %arg6[%swap3A_551], %get3A_543 masked %and3A_550 {strides = array<i32>} : memref<16400xi32, #tpu.memory_space<vmem>>, vector<16xi32>, vector<16xi1>
      %all_reduce_population_count3A = tpu.all_reduce %and3A_550 {dim = 0 : i64, kind = #tpu.reduction_kind<sum>} : vector<16xi1> -> vector<16xi32>
      %slice3A = vector.extract_strided_slice %all_reduce_population_count3A {offsets = [0], sizes = [1], strides = [1]} : vector<16xi32> to vector<1xi32>
      %squeeze3A = vector.extract %slice3A[0] : i32 from vector<1xi32>
      %add3A_553 = arith.addi %while3A_540, %squeeze3A : i32
      scf.yield %add3A_553 : i32
    }
    %while3A_131 = arith.constant 1 : i32
    %while3A_132 = scf.for %while3A_539 = %while3A_128 to %while3A_124 step %while3A_131 iter_args(%while3A_540 = %while3A_130) -> (i32)  : i32 {
      %mul3A_541 = arith.constant 16 : i32
      %mul3A_542 = arith.muli %while3A_539, %mul3A_541 : i32
      %get3A = arith.index_cast %mul3A_542 : i32 to index
      %get3A_543 = tpu.vector_load %arg7[%get3A] {strides = array<i32>} : memref<16400xi32, #tpu.memory_space<vmem>>, vector<16xi32>,
      %shift_right_arithmetic3A = arith.constant 14 : i32
      %shift_right_arithmetic3A_544 = vector.broadcast %shift_right_arithmetic3A : i32 to vector<16xi32>
      %shift_right_arithmetic3A_545 = arith.shrsi %get3A_543, %shift_right_arithmetic3A_544 : vector<16xi32>
      %ge3A = arith.constant 35840 : i32
      %ge3A_546 = vector.broadcast %ge3A : i32 to vector<16xi32>
      %ge3A_547 = arith.cmpi sge, %shift_right_arithmetic3A_545, %ge3A_546 : vector<16xi32>
      %lt3A = arith.constant 40960 : i32
      %lt3A_548 = vector.broadcast %lt3A : i32 to vector<16xi32>
      %lt3A_549 = arith.cmpi slt, %shift_right_arithmetic3A_545, %lt3A_548 : vector<16xi32>
      %and3A_550 = arith.andi %ge3A_547, %lt3A_549 : vector<16xi1>
      %swap3A_551 = arith.index_cast %while3A_540 : i32 to index
      %swap3A_552 = tpu.vector_load %arg6[%swap3A_551] masked %and3A_550 {strides = array<i32>} : memref<16400xi32, #tpu.memory_space<vmem>>, vector<16xi32>, vector<16xi1>
      tpu.vector_store %arg6[%swap3A_551], %get3A_543 masked %and3A_550 {strides = array<i32>} : memref<16400xi32, #tpu.memory_space<vmem>>, vector<16xi32>, vector<16xi1>
      %all_reduce_population_count3A = tpu.all_reduce %and3A_550 {dim = 0 : i64, kind = #tpu.reduction_kind<sum>} : vector<16xi1> -> vector<16xi32>
      %slice3A = vector.extract_strided_slice %all_reduce_population_count3A {offsets = [0], sizes = [1], strides = [1]} : vector<16xi32> to vector<1xi32>
      %squeeze3A = vector.extract %slice3A[0] : i32 from vector<1xi32>
      %add3A_553 = arith.addi %while3A_540, %squeeze3A : i32
      scf.yield %add3A_553 : i32
    }
    %broadcast_in_dim3A_133 = arith.constant -1 : i32
    %broadcast_in_dim3A_134 = vector.broadcast %broadcast_in_dim3A_133 : i32 to vector<16xi32>
    %swap3A_135 = arith.index_cast %while3A_132 : i32 to index
    %swap3A_136 = tpu.vector_load %arg6[%swap3A_135] {strides = array<i32>} : memref<16400xi32, #tpu.memory_space<vmem>>, vector<16xi32>,
    tpu.vector_store %arg6[%swap3A_135], %broadcast_in_dim3A_134 {strides = array<i32>} : memref<16400xi32, #tpu.memory_space<vmem>>, vector<16xi32>,
    %broadcast_in_dim3A_137 = arith.constant 0 : i32
    %broadcast_in_dim3A_138 = vector.broadcast %broadcast_in_dim3A_137 : i32 to vector<16xi32>
    %broadcast_in_dim3A_139 = arith.constant 0 : i32
    %broadcast_in_dim3A_140 = vector.broadcast %broadcast_in_dim3A_139 : i32 to vector<16xi32>
    %iota3A_141 = tpu.iota {dimensions = array<i32: 0>} : vector<16xi32>
    %eq3A = arith.constant 0 : i32
    %eq3A_142 = vector.broadcast %eq3A : i32 to vector<16xi32>
    %eq3A_143 = arith.cmpi eq, %iota3A_141, %eq3A_142 : vector<16xi32>
    %jit3A_144 = arith.constant 0 : i32
    %broadcast_in_dim3A_145 = vector.broadcast %jit3A_144 : i32 to vector<16xi32>
    %select_n3A_146 = arith.select %eq3A_143, %broadcast_in_dim3A_145, %broadcast_in_dim3A_138 : vector<16xi1>, vector<16xi32>
    %iota3A_147 = tpu.iota {dimensions = array<i32: 0>} : vector<16xi32>
    %eq3A_148 = arith.constant 0 : i32
    %eq3A_149 = vector.broadcast %eq3A_148 : i32 to vector<16xi32>
    %eq3A_150 = arith.cmpi eq, %iota3A_147, %eq3A_149 : vector<16xi32>
    %broadcast_in_dim3A_151 = vector.broadcast %while3A_55 : i32 to vector<16xi32>
    %select_n3A_152 = arith.select %eq3A_150, %broadcast_in_dim3A_151, %broadcast_in_dim3A_140 : vector<16xi1>, vector<16xi32>
    %iota3A_153 = tpu.iota {dimensions = array<i32: 0>} : vector<16xi32>
    %eq3A_154 = arith.constant 1 : i32
    %eq3A_155 = vector.broadcast %eq3A_154 : i32 to vector<16xi32>
    %eq3A_156 = arith.cmpi eq, %iota3A_153, %eq3A_155 : vector<16xi32>
    %broadcast_in_dim3A_157 = vector.broadcast %while3A_55 : i32 to vector<16xi32>
    %select_n3A_158 = arith.select %eq3A_156, %broadcast_in_dim3A_157, %select_n3A_146 : vector<16xi1>, vector<16xi32>
    %iota3A_159 = tpu.iota {dimensions = array<i32: 0>} : vector<16xi32>
    %eq3A_160 = arith.constant 1 : i32
    %eq3A_161 = vector.broadcast %eq3A_160 : i32 to vector<16xi32>
    %eq3A_162 = arith.cmpi eq, %iota3A_159, %eq3A_161 : vector<16xi32>
    %broadcast_in_dim3A_163 = vector.broadcast %while3A_66 : i32 to vector<16xi32>
    %select_n3A_164 = arith.select %eq3A_162, %broadcast_in_dim3A_163, %select_n3A_152 : vector<16xi1>, vector<16xi32>
    %iota3A_165 = tpu.iota {dimensions = array<i32: 0>} : vector<16xi32>
    %eq3A_166 = arith.constant 2 : i32
    %eq3A_167 = vector.broadcast %eq3A_166 : i32 to vector<16xi32>
    %eq3A_168 = arith.cmpi eq, %iota3A_165, %eq3A_167 : vector<16xi32>
    %broadcast_in_dim3A_169 = vector.broadcast %while3A_66 : i32 to vector<16xi32>
    %select_n3A_170 = arith.select %eq3A_168, %broadcast_in_dim3A_169, %select_n3A_158 : vector<16xi1>, vector<16xi32>
    %iota3A_171 = tpu.iota {dimensions = array<i32: 0>} : vector<16xi32>
    %eq3A_172 = arith.constant 2 : i32
    %eq3A_173 = vector.broadcast %eq3A_172 : i32 to vector<16xi32>
    %eq3A_174 = arith.cmpi eq, %iota3A_171, %eq3A_173 : vector<16xi32>
    %broadcast_in_dim3A_175 = vector.broadcast %while3A_77 : i32 to vector<16xi32>
    %select_n3A_176 = arith.select %eq3A_174, %broadcast_in_dim3A_175, %select_n3A_164 : vector<16xi1>, vector<16xi32>
    %iota3A_177 = tpu.iota {dimensions = array<i32: 0>} : vector<16xi32>
    %eq3A_178 = arith.constant 3 : i32
    %eq3A_179 = vector.broadcast %eq3A_178 : i32 to vector<16xi32>
    %eq3A_180 = arith.cmpi eq, %iota3A_177, %eq3A_179 : vector<16xi32>
    %broadcast_in_dim3A_181 = vector.broadcast %while3A_77 : i32 to vector<16xi32>
    %select_n3A_182 = arith.select %eq3A_180, %broadcast_in_dim3A_181, %select_n3A_170 : vector<16xi1>, vector<16xi32>
    %iota3A_183 = tpu.iota {dimensions = array<i32: 0>} : vector<16xi32>
    %eq3A_184 = arith.constant 3 : i32
    %eq3A_185 = vector.broadcast %eq3A_184 : i32 to vector<16xi32>
    %eq3A_186 = arith.cmpi eq, %iota3A_183, %eq3A_185 : vector<16xi32>
    %broadcast_in_dim3A_187 = vector.broadcast %while3A_88 : i32 to vector<16xi32>
    %select_n3A_188 = arith.select %eq3A_186, %broadcast_in_dim3A_187, %select_n3A_176 : vector<16xi1>, vector<16xi32>
    %iota3A_189 = tpu.iota {dimensions = array<i32: 0>} : vector<16xi32>
    %eq3A_190 = arith.constant 4 : i32
    %eq3A_191 = vector.broadcast %eq3A_190 : i32 to vector<16xi32>
    %eq3A_192 = arith.cmpi eq, %iota3A_189, %eq3A_191 : vector<16xi32>
    %broadcast_in_dim3A_193 = vector.broadcast %while3A_88 : i32 to vector<16xi32>
    %select_n3A_194 = arith.select %eq3A_192, %broadcast_in_dim3A_193, %select_n3A_182 : vector<16xi1>, vector<16xi32>
    %iota3A_195 = tpu.iota {dimensions = array<i32: 0>} : vector<16xi32>
    %eq3A_196 = arith.constant 4 : i32
    %eq3A_197 = vector.broadcast %eq3A_196 : i32 to vector<16xi32>
    %eq3A_198 = arith.cmpi eq, %iota3A_195, %eq3A_197 : vector<16xi32>
    %broadcast_in_dim3A_199 = vector.broadcast %while3A_99 : i32 to vector<16xi32>
    %select_n3A_200 = arith.select %eq3A_198, %broadcast_in_dim3A_199, %select_n3A_188 : vector<16xi1>, vector<16xi32>
    %iota3A_201 = tpu.iota {dimensions = array<i32: 0>} : vector<16xi32>
    %eq3A_202 = arith.constant 5 : i32
    %eq3A_203 = vector.broadcast %eq3A_202 : i32 to vector<16xi32>
    %eq3A_204 = arith.cmpi eq, %iota3A_201, %eq3A_203 : vector<16xi32>
    %broadcast_in_dim3A_205 = vector.broadcast %while3A_99 : i32 to vector<16xi32>
    %select_n3A_206 = arith.select %eq3A_204, %broadcast_in_dim3A_205, %select_n3A_194 : vector<16xi1>, vector<16xi32>
    %iota3A_207 = tpu.iota {dimensions = array<i32: 0>} : vector<16xi32>
    %eq3A_208 = arith.constant 5 : i32
    %eq3A_209 = vector.broadcast %eq3A_208 : i32 to vector<16xi32>
    %eq3A_210 = arith.cmpi eq, %iota3A_207, %eq3A_209 : vector<16xi32>
    %broadcast_in_dim3A_211 = vector.broadcast %while3A_110 : i32 to vector<16xi32>
    %select_n3A_212 = arith.select %eq3A_210, %broadcast_in_dim3A_211, %select_n3A_200 : vector<16xi1>, vector<16xi32>
    %iota3A_213 = tpu.iota {dimensions = array<i32: 0>} : vector<16xi32>
    %eq3A_214 = arith.constant 6 : i32
    %eq3A_215 = vector.broadcast %eq3A_214 : i32 to vector<16xi32>
    %eq3A_216 = arith.cmpi eq, %iota3A_213, %eq3A_215 : vector<16xi32>
    %broadcast_in_dim3A_217 = vector.broadcast %while3A_110 : i32 to vector<16xi32>
    %select_n3A_218 = arith.select %eq3A_216, %broadcast_in_dim3A_217, %select_n3A_206 : vector<16xi1>, vector<16xi32>
    %iota3A_219 = tpu.iota {dimensions = array<i32: 0>} : vector<16xi32>
    %eq3A_220 = arith.constant 6 : i32
    %eq3A_221 = vector.broadcast %eq3A_220 : i32 to vector<16xi32>
    %eq3A_222 = arith.cmpi eq, %iota3A_219, %eq3A_221 : vector<16xi32>
    %broadcast_in_dim3A_223 = vector.broadcast %while3A_121 : i32 to vector<16xi32>
    %select_n3A_224 = arith.select %eq3A_222, %broadcast_in_dim3A_223, %select_n3A_212 : vector<16xi1>, vector<16xi32>
    %iota3A_225 = tpu.iota {dimensions = array<i32: 0>} : vector<16xi32>
    %eq3A_226 = arith.constant 7 : i32
    %eq3A_227 = vector.broadcast %eq3A_226 : i32 to vector<16xi32>
    %eq3A_228 = arith.cmpi eq, %iota3A_225, %eq3A_227 : vector<16xi32>
    %broadcast_in_dim3A_229 = vector.broadcast %while3A_121 : i32 to vector<16xi32>
    %select_n3A_230 = arith.select %eq3A_228, %broadcast_in_dim3A_229, %select_n3A_218 : vector<16xi1>, vector<16xi32>
    %iota3A_231 = tpu.iota {dimensions = array<i32: 0>} : vector<16xi32>
    %eq3A_232 = arith.constant 7 : i32
    %eq3A_233 = vector.broadcast %eq3A_232 : i32 to vector<16xi32>
    %eq3A_234 = arith.cmpi eq, %iota3A_231, %eq3A_233 : vector<16xi32>
    %broadcast_in_dim3A_235 = vector.broadcast %while3A_132 : i32 to vector<16xi32>
    %select_n3A_236 = arith.select %eq3A_234, %broadcast_in_dim3A_235, %select_n3A_224 : vector<16xi1>, vector<16xi32>
    %scan3A_237 = arith.constant 0 : i32
    %scan3A_238 = arith.constant 0 : i32
    %scan3A_239 = arith.constant 24 : i32
    %scan3A_240 = arith.addi %scan3A_238, %scan3A_239 : i32
    %scan3A_241 = arith.constant 1 : i32
    %scan3A_242 = scf.for %scan3A_539 = %scan3A_238 to %scan3A_240 step %scan3A_241 iter_args(%scan3A_540 = %scan3A_237) -> (i32)  : i32 {
      %dma_wait3A_541 = arith.constant 0 : i32
      %dma_wait3A_542 = arith.constant 0 : i32
      %dma_wait3A_543 = tpu.memref_slice %arg2[%dma_wait3A_541, %dma_wait3A_542] : memref<64x1000000xf32, #tpu.memory_space<hbm>> -> memref<64x640xf32, #tpu.memory_space<hbm>>
      %dma_wait3A_544 = arith.constant 0 : i32
      %dma_wait3A_545 = arith.constant 0 : i32
      %dma_wait3A_546 = tpu.memref_slice %arg2[%dma_wait3A_544, %dma_wait3A_545] : memref<64x1000000xf32, #tpu.memory_space<hbm>> -> memref<64x640xf32, #tpu.memory_space<hbm>>
      tpu.wait_dma2 semaphore(%arg14 : memref<!tpu.dma_semaphore, #tpu.memory_space<semaphore_mem>>) src(%dma_wait3A_546 : memref<64x640xf32, #tpu.memory_space<hbm>>) dst(%arg9 : memref<64x640xf32, #tpu.memory_space<vmem>>)
      %mul3A_547 = arith.constant 2 : i32
      %mul3A_548 = arith.muli %mul3A_547, %scan3A_539 : i32
      %mul3A_549 = arith.constant 640 : i32
      %mul3A_550 = arith.muli %mul3A_548, %mul3A_549 : i32
      %add3A_551 = arith.addi %mul3A_2, %mul3A_550 : i32
      %min3A_552 = arith.constant 999296 : i32
      %min3A_553 = arith.minsi %add3A_551, %min3A_552 : i32
      %sub3A_554 = arith.subi %min3A_553, %mul3A_2 : i32
      %jit3A_555 = arith.constant 5120 : i32
      %div3A_556 = arith.divsi %sub3A_554, %jit3A_555 : i32
      %sign3A_557 = arith.constant 0 : i32
      %sign3A_558 = arith.cmpi sgt, %sub3A_554, %sign3A_557 : i32
      %sign3A_559 = arith.extui %sign3A_558 : i1 to i32
      %sign3A_560 = arith.constant 0 : i32
      %sign3A_561 = arith.cmpi slt, %sub3A_554, %sign3A_560 : i32
      %sign3A_562 = arith.extui %sign3A_561 : i1 to i32
      %sign3A_563 = arith.subi %sign3A_559, %sign3A_562 : i32
      %sign3A_564 = arith.constant 0 : i32
      %sign3A_565 = arith.cmpi sgt, %jit3A_555, %sign3A_564 : i32
      %sign3A_566 = arith.extui %sign3A_565 : i1 to i32
      %sign3A_567 = arith.constant 0 : i32
      %sign3A_568 = arith.cmpi slt, %jit3A_555, %sign3A_567 : i32
      %sign3A_569 = arith.extui %sign3A_568 : i1 to i32
      %sign3A_570 = arith.subi %sign3A_566, %sign3A_569 : i32
      %ne3A_571 = arith.cmpi ne, %sign3A_563, %sign3A_570 : i32
      %rem3A_572 = arith.remsi %sub3A_554, %jit3A_555 : i32
      %ne3A_573 = arith.constant 0 : i32
      %ne3A_574 = arith.cmpi ne, %rem3A_572, %ne3A_573 : i32
      %and3A_575 = arith.andi %ne3A_571, %ne3A_574 : i1
      %sub3A_576 = arith.constant 1 : i32
      %sub3A_577 = arith.subi %div3A_556, %sub3A_576 : i32
      %select_n3A_578 = arith.select %and3A_575, %sub3A_577, %div3A_556 : i32
      %add3A_579 = arith.constant 640 : i32
      %add3A_580 = arith.addi %sub3A_554, %add3A_579 : i32
      %sub3A_581 = arith.constant 1 : i32
      %sub3A_582 = arith.subi %add3A_580, %sub3A_581 : i32
      %jit3A_583 = arith.constant 5120 : i32
      %div3A_584 = arith.divsi %sub3A_582, %jit3A_583 : i32
      %sign3A_585 = arith.constant 0 : i32
      %sign3A_586 = arith.cmpi sgt, %sub3A_582, %sign3A_585 : i32
      %sign3A_587 = arith.extui %sign3A_586 : i1 to i32
      %sign3A_588 = arith.constant 0 : i32
      %sign3A_589 = arith.cmpi slt, %sub3A_582, %sign3A_588 : i32
      %sign3A_590 = arith.extui %sign3A_589 : i1 to i32
      %sign3A_591 = arith.subi %sign3A_587, %sign3A_590 : i32
      %sign3A_592 = arith.constant 0 : i32
      %sign3A_593 = arith.cmpi sgt, %jit3A_583, %sign3A_592 : i32
      %sign3A_594 = arith.extui %sign3A_593 : i1 to i32
      %sign3A_595 = arith.constant 0 : i32
      %sign3A_596 = arith.cmpi slt, %jit3A_583, %sign3A_595 : i32
      %sign3A_597 = arith.extui %sign3A_596 : i1 to i32
      %sign3A_598 = arith.subi %sign3A_594, %sign3A_597 : i32
      %ne3A_599 = arith.cmpi ne, %sign3A_591, %sign3A_598 : i32
      %rem3A_600 = arith.remsi %sub3A_582, %jit3A_583 : i32
      %ne3A_601 = arith.constant 0 : i32
      %ne3A_602 = arith.cmpi ne, %rem3A_600, %ne3A_601 : i32
      %and3A_603 = arith.andi %ne3A_599, %ne3A_602 : i1
      %sub3A_604 = arith.constant 1 : i32
      %sub3A_605 = arith.subi %div3A_584, %sub3A_604 : i32
      %select_n3A_606 = arith.select %and3A_603, %sub3A_605, %div3A_584 : i32
      %iota3A_607 = tpu.iota {dimensions = array<i32: 0>} : vector<16xi32>
      %eq3A_608 = vector.broadcast %select_n3A_578 : i32 to vector<16xi32>
      %eq3A_609 = arith.cmpi eq, %iota3A_607, %eq3A_608 : vector<16xi32>
      %jit3A_610 = arith.constant 0 : i32
      %broadcast_in_dim3A_611 = vector.broadcast %jit3A_610 : i32 to vector<16xi32>
      %select_n3A_612 = arith.select %eq3A_609, %select_n3A_230, %broadcast_in_dim3A_611 : vector<16xi1>, vector<16xi32>
      %iota3A_613 = tpu.iota {dimensions = array<i32: 0>} : vector<16xi32>
      %eq3A_614 = vector.broadcast %select_n3A_606 : i32 to vector<16xi32>
      %eq3A_615 = arith.cmpi eq, %iota3A_613, %eq3A_614 : vector<16xi32>
      %jit3A_616 = arith.constant 0 : i32
      %broadcast_in_dim3A_617 = vector.broadcast %jit3A_616 : i32 to vector<16xi32>
      %select_n3A_618 = arith.select %eq3A_615, %select_n3A_236, %broadcast_in_dim3A_617 : vector<16xi1>, vector<16xi32>
      %reduce_sum3A_619 = arith.constant true
      %reduce_sum3A_620 = vector.broadcast %reduce_sum3A_619 : i1 to vector<16xi1>
      %reduce_sum3A_621 = tpu.scan <sum>, %select_n3A_612 masked %reduce_sum3A_620 : vector<16xi32>, vector<16xi1> -> vector<16xi32>
      %reduce_sum3A_622 = vector.extract %reduce_sum3A_621[15] : i32 from vector<16xi32>
      %jit3A_623 = arith.constant 16 : i32
      %div3A_624 = arith.divsi %reduce_sum3A_622, %jit3A_623 : i32
      %sign3A_625 = arith.constant 0 : i32
      %sign3A_626 = arith.cmpi sgt, %reduce_sum3A_622, %sign3A_625 : i32
      %sign3A_627 = arith.extui %sign3A_626 : i1 to i32
      %sign3A_628 = arith.constant 0 : i32
      %sign3A_629 = arith.cmpi slt, %reduce_sum3A_622, %sign3A_628 : i32
      %sign3A_630 = arith.extui %sign3A_629 : i1 to i32
      %sign3A_631 = arith.subi %sign3A_627, %sign3A_630 : i32
      %sign3A_632 = arith.constant 0 : i32
      %sign3A_633 = arith.cmpi sgt, %jit3A_623, %sign3A_632 : i32
      %sign3A_634 = arith.extui %sign3A_633 : i1 to i32
      %sign3A_635 = arith.constant 0 : i32
      %sign3A_636 = arith.cmpi slt, %jit3A_623, %sign3A_635 : i32
      %sign3A_637 = arith.extui %sign3A_636 : i1 to i32
      %sign3A_638 = arith.subi %sign3A_634, %sign3A_637 : i32
      %ne3A_639 = arith.cmpi ne, %sign3A_631, %sign3A_638 : i32
      %rem3A_640 = arith.remsi %reduce_sum3A_622, %jit3A_623 : i32
      %ne3A_641 = arith.constant 0 : i32
      %ne3A_642 = arith.cmpi ne, %rem3A_640, %ne3A_641 : i32
      %and3A_643 = arith.andi %ne3A_639, %ne3A_642 : i1
      %sub3A_644 = arith.constant 1 : i32
      %sub3A_645 = arith.subi %div3A_624, %sub3A_644 : i32
      %select_n3A_646 = arith.select %and3A_643, %sub3A_645, %div3A_624 : i32
      %reduce_sum3A_647 = arith.constant true
      %reduce_sum3A_648 = vector.broadcast %reduce_sum3A_647 : i1 to vector<16xi1>
      %reduce_sum3A_649 = tpu.scan <sum>, %select_n3A_618 masked %reduce_sum3A_648 : vector<16xi32>, vector<16xi1> -> vector<16xi32>
      %reduce_sum3A_650 = vector.extract %reduce_sum3A_649[15] : i32 from vector<16xi32>
      %add3A_651 = arith.constant 15 : i32
      %add3A_652 = arith.addi %reduce_sum3A_650, %add3A_651 : i32
      %jit3A_653 = arith.constant 16 : i32
      %div3A_654 = arith.divsi %add3A_652, %jit3A_653 : i32
      %sign3A_655 = arith.constant 0 : i32
      %sign3A_656 = arith.cmpi sgt, %add3A_652, %sign3A_655 : i32
      %sign3A_657 = arith.extui %sign3A_656 : i1 to i32
      %sign3A_658 = arith.constant 0 : i32
      %sign3A_659 = arith.cmpi slt, %add3A_652, %sign3A_658 : i32
      %sign3A_660 = arith.extui %sign3A_659 : i1 to i32
      %sign3A_661 = arith.subi %sign3A_657, %sign3A_660 : i32
      %sign3A_662 = arith.constant 0 : i32
      %sign3A_663 = arith.cmpi sgt, %jit3A_653, %sign3A_662 : i32
      %sign3A_664 = arith.extui %sign3A_663 : i1 to i32
      %sign3A_665 = arith.constant 0 : i32
      %sign3A_666 = arith.cmpi slt, %jit3A_653, %sign3A_665 : i32
      %sign3A_667 = arith.extui %sign3A_666 : i1 to i32
      %sign3A_668 = arith.subi %sign3A_664, %sign3A_667 : i32
      %ne3A_669 = arith.cmpi ne, %sign3A_661, %sign3A_668 : i32
      %rem3A_670 = arith.remsi %add3A_652, %jit3A_653 : i32
      %ne3A_671 = arith.constant 0 : i32
      %ne3A_672 = arith.cmpi ne, %rem3A_670, %ne3A_671 : i32
      %and3A_673 = arith.andi %ne3A_669, %ne3A_672 : i1
      %sub3A_674 = arith.constant 1 : i32
      %sub3A_675 = arith.subi %div3A_654, %sub3A_674 : i32
      %select_n3A_676 = arith.select %and3A_673, %sub3A_675, %div3A_654 : i32
      %while3A_677 = arith.subi %select_n3A_676, %select_n3A_646 : i32
      %while3A_678 = arith.addi %select_n3A_646, %while3A_677 : i32
      %while3A_679 = arith.constant 1 : i32
      %while3A_680 = arith.divsi %while3A_677, %while3A_679 : i32
      %while3A_681 = arith.muli %while3A_680, %while3A_679 : i32
      %while3A_682 = arith.addi %select_n3A_646, %while3A_681 : i32
      %while3A_683 = arith.constant 1 : i32
      %while3A_684 = scf.for %while3A_861 = %select_n3A_646 to %while3A_682 step %while3A_683 iter_args(%while3A_862 = %scan3A_540) -> (i32)  : i32 {
        %mul3A_863 = arith.constant 16 : i32
        %mul3A_864 = arith.muli %while3A_861, %mul3A_863 : i32
        %get3A = arith.index_cast %mul3A_864 : i32 to index
        %get3A_865 = tpu.vector_load %arg6[%get3A] {strides = array<i32>} : memref<16400xi32, #tpu.memory_space<vmem>>, vector<16xi32>,
        %shift_right_arithmetic3A = arith.constant 14 : i32
        %shift_right_arithmetic3A_866 = vector.broadcast %shift_right_arithmetic3A : i32 to vector<16xi32>
        %shift_right_arithmetic3A_867 = arith.shrsi %get3A_865, %shift_right_arithmetic3A_866 : vector<16xi32>
        %le3A = vector.broadcast %sub3A_554 : i32 to vector<16xi32>
        %le3A_868 = arith.cmpi sle, %le3A, %shift_right_arithmetic3A_867 : vector<16xi32>
        %add3A_869 = arith.constant 640 : i32
        %add3A_870 = arith.addi %sub3A_554, %add3A_869 : i32
        %lt3A = vector.broadcast %add3A_870 : i32 to vector<16xi32>
        %lt3A_871 = arith.cmpi slt, %shift_right_arithmetic3A_867, %lt3A : vector<16xi32>
        %and3A_872 = arith.andi %le3A_868, %lt3A_871 : vector<16xi1>
        %swap3A_873 = arith.constant 0 : index
        %swap3A_874 = tpu.vector_load %arg8[%swap3A_873] masked %and3A_872 {strides = array<i32>} : memref<32xi32, #tpu.memory_space<vmem>>, vector<16xi32>, vector<16xi1>
        tpu.vector_store %arg8[%swap3A_873], %get3A_865 masked %and3A_872 {strides = array<i32>} : memref<32xi32, #tpu.memory_space<vmem>>, vector<16xi32>, vector<16xi1>
        %all_reduce_population_count3A = tpu.all_reduce %and3A_872 {dim = 0 : i64, kind = #tpu.reduction_kind<sum>} : vector<16xi1> -> vector<16xi32>
        %slice3A = vector.extract_strided_slice %all_reduce_population_count3A {offsets = [0], sizes = [1], strides = [1]} : vector<16xi32> to vector<1xi32>
        %squeeze3A = vector.extract %slice3A[0] : i32 from vector<1xi32>
        %while3A_875 = arith.constant 0 : i32
        %while3A_876 = arith.subi %squeeze3A, %while3A_875 : i32
        %while3A_877 = arith.addi %while3A_875, %while3A_876 : i32
        %while3A_878 = arith.constant 1 : i32
        %while3A_879 = arith.divsi %while3A_876, %while3A_878 : i32
        %while3A_880 = arith.muli %while3A_879, %while3A_878 : i32
        %while3A_881 = arith.addi %while3A_875, %while3A_880 : i32
        %while3A_882 = arith.constant 1 : i32
        %while3A_883 = scf.for %while3A_886 = %while3A_875 to %while3A_881 step %while3A_882 iter_args(%while3A_887 = %while3A_862) -> (i32)  : i32 {
          %get3A_888 = arith.index_cast %while3A_886 : i32 to index
          %get3A_889 = tpu.vector_load %arg8[%get3A_888] {strides = array<i32>} : memref<32xi32, #tpu.memory_space<vmem>>, vector<16xi32>,
          %slice3A_890 = vector.extract_strided_slice %get3A_889 {offsets = [0], sizes = [1], strides = [1]} : vector<16xi32> to vector<1xi32>
          %squeeze3A_891 = vector.extract %slice3A_890[0] : i32 from vector<1xi32>
          %shift_right_arithmetic3A_892 = arith.constant 14 : i32
          %shift_right_arithmetic3A_893 = arith.shrsi %squeeze3A_891, %shift_right_arithmetic3A_892 : i32
          %sub3A_894 = arith.subi %shift_right_arithmetic3A_893, %sub3A_554 : i32
          %and3A_895 = arith.constant 16383 : i32
          %and3A_896 = arith.andi %squeeze3A_891, %and3A_895 : i32
          %broadcast_in_dim3A_897 = vector.broadcast %sub3A_894 : i32 to vector<16xi32>
          %jit3A_898 = arith.constant 64 : i32
          %eq3A_899 = arith.constant 0 : i32
          %eq3A_900 = arith.cmpi eq, %jit3A_898, %eq3A_899 : i32
          %jit3A_901 = arith.constant 1 : i32
          %select_n3A_902 = arith.select %eq3A_900, %jit3A_901, %jit3A_898 : i32
          %rem3A_903 = arith.remsi %while3A_887, %select_n3A_902 : i32
          %ne3A_904 = arith.constant 0 : i32
          %ne3A_905 = arith.cmpi ne, %rem3A_903, %ne3A_904 : i32
          %lt3A_906 = arith.constant 0 : i32
          %lt3A_907 = arith.cmpi slt, %rem3A_903, %lt3A_906 : i32
          %lt3A_908 = arith.constant 0 : i32
          %lt3A_909 = arith.cmpi slt, %select_n3A_902, %lt3A_908 : i32
          %ne3A_910 = arith.xori %lt3A_907, %lt3A_909 : i1
          %and3A_911 = arith.andi %ne3A_910, %ne3A_905 : i1
          %add3A_912 = arith.addi %rem3A_903, %select_n3A_902 : i32
          %select_n3A_913 = arith.select %and3A_911, %add3A_912, %rem3A_903 : i32
          %mul3A_914 = arith.constant 64 : i32
          %mul3A_915 = arith.muli %select_n3A_913, %mul3A_914 : i32
          %ge3A = arith.constant 64 : i32
          %ge3A_916 = arith.cmpi sge, %while3A_887, %ge3A : i32
          %convert_element_type3A = arith.extui %ge3A_916 : i1 to i32
          %cond3A = arith.constant 0 : i32
          %cond3A_917 = arith.cmpi ne, %convert_element_type3A, %cond3A : i32
          scf.if %cond3A_917 {
            %dma_wait3A_957 = arith.constant 0 : i32
            %dma_wait3A_958 = tpu.memref_slice %arg12[%dma_wait3A_957] : memref<4096xf32, #tpu.memory_space<vmem>> -> memref<64xf32, #tpu.memory_space<vmem>>
            %dma_wait3A_959 = arith.constant 0 : i32
            %dma_wait3A_960 = tpu.memref_slice %arg5[%dma_wait3A_959] : memref<1048576xf32, #tpu.memory_space<hbm>> -> memref<64xf32, #tpu.memory_space<hbm>>
            %dma_wait3A_961 = arith.constant 0 : i32
            %dma_wait3A_962 = tpu.memref_slice %arg12[%dma_wait3A_961] : memref<4096xf32, #tpu.memory_space<vmem>> -> memref<64xf32, #tpu.memory_space<vmem>>
            %dma_wait3A_963 = arith.constant 0 : i32
            %dma_wait3A_964 = tpu.memref_slice %arg5[%dma_wait3A_963] : memref<1048576xf32, #tpu.memory_space<hbm>> -> memref<64xf32, #tpu.memory_space<hbm>>
            tpu.wait_dma2 semaphore(%arg13 : memref<!tpu.dma_semaphore, #tpu.memory_space<semaphore_mem>>) src(%dma_wait3A_964 : memref<64xf32, #tpu.memory_space<hbm>>) dst(%dma_wait3A_962 : memref<64xf32, #tpu.memory_space<vmem>>)
          } else {
          }
          %add3A_918 = arith.constant 0 : i32
          %add3A_919 = vector.broadcast %add3A_918 : i32 to vector<16xi32>
          %add3A_920 = arith.addi %iota3A, %add3A_919 : vector<16xi32>
          %gather3A = tpu.vector_load_idx %arg9[%add3A_920, %broadcast_in_dim3A_897] : memref<64x640xf32, #tpu.memory_space<vmem>>[vector<16xi32>, vector<16xi32>], vector<16xf32>,
          %add3A_921 = arith.constant 0 : i32
          %add3A_922 = arith.addi %mul3A_915, %add3A_921 : i32
          %swap3A_923 = arith.index_cast %add3A_922 : i32 to index
          %swap3A_924 = tpu.vector_load %arg12[%swap3A_923] {strides = array<i32>} : memref<4096xf32, #tpu.memory_space<vmem>>, vector<16xf32>,
          tpu.vector_store %arg12[%swap3A_923], %gather3A {strides = array<i32>} : memref<4096xf32, #tpu.memory_space<vmem>>, vector<16xf32>,
          %add3A_925 = arith.constant 16 : i32
          %add3A_926 = vector.broadcast %add3A_925 : i32 to vector<16xi32>
          %add3A_927 = arith.addi %iota3A, %add3A_926 : vector<16xi32>
          %gather3A_928 = tpu.vector_load_idx %arg9[%add3A_927, %broadcast_in_dim3A_897] : memref<64x640xf32, #tpu.memory_space<vmem>>[vector<16xi32>, vector<16xi32>], vector<16xf32>,
          %add3A_929 = arith.constant 16 : i32
          %add3A_930 = arith.addi %mul3A_915, %add3A_929 : i32
          %swap3A_931 = arith.index_cast %add3A_930 : i32 to index
          %swap3A_932 = tpu.vector_load %arg12[%swap3A_931] {strides = array<i32>} : memref<4096xf32, #tpu.memory_space<vmem>>, vector<16xf32>,
          tpu.vector_store %arg12[%swap3A_931], %gather3A_928 {strides = array<i32>} : memref<4096xf32, #tpu.memory_space<vmem>>, vector<16xf32>,
          %add3A_933 = arith.constant 32 : i32
          %add3A_934 = vector.broadcast %add3A_933 : i32 to vector<16xi32>
          %add3A_935 = arith.addi %iota3A, %add3A_934 : vector<16xi32>
          %gather3A_936 = tpu.vector_load_idx %arg9[%add3A_935, %broadcast_in_dim3A_897] : memref<64x640xf32, #tpu.memory_space<vmem>>[vector<16xi32>, vector<16xi32>], vector<16xf32>,
          %add3A_937 = arith.constant 32 : i32
          %add3A_938 = arith.addi %mul3A_915, %add3A_937 : i32
          %swap3A_939 = arith.index_cast %add3A_938 : i32 to index
          %swap3A_940 = tpu.vector_load %arg12[%swap3A_939] {strides = array<i32>} : memref<4096xf32, #tpu.memory_space<vmem>>, vector<16xf32>,
          tpu.vector_store %arg12[%swap3A_939], %gather3A_936 {strides = array<i32>} : memref<4096xf32, #tpu.memory_space<vmem>>, vector<16xf32>,
          %add3A_941 = arith.constant 48 : i32
          %add3A_942 = vector.broadcast %add3A_941 : i32 to vector<16xi32>
          %add3A_943 = arith.addi %iota3A, %add3A_942 : vector<16xi32>
          %gather3A_944 = tpu.vector_load_idx %arg9[%add3A_943, %broadcast_in_dim3A_897] : memref<64x640xf32, #tpu.memory_space<vmem>>[vector<16xi32>, vector<16xi32>], vector<16xf32>,
          %add3A_945 = arith.constant 48 : i32
          %add3A_946 = arith.addi %mul3A_915, %add3A_945 : i32
          %swap3A_947 = arith.index_cast %add3A_946 : i32 to index
          %swap3A_948 = tpu.vector_load %arg12[%swap3A_947] {strides = array<i32>} : memref<4096xf32, #tpu.memory_space<vmem>>, vector<16xf32>,
          tpu.vector_store %arg12[%swap3A_947], %gather3A_944 {strides = array<i32>} : memref<4096xf32, #tpu.memory_space<vmem>>, vector<16xf32>,
          %mul3A_949 = arith.constant 64 : i32
          %mul3A_950 = arith.muli %and3A_896, %mul3A_949 : i32
          %dma_start3A_951 = tpu.memref_slice %arg12[%mul3A_915] : memref<4096xf32, #tpu.memory_space<vmem>> -> memref<64xf32, #tpu.memory_space<vmem>>
          %dma_start3A_952 = tpu.memref_slice %arg5[%mul3A_950] : memref<1048576xf32, #tpu.memory_space<hbm>> -> memref<64xf32, #tpu.memory_space<hbm>>
          %dma_start3A_953 = tpu.memref_slice %arg5[%mul3A_950] : memref<1048576xf32, #tpu.memory_space<hbm>> -> memref<64xf32, #tpu.memory_space<hbm>>
          %dma_start3A_954 = tpu.memref_slice %arg12[%mul3A_915] : memref<4096xf32, #tpu.memory_space<vmem>> -> memref<64xf32, #tpu.memory_space<vmem>>
          tpu.enqueue_dma source(%dma_start3A_954 : memref<64xf32, #tpu.memory_space<vmem>>) target(%dma_start3A_953 : memref<64xf32, #tpu.memory_space<hbm>>) target_semaphore(%arg13 : memref<!tpu.dma_semaphore, #tpu.memory_space<semaphore_mem>>)
          %add3A_955 = arith.constant 1 : i32
          %add3A_956 = arith.addi %while3A_887, %add3A_955 : i32
          scf.yield %add3A_956 : i32
        }
        %while3A_884 = arith.constant 1 : i32
        %while3A_885 = scf.for %while3A_886 = %while3A_881 to %while3A_877 step %while3A_884 iter_args(%while3A_887 = %while3A_883) -> (i32)  : i32 {
          %get3A_888 = arith.index_cast %while3A_886 : i32 to index
          %get3A_889 = tpu.vector_load %arg8[%get3A_888] {strides = array<i32>} : memref<32xi32, #tpu.memory_space<vmem>>, vector<16xi32>,
          %slice3A_890 = vector.extract_strided_slice %get3A_889 {offsets = [0], sizes = [1], strides = [1]} : vector<16xi32> to vector<1xi32>
          %squeeze3A_891 = vector.extract %slice3A_890[0] : i32 from vector<1xi32>
          %shift_right_arithmetic3A_892 = arith.constant 14 : i32
          %shift_right_arithmetic3A_893 = arith.shrsi %squeeze3A_891, %shift_right_arithmetic3A_892 : i32
          %sub3A_894 = arith.subi %shift_right_arithmetic3A_893, %sub3A_554 : i32
          %and3A_895 = arith.constant 16383 : i32
          %and3A_896 = arith.andi %squeeze3A_891, %and3A_895 : i32
          %broadcast_in_dim3A_897 = vector.broadcast %sub3A_894 : i32 to vector<16xi32>
          %jit3A_898 = arith.constant 64 : i32
          %eq3A_899 = arith.constant 0 : i32
          %eq3A_900 = arith.cmpi eq, %jit3A_898, %eq3A_899 : i32
          %jit3A_901 = arith.constant 1 : i32
          %select_n3A_902 = arith.select %eq3A_900, %jit3A_901, %jit3A_898 : i32
          %rem3A_903 = arith.remsi %while3A_887, %select_n3A_902 : i32
          %ne3A_904 = arith.constant 0 : i32
          %ne3A_905 = arith.cmpi ne, %rem3A_903, %ne3A_904 : i32
          %lt3A_906 = arith.constant 0 : i32
          %lt3A_907 = arith.cmpi slt, %rem3A_903, %lt3A_906 : i32
          %lt3A_908 = arith.constant 0 : i32
          %lt3A_909 = arith.cmpi slt, %select_n3A_902, %lt3A_908 : i32
          %ne3A_910 = arith.xori %lt3A_907, %lt3A_909 : i1
          %and3A_911 = arith.andi %ne3A_910, %ne3A_905 : i1
          %add3A_912 = arith.addi %rem3A_903, %select_n3A_902 : i32
          %select_n3A_913 = arith.select %and3A_911, %add3A_912, %rem3A_903 : i32
          %mul3A_914 = arith.constant 64 : i32
          %mul3A_915 = arith.muli %select_n3A_913, %mul3A_914 : i32
          %ge3A = arith.constant 64 : i32
          %ge3A_916 = arith.cmpi sge, %while3A_887, %ge3A : i32
          %convert_element_type3A = arith.extui %ge3A_916 : i1 to i32
          %cond3A = arith.constant 0 : i32
          %cond3A_917 = arith.cmpi ne, %convert_element_type3A, %cond3A : i32
          scf.if %cond3A_917 {
            %dma_wait3A_957 = arith.constant 0 : i32
            %dma_wait3A_958 = tpu.memref_slice %arg12[%dma_wait3A_957] : memref<4096xf32, #tpu.memory_space<vmem>> -> memref<64xf32, #tpu.memory_space<vmem>>
            %dma_wait3A_959 = arith.constant 0 : i32
            %dma_wait3A_960 = tpu.memref_slice %arg5[%dma_wait3A_959] : memref<1048576xf32, #tpu.memory_space<hbm>> -> memref<64xf32, #tpu.memory_space<hbm>>
            %dma_wait3A_961 = arith.constant 0 : i32
            %dma_wait3A_962 = tpu.memref_slice %arg12[%dma_wait3A_961] : memref<4096xf32, #tpu.memory_space<vmem>> -> memref<64xf32, #tpu.memory_space<vmem>>
            %dma_wait3A_963 = arith.constant 0 : i32
            %dma_wait3A_964 = tpu.memref_slice %arg5[%dma_wait3A_963] : memref<1048576xf32, #tpu.memory_space<hbm>> -> memref<64xf32, #tpu.memory_space<hbm>>
            tpu.wait_dma2 semaphore(%arg13 : memref<!tpu.dma_semaphore, #tpu.memory_space<semaphore_mem>>) src(%dma_wait3A_964 : memref<64xf32, #tpu.memory_space<hbm>>) dst(%dma_wait3A_962 : memref<64xf32, #tpu.memory_space<vmem>>)
          } else {
          }
          %add3A_918 = arith.constant 0 : i32
          %add3A_919 = vector.broadcast %add3A_918 : i32 to vector<16xi32>
          %add3A_920 = arith.addi %iota3A, %add3A_919 : vector<16xi32>
          %gather3A = tpu.vector_load_idx %arg9[%add3A_920, %broadcast_in_dim3A_897] : memref<64x640xf32, #tpu.memory_space<vmem>>[vector<16xi32>, vector<16xi32>], vector<16xf32>,
          %add3A_921 = arith.constant 0 : i32
          %add3A_922 = arith.addi %mul3A_915, %add3A_921 : i32
          %swap3A_923 = arith.index_cast %add3A_922 : i32 to index
          %swap3A_924 = tpu.vector_load %arg12[%swap3A_923] {strides = array<i32>} : memref<4096xf32, #tpu.memory_space<vmem>>, vector<16xf32>,
          tpu.vector_store %arg12[%swap3A_923], %gather3A {strides = array<i32>} : memref<4096xf32, #tpu.memory_space<vmem>>, vector<16xf32>,
          %add3A_925 = arith.constant 16 : i32
          %add3A_926 = vector.broadcast %add3A_925 : i32 to vector<16xi32>
          %add3A_927 = arith.addi %iota3A, %add3A_926 : vector<16xi32>
          %gather3A_928 = tpu.vector_load_idx %arg9[%add3A_927, %broadcast_in_dim3A_897] : memref<64x640xf32, #tpu.memory_space<vmem>>[vector<16xi32>, vector<16xi32>], vector<16xf32>,
          %add3A_929 = arith.constant 16 : i32
          %add3A_930 = arith.addi %mul3A_915, %add3A_929 : i32
          %swap3A_931 = arith.index_cast %add3A_930 : i32 to index
          %swap3A_932 = tpu.vector_load %arg12[%swap3A_931] {strides = array<i32>} : memref<4096xf32, #tpu.memory_space<vmem>>, vector<16xf32>,
          tpu.vector_store %arg12[%swap3A_931], %gather3A_928 {strides = array<i32>} : memref<4096xf32, #tpu.memory_space<vmem>>, vector<16xf32>,
          %add3A_933 = arith.constant 32 : i32
          %add3A_934 = vector.broadcast %add3A_933 : i32 to vector<16xi32>
          %add3A_935 = arith.addi %iota3A, %add3A_934 : vector<16xi32>
          %gather3A_936 = tpu.vector_load_idx %arg9[%add3A_935, %broadcast_in_dim3A_897] : memref<64x640xf32, #tpu.memory_space<vmem>>[vector<16xi32>, vector<16xi32>], vector<16xf32>,
          %add3A_937 = arith.constant 32 : i32
          %add3A_938 = arith.addi %mul3A_915, %add3A_937 : i32
          %swap3A_939 = arith.index_cast %add3A_938 : i32 to index
          %swap3A_940 = tpu.vector_load %arg12[%swap3A_939] {strides = array<i32>} : memref<4096xf32, #tpu.memory_space<vmem>>, vector<16xf32>,
          tpu.vector_store %arg12[%swap3A_939], %gather3A_936 {strides = array<i32>} : memref<4096xf32, #tpu.memory_space<vmem>>, vector<16xf32>,
          %add3A_941 = arith.constant 48 : i32
          %add3A_942 = vector.broadcast %add3A_941 : i32 to vector<16xi32>
          %add3A_943 = arith.addi %iota3A, %add3A_942 : vector<16xi32>
          %gather3A_944 = tpu.vector_load_idx %arg9[%add3A_943, %broadcast_in_dim3A_897] : memref<64x640xf32, #tpu.memory_space<vmem>>[vector<16xi32>, vector<16xi32>], vector<16xf32>,
          %add3A_945 = arith.constant 48 : i32
          %add3A_946 = arith.addi %mul3A_915, %add3A_945 : i32
          %swap3A_947 = arith.index_cast %add3A_946 : i32 to index
          %swap3A_948 = tpu.vector_load %arg12[%swap3A_947] {strides = array<i32>} : memref<4096xf32, #tpu.memory_space<vmem>>, vector<16xf32>,
          tpu.vector_store %arg12[%swap3A_947], %gather3A_944 {strides = array<i32>} : memref<4096xf32, #tpu.memory_space<vmem>>, vector<16xf32>,
          %mul3A_949 = arith.constant 64 : i32
          %mul3A_950 = arith.muli %and3A_896, %mul3A_949 : i32
          %dma_start3A_951 = tpu.memref_slice %arg12[%mul3A_915] : memref<4096xf32, #tpu.memory_space<vmem>> -> memref<64xf32, #tpu.memory_space<vmem>>
          %dma_start3A_952 = tpu.memref_slice %arg5[%mul3A_950] : memref<1048576xf32, #tpu.memory_space<hbm>> -> memref<64xf32, #tpu.memory_space<hbm>>
          %dma_start3A_953 = tpu.memref_slice %arg5[%mul3A_950] : memref<1048576xf32, #tpu.memory_space<hbm>> -> memref<64xf32, #tpu.memory_space<hbm>>
          %dma_start3A_954 = tpu.memref_slice %arg12[%mul3A_915] : memref<4096xf32, #tpu.memory_space<vmem>> -> memref<64xf32, #tpu.memory_space<vmem>>
          tpu.enqueue_dma source(%dma_start3A_954 : memref<64xf32, #tpu.memory_space<vmem>>) target(%dma_start3A_953 : memref<64xf32, #tpu.memory_space<hbm>>) target_semaphore(%arg13 : memref<!tpu.dma_semaphore, #tpu.memory_space<semaphore_mem>>)
          %add3A_955 = arith.constant 1 : i32
          %add3A_956 = arith.addi %while3A_887, %add3A_955 : i32
          scf.yield %add3A_956 : i32
        }
        scf.yield %while3A_885 : i32
      }
      %while3A_685 = arith.constant 1 : i32
      %while3A_686 = scf.for %while3A_861 = %while3A_682 to %while3A_678 step %while3A_685 iter_args(%while3A_862 = %while3A_684) -> (i32)  : i32 {
        %mul3A_863 = arith.constant 16 : i32
        %mul3A_864 = arith.muli %while3A_861, %mul3A_863 : i32
        %get3A = arith.index_cast %mul3A_864 : i32 to index
        %get3A_865 = tpu.vector_load %arg6[%get3A] {strides = array<i32>} : memref<16400xi32, #tpu.memory_space<vmem>>, vector<16xi32>,
        %shift_right_arithmetic3A = arith.constant 14 : i32
        %shift_right_arithmetic3A_866 = vector.broadcast %shift_right_arithmetic3A : i32 to vector<16xi32>
        %shift_right_arithmetic3A_867 = arith.shrsi %get3A_865, %shift_right_arithmetic3A_866 : vector<16xi32>
        %le3A = vector.broadcast %sub3A_554 : i32 to vector<16xi32>
        %le3A_868 = arith.cmpi sle, %le3A, %shift_right_arithmetic3A_867 : vector<16xi32>
        %add3A_869 = arith.constant 640 : i32
        %add3A_870 = arith.addi %sub3A_554, %add3A_869 : i32
        %lt3A = vector.broadcast %add3A_870 : i32 to vector<16xi32>
        %lt3A_871 = arith.cmpi slt, %shift_right_arithmetic3A_867, %lt3A : vector<16xi32>
        %and3A_872 = arith.andi %le3A_868, %lt3A_871 : vector<16xi1>
        %swap3A_873 = arith.constant 0 : index
        %swap3A_874 = tpu.vector_load %arg8[%swap3A_873] masked %and3A_872 {strides = array<i32>} : memref<32xi32, #tpu.memory_space<vmem>>, vector<16xi32>, vector<16xi1>
        tpu.vector_store %arg8[%swap3A_873], %get3A_865 masked %and3A_872 {strides = array<i32>} : memref<32xi32, #tpu.memory_space<vmem>>, vector<16xi32>, vector<16xi1>
        %all_reduce_population_count3A = tpu.all_reduce %and3A_872 {dim = 0 : i64, kind = #tpu.reduction_kind<sum>} : vector<16xi1> -> vector<16xi32>
        %slice3A = vector.extract_strided_slice %all_reduce_population_count3A {offsets = [0], sizes = [1], strides = [1]} : vector<16xi32> to vector<1xi32>
        %squeeze3A = vector.extract %slice3A[0] : i32 from vector<1xi32>
        %while3A_875 = arith.constant 0 : i32
        %while3A_876 = arith.subi %squeeze3A, %while3A_875 : i32
        %while3A_877 = arith.addi %while3A_875, %while3A_876 : i32
        %while3A_878 = arith.constant 1 : i32
        %while3A_879 = arith.divsi %while3A_876, %while3A_878 : i32
        %while3A_880 = arith.muli %while3A_879, %while3A_878 : i32
        %while3A_881 = arith.addi %while3A_875, %while3A_880 : i32
        %while3A_882 = arith.constant 1 : i32
        %while3A_883 = scf.for %while3A_886 = %while3A_875 to %while3A_881 step %while3A_882 iter_args(%while3A_887 = %while3A_862) -> (i32)  : i32 {
          %get3A_888 = arith.index_cast %while3A_886 : i32 to index
          %get3A_889 = tpu.vector_load %arg8[%get3A_888] {strides = array<i32>} : memref<32xi32, #tpu.memory_space<vmem>>, vector<16xi32>,
          %slice3A_890 = vector.extract_strided_slice %get3A_889 {offsets = [0], sizes = [1], strides = [1]} : vector<16xi32> to vector<1xi32>
          %squeeze3A_891 = vector.extract %slice3A_890[0] : i32 from vector<1xi32>
          %shift_right_arithmetic3A_892 = arith.constant 14 : i32
          %shift_right_arithmetic3A_893 = arith.shrsi %squeeze3A_891, %shift_right_arithmetic3A_892 : i32
          %sub3A_894 = arith.subi %shift_right_arithmetic3A_893, %sub3A_554 : i32
          %and3A_895 = arith.constant 16383 : i32
          %and3A_896 = arith.andi %squeeze3A_891, %and3A_895 : i32
          %broadcast_in_dim3A_897 = vector.broadcast %sub3A_894 : i32 to vector<16xi32>
          %jit3A_898 = arith.constant 64 : i32
          %eq3A_899 = arith.constant 0 : i32
          %eq3A_900 = arith.cmpi eq, %jit3A_898, %eq3A_899 : i32
          %jit3A_901 = arith.constant 1 : i32
          %select_n3A_902 = arith.select %eq3A_900, %jit3A_901, %jit3A_898 : i32
          %rem3A_903 = arith.remsi %while3A_887, %select_n3A_902 : i32
          %ne3A_904 = arith.constant 0 : i32
          %ne3A_905 = arith.cmpi ne, %rem3A_903, %ne3A_904 : i32
          %lt3A_906 = arith.constant 0 : i32
          %lt3A_907 = arith.cmpi slt, %rem3A_903, %lt3A_906 : i32
          %lt3A_908 = arith.constant 0 : i32
          %lt3A_909 = arith.cmpi slt, %select_n3A_902, %lt3A_908 : i32
          %ne3A_910 = arith.xori %lt3A_907, %lt3A_909 : i1
          %and3A_911 = arith.andi %ne3A_910, %ne3A_905 : i1
          %add3A_912 = arith.addi %rem3A_903, %select_n3A_902 : i32
          %select_n3A_913 = arith.select %and3A_911, %add3A_912, %rem3A_903 : i32
          %mul3A_914 = arith.constant 64 : i32
          %mul3A_915 = arith.muli %select_n3A_913, %mul3A_914 : i32
          %ge3A = arith.constant 64 : i32
          %ge3A_916 = arith.cmpi sge, %while3A_887, %ge3A : i32
          %convert_element_type3A = arith.extui %ge3A_916 : i1 to i32
          %cond3A = arith.constant 0 : i32
          %cond3A_917 = arith.cmpi ne, %convert_element_type3A, %cond3A : i32
          scf.if %cond3A_917 {
            %dma_wait3A_957 = arith.constant 0 : i32
            %dma_wait3A_958 = tpu.memref_slice %arg12[%dma_wait3A_957] : memref<4096xf32, #tpu.memory_space<vmem>> -> memref<64xf32, #tpu.memory_space<vmem>>
            %dma_wait3A_959 = arith.constant 0 : i32
            %dma_wait3A_960 = tpu.memref_slice %arg5[%dma_wait3A_959] : memref<1048576xf32, #tpu.memory_space<hbm>> -> memref<64xf32, #tpu.memory_space<hbm>>
            %dma_wait3A_961 = arith.constant 0 : i32
            %dma_wait3A_962 = tpu.memref_slice %arg12[%dma_wait3A_961] : memref<4096xf32, #tpu.memory_space<vmem>> -> memref<64xf32, #tpu.memory_space<vmem>>
            %dma_wait3A_963 = arith.constant 0 : i32
            %dma_wait3A_964 = tpu.memref_slice %arg5[%dma_wait3A_963] : memref<1048576xf32, #tpu.memory_space<hbm>> -> memref<64xf32, #tpu.memory_space<hbm>>
            tpu.wait_dma2 semaphore(%arg13 : memref<!tpu.dma_semaphore, #tpu.memory_space<semaphore_mem>>) src(%dma_wait3A_964 : memref<64xf32, #tpu.memory_space<hbm>>) dst(%dma_wait3A_962 : memref<64xf32, #tpu.memory_space<vmem>>)
          } else {
          }
          %add3A_918 = arith.constant 0 : i32
          %add3A_919 = vector.broadcast %add3A_918 : i32 to vector<16xi32>
          %add3A_920 = arith.addi %iota3A, %add3A_919 : vector<16xi32>
          %gather3A = tpu.vector_load_idx %arg9[%add3A_920, %broadcast_in_dim3A_897] : memref<64x640xf32, #tpu.memory_space<vmem>>[vector<16xi32>, vector<16xi32>], vector<16xf32>,
          %add3A_921 = arith.constant 0 : i32
          %add3A_922 = arith.addi %mul3A_915, %add3A_921 : i32
          %swap3A_923 = arith.index_cast %add3A_922 : i32 to index
          %swap3A_924 = tpu.vector_load %arg12[%swap3A_923] {strides = array<i32>} : memref<4096xf32, #tpu.memory_space<vmem>>, vector<16xf32>,
          tpu.vector_store %arg12[%swap3A_923], %gather3A {strides = array<i32>} : memref<4096xf32, #tpu.memory_space<vmem>>, vector<16xf32>,
          %add3A_925 = arith.constant 16 : i32
          %add3A_926 = vector.broadcast %add3A_925 : i32 to vector<16xi32>
          %add3A_927 = arith.addi %iota3A, %add3A_926 : vector<16xi32>
          %gather3A_928 = tpu.vector_load_idx %arg9[%add3A_927, %broadcast_in_dim3A_897] : memref<64x640xf32, #tpu.memory_space<vmem>>[vector<16xi32>, vector<16xi32>], vector<16xf32>,
          %add3A_929 = arith.constant 16 : i32
          %add3A_930 = arith.addi %mul3A_915, %add3A_929 : i32
          %swap3A_931 = arith.index_cast %add3A_930 : i32 to index
          %swap3A_932 = tpu.vector_load %arg12[%swap3A_931] {strides = array<i32>} : memref<4096xf32, #tpu.memory_space<vmem>>, vector<16xf32>,
          tpu.vector_store %arg12[%swap3A_931], %gather3A_928 {strides = array<i32>} : memref<4096xf32, #tpu.memory_space<vmem>>, vector<16xf32>,
          %add3A_933 = arith.constant 32 : i32
          %add3A_934 = vector.broadcast %add3A_933 : i32 to vector<16xi32>
          %add3A_935 = arith.addi %iota3A, %add3A_934 : vector<16xi32>
          %gather3A_936 = tpu.vector_load_idx %arg9[%add3A_935, %broadcast_in_dim3A_897] : memref<64x640xf32, #tpu.memory_space<vmem>>[vector<16xi32>, vector<16xi32>], vector<16xf32>,
          %add3A_937 = arith.constant 32 : i32
          %add3A_938 = arith.addi %mul3A_915, %add3A_937 : i32
          %swap3A_939 = arith.index_cast %add3A_938 : i32 to index
          %swap3A_940 = tpu.vector_load %arg12[%swap3A_939] {strides = array<i32>} : memref<4096xf32, #tpu.memory_space<vmem>>, vector<16xf32>,
          tpu.vector_store %arg12[%swap3A_939], %gather3A_936 {strides = array<i32>} : memref<4096xf32, #tpu.memory_space<vmem>>, vector<16xf32>,
          %add3A_941 = arith.constant 48 : i32
          %add3A_942 = vector.broadcast %add3A_941 : i32 to vector<16xi32>
          %add3A_943 = arith.addi %iota3A, %add3A_942 : vector<16xi32>
          %gather3A_944 = tpu.vector_load_idx %arg9[%add3A_943, %broadcast_in_dim3A_897] : memref<64x640xf32, #tpu.memory_space<vmem>>[vector<16xi32>, vector<16xi32>], vector<16xf32>,
          %add3A_945 = arith.constant 48 : i32
          %add3A_946 = arith.addi %mul3A_915, %add3A_945 : i32
          %swap3A_947 = arith.index_cast %add3A_946 : i32 to index
          %swap3A_948 = tpu.vector_load %arg12[%swap3A_947] {strides = array<i32>} : memref<4096xf32, #tpu.memory_space<vmem>>, vector<16xf32>,
          tpu.vector_store %arg12[%swap3A_947], %gather3A_944 {strides = array<i32>} : memref<4096xf32, #tpu.memory_space<vmem>>, vector<16xf32>,
          %mul3A_949 = arith.constant 64 : i32
          %mul3A_950 = arith.muli %and3A_896, %mul3A_949 : i32
          %dma_start3A_951 = tpu.memref_slice %arg12[%mul3A_915] : memref<4096xf32, #tpu.memory_space<vmem>> -> memref<64xf32, #tpu.memory_space<vmem>>
          %dma_start3A_952 = tpu.memref_slice %arg5[%mul3A_950] : memref<1048576xf32, #tpu.memory_space<hbm>> -> memref<64xf32, #tpu.memory_space<hbm>>
          %dma_start3A_953 = tpu.memref_slice %arg5[%mul3A_950] : memref<1048576xf32, #tpu.memory_space<hbm>> -> memref<64xf32, #tpu.memory_space<hbm>>
          %dma_start3A_954 = tpu.memref_slice %arg12[%mul3A_915] : memref<4096xf32, #tpu.memory_space<vmem>> -> memref<64xf32, #tpu.memory_space<vmem>>
          tpu.enqueue_dma source(%dma_start3A_954 : memref<64xf32, #tpu.memory_space<vmem>>) target(%dma_start3A_953 : memref<64xf32, #tpu.memory_space<hbm>>) target_semaphore(%arg13 : memref<!tpu.dma_semaphore, #tpu.memory_space<semaphore_mem>>)
          %add3A_955 = arith.constant 1 : i32
          %add3A_956 = arith.addi %while3A_887, %add3A_955 : i32
          scf.yield %add3A_956 : i32
        }
        %while3A_884 = arith.constant 1 : i32
        %while3A_885 = scf.for %while3A_886 = %while3A_881 to %while3A_877 step %while3A_884 iter_args(%while3A_887 = %while3A_883) -> (i32)  : i32 {
          %get3A_888 = arith.index_cast %while3A_886 : i32 to index
          %get3A_889 = tpu.vector_load %arg8[%get3A_888] {strides = array<i32>} : memref<32xi32, #tpu.memory_space<vmem>>, vector<16xi32>,
          %slice3A_890 = vector.extract_strided_slice %get3A_889 {offsets = [0], sizes = [1], strides = [1]} : vector<16xi32> to vector<1xi32>
          %squeeze3A_891 = vector.extract %slice3A_890[0] : i32 from vector<1xi32>
          %shift_right_arithmetic3A_892 = arith.constant 14 : i32
          %shift_right_arithmetic3A_893 = arith.shrsi %squeeze3A_891, %shift_right_arithmetic3A_892 : i32
          %sub3A_894 = arith.subi %shift_right_arithmetic3A_893, %sub3A_554 : i32
          %and3A_895 = arith.constant 16383 : i32
          %and3A_896 = arith.andi %squeeze3A_891, %and3A_895 : i32
          %broadcast_in_dim3A_897 = vector.broadcast %sub3A_894 : i32 to vector<16xi32>
          %jit3A_898 = arith.constant 64 : i32
          %eq3A_899 = arith.constant 0 : i32
          %eq3A_900 = arith.cmpi eq, %jit3A_898, %eq3A_899 : i32
          %jit3A_901 = arith.constant 1 : i32
          %select_n3A_902 = arith.select %eq3A_900, %jit3A_901, %jit3A_898 : i32
          %rem3A_903 = arith.remsi %while3A_887, %select_n3A_902 : i32
          %ne3A_904 = arith.constant 0 : i32
          %ne3A_905 = arith.cmpi ne, %rem3A_903, %ne3A_904 : i32
          %lt3A_906 = arith.constant 0 : i32
          %lt3A_907 = arith.cmpi slt, %rem3A_903, %lt3A_906 : i32
          %lt3A_908 = arith.constant 0 : i32
          %lt3A_909 = arith.cmpi slt, %select_n3A_902, %lt3A_908 : i32
          %ne3A_910 = arith.xori %lt3A_907, %lt3A_909 : i1
          %and3A_911 = arith.andi %ne3A_910, %ne3A_905 : i1
          %add3A_912 = arith.addi %rem3A_903, %select_n3A_902 : i32
          %select_n3A_913 = arith.select %and3A_911, %add3A_912, %rem3A_903 : i32
          %mul3A_914 = arith.constant 64 : i32
          %mul3A_915 = arith.muli %select_n3A_913, %mul3A_914 : i32
          %ge3A = arith.constant 64 : i32
          %ge3A_916 = arith.cmpi sge, %while3A_887, %ge3A : i32
          %convert_element_type3A = arith.extui %ge3A_916 : i1 to i32
          %cond3A = arith.constant 0 : i32
          %cond3A_917 = arith.cmpi ne, %convert_element_type3A, %cond3A : i32
          scf.if %cond3A_917 {
            %dma_wait3A_957 = arith.constant 0 : i32
            %dma_wait3A_958 = tpu.memref_slice %arg12[%dma_wait3A_957] : memref<4096xf32, #tpu.memory_space<vmem>> -> memref<64xf32, #tpu.memory_space<vmem>>
            %dma_wait3A_959 = arith.constant 0 : i32
            %dma_wait3A_960 = tpu.memref_slice %arg5[%dma_wait3A_959] : memref<1048576xf32, #tpu.memory_space<hbm>> -> memref<64xf32, #tpu.memory_space<hbm>>
            %dma_wait3A_961 = arith.constant 0 : i32
            %dma_wait3A_962 = tpu.memref_slice %arg12[%dma_wait3A_961] : memref<4096xf32, #tpu.memory_space<vmem>> -> memref<64xf32, #tpu.memory_space<vmem>>
            %dma_wait3A_963 = arith.constant 0 : i32
            %dma_wait3A_964 = tpu.memref_slice %arg5[%dma_wait3A_963] : memref<1048576xf32, #tpu.memory_space<hbm>> -> memref<64xf32, #tpu.memory_space<hbm>>
            tpu.wait_dma2 semaphore(%arg13 : memref<!tpu.dma_semaphore, #tpu.memory_space<semaphore_mem>>) src(%dma_wait3A_964 : memref<64xf32, #tpu.memory_space<hbm>>) dst(%dma_wait3A_962 : memref<64xf32, #tpu.memory_space<vmem>>)
          } else {
          }
          %add3A_918 = arith.constant 0 : i32
          %add3A_919 = vector.broadcast %add3A_918 : i32 to vector<16xi32>
          %add3A_920 = arith.addi %iota3A, %add3A_919 : vector<16xi32>
          %gather3A = tpu.vector_load_idx %arg9[%add3A_920, %broadcast_in_dim3A_897] : memref<64x640xf32, #tpu.memory_space<vmem>>[vector<16xi32>, vector<16xi32>], vector<16xf32>,
          %add3A_921 = arith.constant 0 : i32
          %add3A_922 = arith.addi %mul3A_915, %add3A_921 : i32
          %swap3A_923 = arith.index_cast %add3A_922 : i32 to index
          %swap3A_924 = tpu.vector_load %arg12[%swap3A_923] {strides = array<i32>} : memref<4096xf32, #tpu.memory_space<vmem>>, vector<16xf32>,
          tpu.vector_store %arg12[%swap3A_923], %gather3A {strides = array<i32>} : memref<4096xf32, #tpu.memory_space<vmem>>, vector<16xf32>,
          %add3A_925 = arith.constant 16 : i32
          %add3A_926 = vector.broadcast %add3A_925 : i32 to vector<16xi32>
          %add3A_927 = arith.addi %iota3A, %add3A_926 : vector<16xi32>
          %gather3A_928 = tpu.vector_load_idx %arg9[%add3A_927, %broadcast_in_dim3A_897] : memref<64x640xf32, #tpu.memory_space<vmem>>[vector<16xi32>, vector<16xi32>], vector<16xf32>,
          %add3A_929 = arith.constant 16 : i32
          %add3A_930 = arith.addi %mul3A_915, %add3A_929 : i32
          %swap3A_931 = arith.index_cast %add3A_930 : i32 to index
          %swap3A_932 = tpu.vector_load %arg12[%swap3A_931] {strides = array<i32>} : memref<4096xf32, #tpu.memory_space<vmem>>, vector<16xf32>,
          tpu.vector_store %arg12[%swap3A_931], %gather3A_928 {strides = array<i32>} : memref<4096xf32, #tpu.memory_space<vmem>>, vector<16xf32>,
          %add3A_933 = arith.constant 32 : i32
          %add3A_934 = vector.broadcast %add3A_933 : i32 to vector<16xi32>
          %add3A_935 = arith.addi %iota3A, %add3A_934 : vector<16xi32>
          %gather3A_936 = tpu.vector_load_idx %arg9[%add3A_935, %broadcast_in_dim3A_897] : memref<64x640xf32, #tpu.memory_space<vmem>>[vector<16xi32>, vector<16xi32>], vector<16xf32>,
          %add3A_937 = arith.constant 32 : i32
          %add3A_938 = arith.addi %mul3A_915, %add3A_937 : i32
          %swap3A_939 = arith.index_cast %add3A_938 : i32 to index
          %swap3A_940 = tpu.vector_load %arg12[%swap3A_939] {strides = array<i32>} : memref<4096xf32, #tpu.memory_space<vmem>>, vector<16xf32>,
          tpu.vector_store %arg12[%swap3A_939], %gather3A_936 {strides = array<i32>} : memref<4096xf32, #tpu.memory_space<vmem>>, vector<16xf32>,
          %add3A_941 = arith.constant 48 : i32
          %add3A_942 = vector.broadcast %add3A_941 : i32 to vector<16xi32>
          %add3A_943 = arith.addi %iota3A, %add3A_942 : vector<16xi32>
          %gather3A_944 = tpu.vector_load_idx %arg9[%add3A_943, %broadcast_in_dim3A_897] : memref<64x640xf32, #tpu.memory_space<vmem>>[vector<16xi32>, vector<16xi32>], vector<16xf32>,
          %add3A_945 = arith.constant 48 : i32
          %add3A_946 = arith.addi %mul3A_915, %add3A_945 : i32
          %swap3A_947 = arith.index_cast %add3A_946 : i32 to index
          %swap3A_948 = tpu.vector_load %arg12[%swap3A_947] {strides = array<i32>} : memref<4096xf32, #tpu.memory_space<vmem>>, vector<16xf32>,
          tpu.vector_store %arg12[%swap3A_947], %gather3A_944 {strides = array<i32>} : memref<4096xf32, #tpu.memory_space<vmem>>, vector<16xf32>,
          %mul3A_949 = arith.constant 64 : i32
          %mul3A_950 = arith.muli %and3A_896, %mul3A_949 : i32
          %dma_start3A_951 = tpu.memref_slice %arg12[%mul3A_915] : memref<4096xf32, #tpu.memory_space<vmem>> -> memref<64xf32, #tpu.memory_space<vmem>>
          %dma_start3A_952 = tpu.memref_slice %arg5[%mul3A_950] : memref<1048576xf32, #tpu.memory_space<hbm>> -> memref<64xf32, #tpu.memory_space<hbm>>
          %dma_start3A_953 = tpu.memref_slice %arg5[%mul3A_950] : memref<1048576xf32, #tpu.memory_space<hbm>> -> memref<64xf32, #tpu.memory_space<hbm>>
          %dma_start3A_954 = tpu.memref_slice %arg12[%mul3A_915] : memref<4096xf32, #tpu.memory_space<vmem>> -> memref<64xf32, #tpu.memory_space<vmem>>
          tpu.enqueue_dma source(%dma_start3A_954 : memref<64xf32, #tpu.memory_space<vmem>>) target(%dma_start3A_953 : memref<64xf32, #tpu.memory_space<hbm>>) target_semaphore(%arg13 : memref<!tpu.dma_semaphore, #tpu.memory_space<semaphore_mem>>)
          %add3A_955 = arith.constant 1 : i32
          %add3A_956 = arith.addi %while3A_887, %add3A_955 : i32
          scf.yield %add3A_956 : i32
        }
        scf.yield %while3A_885 : i32
      }
      %mul3A_687 = arith.constant 2 : i32
      %mul3A_688 = arith.muli %mul3A_687, %scan3A_539 : i32
      %add3A_689 = arith.constant 2 : i32
      %add3A_690 = arith.addi %mul3A_688, %add3A_689 : i32
      %mul3A_691 = arith.constant 640 : i32
      %mul3A_692 = arith.muli %add3A_690, %mul3A_691 : i32
      %add3A_693 = arith.addi %mul3A_2, %mul3A_692 : i32
      %min3A_694 = arith.constant 999296 : i32
      %min3A_695 = arith.minsi %add3A_693, %min3A_694 : i32
      %dma_start3A_696 = arith.constant 0 : i32
      %dma_start3A_697 = tpu.memref_slice %arg2[%dma_start3A_696, %min3A_695] : memref<64x1000000xf32, #tpu.memory_space<hbm>> -> memref<64x640xf32, #tpu.memory_space<hbm>>
      %dma_start3A_698 = arith.constant 0 : i32
      %dma_start3A_699 = tpu.memref_slice %arg2[%dma_start3A_698, %min3A_695] : memref<64x1000000xf32, #tpu.memory_space<hbm>> -> memref<64x640xf32, #tpu.memory_space<hbm>>
      tpu.enqueue_dma source(%dma_start3A_699 : memref<64x640xf32, #tpu.memory_space<hbm>>) target(%arg9 : memref<64x640xf32, #tpu.memory_space<vmem>>) target_semaphore(%arg14 : memref<!tpu.dma_semaphore, #tpu.memory_space<semaphore_mem>>)
      %dma_wait3A_700 = arith.constant 0 : i32
      %dma_wait3A_701 = arith.constant 0 : i32
      %dma_wait3A_702 = tpu.memref_slice %arg2[%dma_wait3A_700, %dma_wait3A_701] : memref<64x1000000xf32, #tpu.memory_space<hbm>> -> memref<64x640xf32, #tpu.memory_space<hbm>>
      %dma_wait3A_703 = arith.constant 0 : i32
      %dma_wait3A_704 = arith.constant 0 : i32
      %dma_wait3A_705 = tpu.memref_slice %arg2[%dma_wait3A_703, %dma_wait3A_704] : memref<64x1000000xf32, #tpu.memory_space<hbm>> -> memref<64x640xf32, #tpu.memory_space<hbm>>
      tpu.wait_dma2 semaphore(%arg14 : memref<!tpu.dma_semaphore, #tpu.memory_space<semaphore_mem>>) src(%dma_wait3A_705 : memref<64x640xf32, #tpu.memory_space<hbm>>) dst(%arg10 : memref<64x640xf32, #tpu.memory_space<vmem>>)
      %mul3A_706 = arith.constant 2 : i32
      %mul3A_707 = arith.muli %mul3A_706, %scan3A_539 : i32
      %add3A_708 = arith.constant 1 : i32
      %add3A_709 = arith.addi %mul3A_707, %add3A_708 : i32
      %mul3A_710 = arith.constant 640 : i32
      %mul3A_711 = arith.muli %add3A_709, %mul3A_710 : i32
      %add3A_712 = arith.addi %mul3A_2, %mul3A_711 : i32
      %min3A_713 = arith.constant 999296 : i32
      %min3A_714 = arith.minsi %add3A_712, %min3A_713 : i32
      %sub3A_715 = arith.subi %min3A_714, %mul3A_2 : i32
      %jit3A_716 = arith.constant 5120 : i32
      %div3A_717 = arith.divsi %sub3A_715, %jit3A_716 : i32
      %sign3A_718 = arith.constant 0 : i32
      %sign3A_719 = arith.cmpi sgt, %sub3A_715, %sign3A_718 : i32
      %sign3A_720 = arith.extui %sign3A_719 : i1 to i32
      %sign3A_721 = arith.constant 0 : i32
      %sign3A_722 = arith.cmpi slt, %sub3A_715, %sign3A_721 : i32
      %sign3A_723 = arith.extui %sign3A_722 : i1 to i32
      %sign3A_724 = arith.subi %sign3A_720, %sign3A_723 : i32
      %sign3A_725 = arith.constant 0 : i32
      %sign3A_726 = arith.cmpi sgt, %jit3A_716, %sign3A_725 : i32
      %sign3A_727 = arith.extui %sign3A_726 : i1 to i32
      %sign3A_728 = arith.constant 0 : i32
      %sign3A_729 = arith.cmpi slt, %jit3A_716, %sign3A_728 : i32
      %sign3A_730 = arith.extui %sign3A_729 : i1 to i32
      %sign3A_731 = arith.subi %sign3A_727, %sign3A_730 : i32
      %ne3A_732 = arith.cmpi ne, %sign3A_724, %sign3A_731 : i32
      %rem3A_733 = arith.remsi %sub3A_715, %jit3A_716 : i32
      %ne3A_734 = arith.constant 0 : i32
      %ne3A_735 = arith.cmpi ne, %rem3A_733, %ne3A_734 : i32
      %and3A_736 = arith.andi %ne3A_732, %ne3A_735 : i1
      %sub3A_737 = arith.constant 1 : i32
      %sub3A_738 = arith.subi %div3A_717, %sub3A_737 : i32
      %select_n3A_739 = arith.select %and3A_736, %sub3A_738, %div3A_717 : i32
      %add3A_740 = arith.constant 640 : i32
      %add3A_741 = arith.addi %sub3A_715, %add3A_740 : i32
      %sub3A_742 = arith.constant 1 : i32
      %sub3A_743 = arith.subi %add3A_741, %sub3A_742 : i32
      %jit3A_744 = arith.constant 5120 : i32
      %div3A_745 = arith.divsi %sub3A_743, %jit3A_744 : i32
      %sign3A_746 = arith.constant 0 : i32
      %sign3A_747 = arith.cmpi sgt, %sub3A_743, %sign3A_746 : i32
      %sign3A_748 = arith.extui %sign3A_747 : i1 to i32
      %sign3A_749 = arith.constant 0 : i32
      %sign3A_750 = arith.cmpi slt, %sub3A_743, %sign3A_749 : i32
      %sign3A_751 = arith.extui %sign3A_750 : i1 to i32
      %sign3A_752 = arith.subi %sign3A_748, %sign3A_751 : i32
      %sign3A_753 = arith.constant 0 : i32
      %sign3A_754 = arith.cmpi sgt, %jit3A_744, %sign3A_753 : i32
      %sign3A_755 = arith.extui %sign3A_754 : i1 to i32
      %sign3A_756 = arith.constant 0 : i32
      %sign3A_757 = arith.cmpi slt, %jit3A_744, %sign3A_756 : i32
      %sign3A_758 = arith.extui %sign3A_757 : i1 to i32
      %sign3A_759 = arith.subi %sign3A_755, %sign3A_758 : i32
      %ne3A_760 = arith.cmpi ne, %sign3A_752, %sign3A_759 : i32
      %rem3A_761 = arith.remsi %sub3A_743, %jit3A_744 : i32
      %ne3A_762 = arith.constant 0 : i32
      %ne3A_763 = arith.cmpi ne, %rem3A_761, %ne3A_762 : i32
      %and3A_764 = arith.andi %ne3A_760, %ne3A_763 : i1
      %sub3A_765 = arith.constant 1 : i32
      %sub3A_766 = arith.subi %div3A_745, %sub3A_765 : i32
      %select_n3A_767 = arith.select %and3A_764, %sub3A_766, %div3A_745 : i32
      %iota3A_768 = tpu.iota {dimensions = array<i32: 0>} : vector<16xi32>
      %eq3A_769 = vector.broadcast %select_n3A_739 : i32 to vector<16xi32>
      %eq3A_770 = arith.cmpi eq, %iota3A_768, %eq3A_769 : vector<16xi32>
      %jit3A_771 = arith.constant 0 : i32
      %broadcast_in_dim3A_772 = vector.broadcast %jit3A_771 : i32 to vector<16xi32>
      %select_n3A_773 = arith.select %eq3A_770, %select_n3A_230, %broadcast_in_dim3A_772 : vector<16xi1>, vector<16xi32>
      %iota3A_774 = tpu.iota {dimensions = array<i32: 0>} : vector<16xi32>
      %eq3A_775 = vector.broadcast %select_n3A_767 : i32 to vector<16xi32>
      %eq3A_776 = arith.cmpi eq, %iota3A_774, %eq3A_775 : vector<16xi32>
      %jit3A_777 = arith.constant 0 : i32
      %broadcast_in_dim3A_778 = vector.broadcast %jit3A_777 : i32 to vector<16xi32>
      %select_n3A_779 = arith.select %eq3A_776, %select_n3A_236, %broadcast_in_dim3A_778 : vector<16xi1>, vector<16xi32>
      %reduce_sum3A_780 = arith.constant true
      %reduce_sum3A_781 = vector.broadcast %reduce_sum3A_780 : i1 to vector<16xi1>
      %reduce_sum3A_782 = tpu.scan <sum>, %select_n3A_773 masked %reduce_sum3A_781 : vector<16xi32>, vector<16xi1> -> vector<16xi32>
      %reduce_sum3A_783 = vector.extract %reduce_sum3A_782[15] : i32 from vector<16xi32>
      %jit3A_784 = arith.constant 16 : i32
      %div3A_785 = arith.divsi %reduce_sum3A_783, %jit3A_784 : i32
      %sign3A_786 = arith.constant 0 : i32
      %sign3A_787 = arith.cmpi sgt, %reduce_sum3A_783, %sign3A_786 : i32
      %sign3A_788 = arith.extui %sign3A_787 : i1 to i32
      %sign3A_789 = arith.constant 0 : i32
      %sign3A_790 = arith.cmpi slt, %reduce_sum3A_783, %sign3A_789 : i32
      %sign3A_791 = arith.extui %sign3A_790 : i1 to i32
      %sign3A_792 = arith.subi %sign3A_788, %sign3A_791 : i32
      %sign3A_793 = arith.constant 0 : i32
      %sign3A_794 = arith.cmpi sgt, %jit3A_784, %sign3A_793 : i32
      %sign3A_795 = arith.extui %sign3A_794 : i1 to i32
      %sign3A_796 = arith.constant 0 : i32
      %sign3A_797 = arith.cmpi slt, %jit3A_784, %sign3A_796 : i32
      %sign3A_798 = arith.extui %sign3A_797 : i1 to i32
      %sign3A_799 = arith.subi %sign3A_795, %sign3A_798 : i32
      %ne3A_800 = arith.cmpi ne, %sign3A_792, %sign3A_799 : i32
      %rem3A_801 = arith.remsi %reduce_sum3A_783, %jit3A_784 : i32
      %ne3A_802 = arith.constant 0 : i32
      %ne3A_803 = arith.cmpi ne, %rem3A_801, %ne3A_802 : i32
      %and3A_804 = arith.andi %ne3A_800, %ne3A_803 : i1
      %sub3A_805 = arith.constant 1 : i32
      %sub3A_806 = arith.subi %div3A_785, %sub3A_805 : i32
      %select_n3A_807 = arith.select %and3A_804, %sub3A_806, %div3A_785 : i32
      %reduce_sum3A_808 = arith.constant true
      %reduce_sum3A_809 = vector.broadcast %reduce_sum3A_808 : i1 to vector<16xi1>
      %reduce_sum3A_810 = tpu.scan <sum>, %select_n3A_779 masked %reduce_sum3A_809 : vector<16xi32>, vector<16xi1> -> vector<16xi32>
      %reduce_sum3A_811 = vector.extract %reduce_sum3A_810[15] : i32 from vector<16xi32>
      %add3A_812 = arith.constant 15 : i32
      %add3A_813 = arith.addi %reduce_sum3A_811, %add3A_812 : i32
      %jit3A_814 = arith.constant 16 : i32
      %div3A_815 = arith.divsi %add3A_813, %jit3A_814 : i32
      %sign3A_816 = arith.constant 0 : i32
      %sign3A_817 = arith.cmpi sgt, %add3A_813, %sign3A_816 : i32
      %sign3A_818 = arith.extui %sign3A_817 : i1 to i32
      %sign3A_819 = arith.constant 0 : i32
      %sign3A_820 = arith.cmpi slt, %add3A_813, %sign3A_819 : i32
      %sign3A_821 = arith.extui %sign3A_820 : i1 to i32
      %sign3A_822 = arith.subi %sign3A_818, %sign3A_821 : i32
      %sign3A_823 = arith.constant 0 : i32
      %sign3A_824 = arith.cmpi sgt, %jit3A_814, %sign3A_823 : i32
      %sign3A_825 = arith.extui %sign3A_824 : i1 to i32
      %sign3A_826 = arith.constant 0 : i32
      %sign3A_827 = arith.cmpi slt, %jit3A_814, %sign3A_826 : i32
      %sign3A_828 = arith.extui %sign3A_827 : i1 to i32
      %sign3A_829 = arith.subi %sign3A_825, %sign3A_828 : i32
      %ne3A_830 = arith.cmpi ne, %sign3A_822, %sign3A_829 : i32
      %rem3A_831 = arith.remsi %add3A_813, %jit3A_814 : i32
      %ne3A_832 = arith.constant 0 : i32
      %ne3A_833 = arith.cmpi ne, %rem3A_831, %ne3A_832 : i32
      %and3A_834 = arith.andi %ne3A_830, %ne3A_833 : i1
      %sub3A_835 = arith.constant 1 : i32
      %sub3A_836 = arith.subi %div3A_815, %sub3A_835 : i32
      %select_n3A_837 = arith.select %and3A_834, %sub3A_836, %div3A_815 : i32
      %while3A_838 = arith.subi %select_n3A_837, %select_n3A_807 : i32
      %while3A_839 = arith.addi %select_n3A_807, %while3A_838 : i32
      %while3A_840 = arith.constant 1 : i32
      %while3A_841 = arith.divsi %while3A_838, %while3A_840 : i32
      %while3A_842 = arith.muli %while3A_841, %while3A_840 : i32
      %while3A_843 = arith.addi %select_n3A_807, %while3A_842 : i32
      %while3A_844 = arith.constant 1 : i32
      %while3A_845 = scf.for %while3A_861 = %select_n3A_807 to %while3A_843 step %while3A_844 iter_args(%while3A_862 = %while3A_686) -> (i32)  : i32 {
        %mul3A_863 = arith.constant 16 : i32
        %mul3A_864 = arith.muli %while3A_861, %mul3A_863 : i32
        %get3A = arith.index_cast %mul3A_864 : i32 to index
        %get3A_865 = tpu.vector_load %arg6[%get3A] {strides = array<i32>} : memref<16400xi32, #tpu.memory_space<vmem>>, vector<16xi32>,
        %shift_right_arithmetic3A = arith.constant 14 : i32
        %shift_right_arithmetic3A_866 = vector.broadcast %shift_right_arithmetic3A : i32 to vector<16xi32>
        %shift_right_arithmetic3A_867 = arith.shrsi %get3A_865, %shift_right_arithmetic3A_866 : vector<16xi32>
        %le3A = vector.broadcast %sub3A_715 : i32 to vector<16xi32>
        %le3A_868 = arith.cmpi sle, %le3A, %shift_right_arithmetic3A_867 : vector<16xi32>
        %add3A_869 = arith.constant 640 : i32
        %add3A_870 = arith.addi %sub3A_715, %add3A_869 : i32
        %lt3A = vector.broadcast %add3A_870 : i32 to vector<16xi32>
        %lt3A_871 = arith.cmpi slt, %shift_right_arithmetic3A_867, %lt3A : vector<16xi32>
        %and3A_872 = arith.andi %le3A_868, %lt3A_871 : vector<16xi1>
        %swap3A_873 = arith.constant 0 : index
        %swap3A_874 = tpu.vector_load %arg8[%swap3A_873] masked %and3A_872 {strides = array<i32>} : memref<32xi32, #tpu.memory_space<vmem>>, vector<16xi32>, vector<16xi1>
        tpu.vector_store %arg8[%swap3A_873], %get3A_865 masked %and3A_872 {strides = array<i32>} : memref<32xi32, #tpu.memory_space<vmem>>, vector<16xi32>, vector<16xi1>
        %all_reduce_population_count3A = tpu.all_reduce %and3A_872 {dim = 0 : i64, kind = #tpu.reduction_kind<sum>} : vector<16xi1> -> vector<16xi32>
        %slice3A = vector.extract_strided_slice %all_reduce_population_count3A {offsets = [0], sizes = [1], strides = [1]} : vector<16xi32> to vector<1xi32>
        %squeeze3A = vector.extract %slice3A[0] : i32 from vector<1xi32>
        %while3A_875 = arith.constant 0 : i32
        %while3A_876 = arith.subi %squeeze3A, %while3A_875 : i32
        %while3A_877 = arith.addi %while3A_875, %while3A_876 : i32
        %while3A_878 = arith.constant 1 : i32
        %while3A_879 = arith.divsi %while3A_876, %while3A_878 : i32
        %while3A_880 = arith.muli %while3A_879, %while3A_878 : i32
        %while3A_881 = arith.addi %while3A_875, %while3A_880 : i32
        %while3A_882 = arith.constant 1 : i32
        %while3A_883 = scf.for %while3A_886 = %while3A_875 to %while3A_881 step %while3A_882 iter_args(%while3A_887 = %while3A_862) -> (i32)  : i32 {
          %get3A_888 = arith.index_cast %while3A_886 : i32 to index
          %get3A_889 = tpu.vector_load %arg8[%get3A_888] {strides = array<i32>} : memref<32xi32, #tpu.memory_space<vmem>>, vector<16xi32>,
          %slice3A_890 = vector.extract_strided_slice %get3A_889 {offsets = [0], sizes = [1], strides = [1]} : vector<16xi32> to vector<1xi32>
          %squeeze3A_891 = vector.extract %slice3A_890[0] : i32 from vector<1xi32>
          %shift_right_arithmetic3A_892 = arith.constant 14 : i32
          %shift_right_arithmetic3A_893 = arith.shrsi %squeeze3A_891, %shift_right_arithmetic3A_892 : i32
          %sub3A_894 = arith.subi %shift_right_arithmetic3A_893, %sub3A_715 : i32
          %and3A_895 = arith.constant 16383 : i32
          %and3A_896 = arith.andi %squeeze3A_891, %and3A_895 : i32
          %broadcast_in_dim3A_897 = vector.broadcast %sub3A_894 : i32 to vector<16xi32>
          %jit3A_898 = arith.constant 64 : i32
          %eq3A_899 = arith.constant 0 : i32
          %eq3A_900 = arith.cmpi eq, %jit3A_898, %eq3A_899 : i32
          %jit3A_901 = arith.constant 1 : i32
          %select_n3A_902 = arith.select %eq3A_900, %jit3A_901, %jit3A_898 : i32
          %rem3A_903 = arith.remsi %while3A_887, %select_n3A_902 : i32
          %ne3A_904 = arith.constant 0 : i32
          %ne3A_905 = arith.cmpi ne, %rem3A_903, %ne3A_904 : i32
          %lt3A_906 = arith.constant 0 : i32
          %lt3A_907 = arith.cmpi slt, %rem3A_903, %lt3A_906 : i32
          %lt3A_908 = arith.constant 0 : i32
          %lt3A_909 = arith.cmpi slt, %select_n3A_902, %lt3A_908 : i32
          %ne3A_910 = arith.xori %lt3A_907, %lt3A_909 : i1
          %and3A_911 = arith.andi %ne3A_910, %ne3A_905 : i1
          %add3A_912 = arith.addi %rem3A_903, %select_n3A_902 : i32
          %select_n3A_913 = arith.select %and3A_911, %add3A_912, %rem3A_903 : i32
          %mul3A_914 = arith.constant 64 : i32
          %mul3A_915 = arith.muli %select_n3A_913, %mul3A_914 : i32
          %ge3A = arith.constant 64 : i32
          %ge3A_916 = arith.cmpi sge, %while3A_887, %ge3A : i32
          %convert_element_type3A = arith.extui %ge3A_916 : i1 to i32
          %cond3A = arith.constant 0 : i32
          %cond3A_917 = arith.cmpi ne, %convert_element_type3A, %cond3A : i32
          scf.if %cond3A_917 {
            %dma_wait3A_957 = arith.constant 0 : i32
            %dma_wait3A_958 = tpu.memref_slice %arg12[%dma_wait3A_957] : memref<4096xf32, #tpu.memory_space<vmem>> -> memref<64xf32, #tpu.memory_space<vmem>>
            %dma_wait3A_959 = arith.constant 0 : i32
            %dma_wait3A_960 = tpu.memref_slice %arg5[%dma_wait3A_959] : memref<1048576xf32, #tpu.memory_space<hbm>> -> memref<64xf32, #tpu.memory_space<hbm>>
            %dma_wait3A_961 = arith.constant 0 : i32
            %dma_wait3A_962 = tpu.memref_slice %arg12[%dma_wait3A_961] : memref<4096xf32, #tpu.memory_space<vmem>> -> memref<64xf32, #tpu.memory_space<vmem>>
            %dma_wait3A_963 = arith.constant 0 : i32
            %dma_wait3A_964 = tpu.memref_slice %arg5[%dma_wait3A_963] : memref<1048576xf32, #tpu.memory_space<hbm>> -> memref<64xf32, #tpu.memory_space<hbm>>
            tpu.wait_dma2 semaphore(%arg13 : memref<!tpu.dma_semaphore, #tpu.memory_space<semaphore_mem>>) src(%dma_wait3A_964 : memref<64xf32, #tpu.memory_space<hbm>>) dst(%dma_wait3A_962 : memref<64xf32, #tpu.memory_space<vmem>>)
          } else {
          }
          %add3A_918 = arith.constant 0 : i32
          %add3A_919 = vector.broadcast %add3A_918 : i32 to vector<16xi32>
          %add3A_920 = arith.addi %iota3A, %add3A_919 : vector<16xi32>
          %gather3A = tpu.vector_load_idx %arg10[%add3A_920, %broadcast_in_dim3A_897] : memref<64x640xf32, #tpu.memory_space<vmem>>[vector<16xi32>, vector<16xi32>], vector<16xf32>,
          %add3A_921 = arith.constant 0 : i32
          %add3A_922 = arith.addi %mul3A_915, %add3A_921 : i32
          %swap3A_923 = arith.index_cast %add3A_922 : i32 to index
          %swap3A_924 = tpu.vector_load %arg12[%swap3A_923] {strides = array<i32>} : memref<4096xf32, #tpu.memory_space<vmem>>, vector<16xf32>,
          tpu.vector_store %arg12[%swap3A_923], %gather3A {strides = array<i32>} : memref<4096xf32, #tpu.memory_space<vmem>>, vector<16xf32>,
          %add3A_925 = arith.constant 16 : i32
          %add3A_926 = vector.broadcast %add3A_925 : i32 to vector<16xi32>
          %add3A_927 = arith.addi %iota3A, %add3A_926 : vector<16xi32>
          %gather3A_928 = tpu.vector_load_idx %arg10[%add3A_927, %broadcast_in_dim3A_897] : memref<64x640xf32, #tpu.memory_space<vmem>>[vector<16xi32>, vector<16xi32>], vector<16xf32>,
          %add3A_929 = arith.constant 16 : i32
          %add3A_930 = arith.addi %mul3A_915, %add3A_929 : i32
          %swap3A_931 = arith.index_cast %add3A_930 : i32 to index
          %swap3A_932 = tpu.vector_load %arg12[%swap3A_931] {strides = array<i32>} : memref<4096xf32, #tpu.memory_space<vmem>>, vector<16xf32>,
          tpu.vector_store %arg12[%swap3A_931], %gather3A_928 {strides = array<i32>} : memref<4096xf32, #tpu.memory_space<vmem>>, vector<16xf32>,
          %add3A_933 = arith.constant 32 : i32
          %add3A_934 = vector.broadcast %add3A_933 : i32 to vector<16xi32>
          %add3A_935 = arith.addi %iota3A, %add3A_934 : vector<16xi32>
          %gather3A_936 = tpu.vector_load_idx %arg10[%add3A_935, %broadcast_in_dim3A_897] : memref<64x640xf32, #tpu.memory_space<vmem>>[vector<16xi32>, vector<16xi32>], vector<16xf32>,
          %add3A_937 = arith.constant 32 : i32
          %add3A_938 = arith.addi %mul3A_915, %add3A_937 : i32
          %swap3A_939 = arith.index_cast %add3A_938 : i32 to index
          %swap3A_940 = tpu.vector_load %arg12[%swap3A_939] {strides = array<i32>} : memref<4096xf32, #tpu.memory_space<vmem>>, vector<16xf32>,
          tpu.vector_store %arg12[%swap3A_939], %gather3A_936 {strides = array<i32>} : memref<4096xf32, #tpu.memory_space<vmem>>, vector<16xf32>,
          %add3A_941 = arith.constant 48 : i32
          %add3A_942 = vector.broadcast %add3A_941 : i32 to vector<16xi32>
          %add3A_943 = arith.addi %iota3A, %add3A_942 : vector<16xi32>
          %gather3A_944 = tpu.vector_load_idx %arg10[%add3A_943, %broadcast_in_dim3A_897] : memref<64x640xf32, #tpu.memory_space<vmem>>[vector<16xi32>, vector<16xi32>], vector<16xf32>,
          %add3A_945 = arith.constant 48 : i32
          %add3A_946 = arith.addi %mul3A_915, %add3A_945 : i32
          %swap3A_947 = arith.index_cast %add3A_946 : i32 to index
          %swap3A_948 = tpu.vector_load %arg12[%swap3A_947] {strides = array<i32>} : memref<4096xf32, #tpu.memory_space<vmem>>, vector<16xf32>,
          tpu.vector_store %arg12[%swap3A_947], %gather3A_944 {strides = array<i32>} : memref<4096xf32, #tpu.memory_space<vmem>>, vector<16xf32>,
          %mul3A_949 = arith.constant 64 : i32
          %mul3A_950 = arith.muli %and3A_896, %mul3A_949 : i32
          %dma_start3A_951 = tpu.memref_slice %arg12[%mul3A_915] : memref<4096xf32, #tpu.memory_space<vmem>> -> memref<64xf32, #tpu.memory_space<vmem>>
          %dma_start3A_952 = tpu.memref_slice %arg5[%mul3A_950] : memref<1048576xf32, #tpu.memory_space<hbm>> -> memref<64xf32, #tpu.memory_space<hbm>>
          %dma_start3A_953 = tpu.memref_slice %arg5[%mul3A_950] : memref<1048576xf32, #tpu.memory_space<hbm>> -> memref<64xf32, #tpu.memory_space<hbm>>
          %dma_start3A_954 = tpu.memref_slice %arg12[%mul3A_915] : memref<4096xf32, #tpu.memory_space<vmem>> -> memref<64xf32, #tpu.memory_space<vmem>>
          tpu.enqueue_dma source(%dma_start3A_954 : memref<64xf32, #tpu.memory_space<vmem>>) target(%dma_start3A_953 : memref<64xf32, #tpu.memory_space<hbm>>) target_semaphore(%arg13 : memref<!tpu.dma_semaphore, #tpu.memory_space<semaphore_mem>>)
          %add3A_955 = arith.constant 1 : i32
          %add3A_956 = arith.addi %while3A_887, %add3A_955 : i32
          scf.yield %add3A_956 : i32
        }
        %while3A_884 = arith.constant 1 : i32
        %while3A_885 = scf.for %while3A_886 = %while3A_881 to %while3A_877 step %while3A_884 iter_args(%while3A_887 = %while3A_883) -> (i32)  : i32 {
          %get3A_888 = arith.index_cast %while3A_886 : i32 to index
          %get3A_889 = tpu.vector_load %arg8[%get3A_888] {strides = array<i32>} : memref<32xi32, #tpu.memory_space<vmem>>, vector<16xi32>,
          %slice3A_890 = vector.extract_strided_slice %get3A_889 {offsets = [0], sizes = [1], strides = [1]} : vector<16xi32> to vector<1xi32>
          %squeeze3A_891 = vector.extract %slice3A_890[0] : i32 from vector<1xi32>
          %shift_right_arithmetic3A_892 = arith.constant 14 : i32
          %shift_right_arithmetic3A_893 = arith.shrsi %squeeze3A_891, %shift_right_arithmetic3A_892 : i32
          %sub3A_894 = arith.subi %shift_right_arithmetic3A_893, %sub3A_715 : i32
          %and3A_895 = arith.constant 16383 : i32
          %and3A_896 = arith.andi %squeeze3A_891, %and3A_895 : i32
          %broadcast_in_dim3A_897 = vector.broadcast %sub3A_894 : i32 to vector<16xi32>
          %jit3A_898 = arith.constant 64 : i32
          %eq3A_899 = arith.constant 0 : i32
          %eq3A_900 = arith.cmpi eq, %jit3A_898, %eq3A_899 : i32
          %jit3A_901 = arith.constant 1 : i32
          %select_n3A_902 = arith.select %eq3A_900, %jit3A_901, %jit3A_898 : i32
          %rem3A_903 = arith.remsi %while3A_887, %select_n3A_902 : i32
          %ne3A_904 = arith.constant 0 : i32
          %ne3A_905 = arith.cmpi ne, %rem3A_903, %ne3A_904 : i32
          %lt3A_906 = arith.constant 0 : i32
          %lt3A_907 = arith.cmpi slt, %rem3A_903, %lt3A_906 : i32
          %lt3A_908 = arith.constant 0 : i32
          %lt3A_909 = arith.cmpi slt, %select_n3A_902, %lt3A_908 : i32
          %ne3A_910 = arith.xori %lt3A_907, %lt3A_909 : i1
          %and3A_911 = arith.andi %ne3A_910, %ne3A_905 : i1
          %add3A_912 = arith.addi %rem3A_903, %select_n3A_902 : i32
          %select_n3A_913 = arith.select %and3A_911, %add3A_912, %rem3A_903 : i32
          %mul3A_914 = arith.constant 64 : i32
          %mul3A_915 = arith.muli %select_n3A_913, %mul3A_914 : i32
          %ge3A = arith.constant 64 : i32
          %ge3A_916 = arith.cmpi sge, %while3A_887, %ge3A : i32
          %convert_element_type3A = arith.extui %ge3A_916 : i1 to i32
          %cond3A = arith.constant 0 : i32
          %cond3A_917 = arith.cmpi ne, %convert_element_type3A, %cond3A : i32
          scf.if %cond3A_917 {
            %dma_wait3A_957 = arith.constant 0 : i32
            %dma_wait3A_958 = tpu.memref_slice %arg12[%dma_wait3A_957] : memref<4096xf32, #tpu.memory_space<vmem>> -> memref<64xf32, #tpu.memory_space<vmem>>
            %dma_wait3A_959 = arith.constant 0 : i32
            %dma_wait3A_960 = tpu.memref_slice %arg5[%dma_wait3A_959] : memref<1048576xf32, #tpu.memory_space<hbm>> -> memref<64xf32, #tpu.memory_space<hbm>>
            %dma_wait3A_961 = arith.constant 0 : i32
            %dma_wait3A_962 = tpu.memref_slice %arg12[%dma_wait3A_961] : memref<4096xf32, #tpu.memory_space<vmem>> -> memref<64xf32, #tpu.memory_space<vmem>>
            %dma_wait3A_963 = arith.constant 0 : i32
            %dma_wait3A_964 = tpu.memref_slice %arg5[%dma_wait3A_963] : memref<1048576xf32, #tpu.memory_space<hbm>> -> memref<64xf32, #tpu.memory_space<hbm>>
            tpu.wait_dma2 semaphore(%arg13 : memref<!tpu.dma_semaphore, #tpu.memory_space<semaphore_mem>>) src(%dma_wait3A_964 : memref<64xf32, #tpu.memory_space<hbm>>) dst(%dma_wait3A_962 : memref<64xf32, #tpu.memory_space<vmem>>)
          } else {
          }
          %add3A_918 = arith.constant 0 : i32
          %add3A_919 = vector.broadcast %add3A_918 : i32 to vector<16xi32>
          %add3A_920 = arith.addi %iota3A, %add3A_919 : vector<16xi32>
          %gather3A = tpu.vector_load_idx %arg10[%add3A_920, %broadcast_in_dim3A_897] : memref<64x640xf32, #tpu.memory_space<vmem>>[vector<16xi32>, vector<16xi32>], vector<16xf32>,
          %add3A_921 = arith.constant 0 : i32
          %add3A_922 = arith.addi %mul3A_915, %add3A_921 : i32
          %swap3A_923 = arith.index_cast %add3A_922 : i32 to index
          %swap3A_924 = tpu.vector_load %arg12[%swap3A_923] {strides = array<i32>} : memref<4096xf32, #tpu.memory_space<vmem>>, vector<16xf32>,
          tpu.vector_store %arg12[%swap3A_923], %gather3A {strides = array<i32>} : memref<4096xf32, #tpu.memory_space<vmem>>, vector<16xf32>,
          %add3A_925 = arith.constant 16 : i32
          %add3A_926 = vector.broadcast %add3A_925 : i32 to vector<16xi32>
          %add3A_927 = arith.addi %iota3A, %add3A_926 : vector<16xi32>
          %gather3A_928 = tpu.vector_load_idx %arg10[%add3A_927, %broadcast_in_dim3A_897] : memref<64x640xf32, #tpu.memory_space<vmem>>[vector<16xi32>, vector<16xi32>], vector<16xf32>,
          %add3A_929 = arith.constant 16 : i32
          %add3A_930 = arith.addi %mul3A_915, %add3A_929 : i32
          %swap3A_931 = arith.index_cast %add3A_930 : i32 to index
          %swap3A_932 = tpu.vector_load %arg12[%swap3A_931] {strides = array<i32>} : memref<4096xf32, #tpu.memory_space<vmem>>, vector<16xf32>,
          tpu.vector_store %arg12[%swap3A_931], %gather3A_928 {strides = array<i32>} : memref<4096xf32, #tpu.memory_space<vmem>>, vector<16xf32>,
          %add3A_933 = arith.constant 32 : i32
          %add3A_934 = vector.broadcast %add3A_933 : i32 to vector<16xi32>
          %add3A_935 = arith.addi %iota3A, %add3A_934 : vector<16xi32>
          %gather3A_936 = tpu.vector_load_idx %arg10[%add3A_935, %broadcast_in_dim3A_897] : memref<64x640xf32, #tpu.memory_space<vmem>>[vector<16xi32>, vector<16xi32>], vector<16xf32>,
          %add3A_937 = arith.constant 32 : i32
          %add3A_938 = arith.addi %mul3A_915, %add3A_937 : i32
          %swap3A_939 = arith.index_cast %add3A_938 : i32 to index
          %swap3A_940 = tpu.vector_load %arg12[%swap3A_939] {strides = array<i32>} : memref<4096xf32, #tpu.memory_space<vmem>>, vector<16xf32>,
          tpu.vector_store %arg12[%swap3A_939], %gather3A_936 {strides = array<i32>} : memref<4096xf32, #tpu.memory_space<vmem>>, vector<16xf32>,
          %add3A_941 = arith.constant 48 : i32
          %add3A_942 = vector.broadcast %add3A_941 : i32 to vector<16xi32>
          %add3A_943 = arith.addi %iota3A, %add3A_942 : vector<16xi32>
          %gather3A_944 = tpu.vector_load_idx %arg10[%add3A_943, %broadcast_in_dim3A_897] : memref<64x640xf32, #tpu.memory_space<vmem>>[vector<16xi32>, vector<16xi32>], vector<16xf32>,
          %add3A_945 = arith.constant 48 : i32
          %add3A_946 = arith.addi %mul3A_915, %add3A_945 : i32
          %swap3A_947 = arith.index_cast %add3A_946 : i32 to index
          %swap3A_948 = tpu.vector_load %arg12[%swap3A_947] {strides = array<i32>} : memref<4096xf32, #tpu.memory_space<vmem>>, vector<16xf32>,
          tpu.vector_store %arg12[%swap3A_947], %gather3A_944 {strides = array<i32>} : memref<4096xf32, #tpu.memory_space<vmem>>, vector<16xf32>,
          %mul3A_949 = arith.constant 64 : i32
          %mul3A_950 = arith.muli %and3A_896, %mul3A_949 : i32
          %dma_start3A_951 = tpu.memref_slice %arg12[%mul3A_915] : memref<4096xf32, #tpu.memory_space<vmem>> -> memref<64xf32, #tpu.memory_space<vmem>>
          %dma_start3A_952 = tpu.memref_slice %arg5[%mul3A_950] : memref<1048576xf32, #tpu.memory_space<hbm>> -> memref<64xf32, #tpu.memory_space<hbm>>
          %dma_start3A_953 = tpu.memref_slice %arg5[%mul3A_950] : memref<1048576xf32, #tpu.memory_space<hbm>> -> memref<64xf32, #tpu.memory_space<hbm>>
          %dma_start3A_954 = tpu.memref_slice %arg12[%mul3A_915] : memref<4096xf32, #tpu.memory_space<vmem>> -> memref<64xf32, #tpu.memory_space<vmem>>
          tpu.enqueue_dma source(%dma_start3A_954 : memref<64xf32, #tpu.memory_space<vmem>>) target(%dma_start3A_953 : memref<64xf32, #tpu.memory_space<hbm>>) target_semaphore(%arg13 : memref<!tpu.dma_semaphore, #tpu.memory_space<semaphore_mem>>)
          %add3A_955 = arith.constant 1 : i32
          %add3A_956 = arith.addi %while3A_887, %add3A_955 : i32
          scf.yield %add3A_956 : i32
        }
        scf.yield %while3A_885 : i32
      }
      %while3A_846 = arith.constant 1 : i32
      %while3A_847 = scf.for %while3A_861 = %while3A_843 to %while3A_839 step %while3A_846 iter_args(%while3A_862 = %while3A_845) -> (i32)  : i32 {
        %mul3A_863 = arith.constant 16 : i32
        %mul3A_864 = arith.muli %while3A_861, %mul3A_863 : i32
        %get3A = arith.index_cast %mul3A_864 : i32 to index
        %get3A_865 = tpu.vector_load %arg6[%get3A] {strides = array<i32>} : memref<16400xi32, #tpu.memory_space<vmem>>, vector<16xi32>,
        %shift_right_arithmetic3A = arith.constant 14 : i32
        %shift_right_arithmetic3A_866 = vector.broadcast %shift_right_arithmetic3A : i32 to vector<16xi32>
        %shift_right_arithmetic3A_867 = arith.shrsi %get3A_865, %shift_right_arithmetic3A_866 : vector<16xi32>
        %le3A = vector.broadcast %sub3A_715 : i32 to vector<16xi32>
        %le3A_868 = arith.cmpi sle, %le3A, %shift_right_arithmetic3A_867 : vector<16xi32>
        %add3A_869 = arith.constant 640 : i32
        %add3A_870 = arith.addi %sub3A_715, %add3A_869 : i32
        %lt3A = vector.broadcast %add3A_870 : i32 to vector<16xi32>
        %lt3A_871 = arith.cmpi slt, %shift_right_arithmetic3A_867, %lt3A : vector<16xi32>
        %and3A_872 = arith.andi %le3A_868, %lt3A_871 : vector<16xi1>
        %swap3A_873 = arith.constant 0 : index
        %swap3A_874 = tpu.vector_load %arg8[%swap3A_873] masked %and3A_872 {strides = array<i32>} : memref<32xi32, #tpu.memory_space<vmem>>, vector<16xi32>, vector<16xi1>
        tpu.vector_store %arg8[%swap3A_873], %get3A_865 masked %and3A_872 {strides = array<i32>} : memref<32xi32, #tpu.memory_space<vmem>>, vector<16xi32>, vector<16xi1>
        %all_reduce_population_count3A = tpu.all_reduce %and3A_872 {dim = 0 : i64, kind = #tpu.reduction_kind<sum>} : vector<16xi1> -> vector<16xi32>
        %slice3A = vector.extract_strided_slice %all_reduce_population_count3A {offsets = [0], sizes = [1], strides = [1]} : vector<16xi32> to vector<1xi32>
        %squeeze3A = vector.extract %slice3A[0] : i32 from vector<1xi32>
        %while3A_875 = arith.constant 0 : i32
        %while3A_876 = arith.subi %squeeze3A, %while3A_875 : i32
        %while3A_877 = arith.addi %while3A_875, %while3A_876 : i32
        %while3A_878 = arith.constant 1 : i32
        %while3A_879 = arith.divsi %while3A_876, %while3A_878 : i32
        %while3A_880 = arith.muli %while3A_879, %while3A_878 : i32
        %while3A_881 = arith.addi %while3A_875, %while3A_880 : i32
        %while3A_882 = arith.constant 1 : i32
        %while3A_883 = scf.for %while3A_886 = %while3A_875 to %while3A_881 step %while3A_882 iter_args(%while3A_887 = %while3A_862) -> (i32)  : i32 {
          %get3A_888 = arith.index_cast %while3A_886 : i32 to index
          %get3A_889 = tpu.vector_load %arg8[%get3A_888] {strides = array<i32>} : memref<32xi32, #tpu.memory_space<vmem>>, vector<16xi32>,
          %slice3A_890 = vector.extract_strided_slice %get3A_889 {offsets = [0], sizes = [1], strides = [1]} : vector<16xi32> to vector<1xi32>
          %squeeze3A_891 = vector.extract %slice3A_890[0] : i32 from vector<1xi32>
          %shift_right_arithmetic3A_892 = arith.constant 14 : i32
          %shift_right_arithmetic3A_893 = arith.shrsi %squeeze3A_891, %shift_right_arithmetic3A_892 : i32
          %sub3A_894 = arith.subi %shift_right_arithmetic3A_893, %sub3A_715 : i32
          %and3A_895 = arith.constant 16383 : i32
          %and3A_896 = arith.andi %squeeze3A_891, %and3A_895 : i32
          %broadcast_in_dim3A_897 = vector.broadcast %sub3A_894 : i32 to vector<16xi32>
          %jit3A_898 = arith.constant 64 : i32
          %eq3A_899 = arith.constant 0 : i32
          %eq3A_900 = arith.cmpi eq, %jit3A_898, %eq3A_899 : i32
          %jit3A_901 = arith.constant 1 : i32
          %select_n3A_902 = arith.select %eq3A_900, %jit3A_901, %jit3A_898 : i32
          %rem3A_903 = arith.remsi %while3A_887, %select_n3A_902 : i32
          %ne3A_904 = arith.constant 0 : i32
          %ne3A_905 = arith.cmpi ne, %rem3A_903, %ne3A_904 : i32
          %lt3A_906 = arith.constant 0 : i32
          %lt3A_907 = arith.cmpi slt, %rem3A_903, %lt3A_906 : i32
          %lt3A_908 = arith.constant 0 : i32
          %lt3A_909 = arith.cmpi slt, %select_n3A_902, %lt3A_908 : i32
          %ne3A_910 = arith.xori %lt3A_907, %lt3A_909 : i1
          %and3A_911 = arith.andi %ne3A_910, %ne3A_905 : i1
          %add3A_912 = arith.addi %rem3A_903, %select_n3A_902 : i32
          %select_n3A_913 = arith.select %and3A_911, %add3A_912, %rem3A_903 : i32
          %mul3A_914 = arith.constant 64 : i32
          %mul3A_915 = arith.muli %select_n3A_913, %mul3A_914 : i32
          %ge3A = arith.constant 64 : i32
          %ge3A_916 = arith.cmpi sge, %while3A_887, %ge3A : i32
          %convert_element_type3A = arith.extui %ge3A_916 : i1 to i32
          %cond3A = arith.constant 0 : i32
          %cond3A_917 = arith.cmpi ne, %convert_element_type3A, %cond3A : i32
          scf.if %cond3A_917 {
            %dma_wait3A_957 = arith.constant 0 : i32
            %dma_wait3A_958 = tpu.memref_slice %arg12[%dma_wait3A_957] : memref<4096xf32, #tpu.memory_space<vmem>> -> memref<64xf32, #tpu.memory_space<vmem>>
            %dma_wait3A_959 = arith.constant 0 : i32
            %dma_wait3A_960 = tpu.memref_slice %arg5[%dma_wait3A_959] : memref<1048576xf32, #tpu.memory_space<hbm>> -> memref<64xf32, #tpu.memory_space<hbm>>
            %dma_wait3A_961 = arith.constant 0 : i32
            %dma_wait3A_962 = tpu.memref_slice %arg12[%dma_wait3A_961] : memref<4096xf32, #tpu.memory_space<vmem>> -> memref<64xf32, #tpu.memory_space<vmem>>
            %dma_wait3A_963 = arith.constant 0 : i32
            %dma_wait3A_964 = tpu.memref_slice %arg5[%dma_wait3A_963] : memref<1048576xf32, #tpu.memory_space<hbm>> -> memref<64xf32, #tpu.memory_space<hbm>>
            tpu.wait_dma2 semaphore(%arg13 : memref<!tpu.dma_semaphore, #tpu.memory_space<semaphore_mem>>) src(%dma_wait3A_964 : memref<64xf32, #tpu.memory_space<hbm>>) dst(%dma_wait3A_962 : memref<64xf32, #tpu.memory_space<vmem>>)
          } else {
          }
          %add3A_918 = arith.constant 0 : i32
          %add3A_919 = vector.broadcast %add3A_918 : i32 to vector<16xi32>
          %add3A_920 = arith.addi %iota3A, %add3A_919 : vector<16xi32>
          %gather3A = tpu.vector_load_idx %arg10[%add3A_920, %broadcast_in_dim3A_897] : memref<64x640xf32, #tpu.memory_space<vmem>>[vector<16xi32>, vector<16xi32>], vector<16xf32>,
          %add3A_921 = arith.constant 0 : i32
          %add3A_922 = arith.addi %mul3A_915, %add3A_921 : i32
          %swap3A_923 = arith.index_cast %add3A_922 : i32 to index
          %swap3A_924 = tpu.vector_load %arg12[%swap3A_923] {strides = array<i32>} : memref<4096xf32, #tpu.memory_space<vmem>>, vector<16xf32>,
          tpu.vector_store %arg12[%swap3A_923], %gather3A {strides = array<i32>} : memref<4096xf32, #tpu.memory_space<vmem>>, vector<16xf32>,
          %add3A_925 = arith.constant 16 : i32
          %add3A_926 = vector.broadcast %add3A_925 : i32 to vector<16xi32>
          %add3A_927 = arith.addi %iota3A, %add3A_926 : vector<16xi32>
          %gather3A_928 = tpu.vector_load_idx %arg10[%add3A_927, %broadcast_in_dim3A_897] : memref<64x640xf32, #tpu.memory_space<vmem>>[vector<16xi32>, vector<16xi32>], vector<16xf32>,
          %add3A_929 = arith.constant 16 : i32
          %add3A_930 = arith.addi %mul3A_915, %add3A_929 : i32
          %swap3A_931 = arith.index_cast %add3A_930 : i32 to index
          %swap3A_932 = tpu.vector_load %arg12[%swap3A_931] {strides = array<i32>} : memref<4096xf32, #tpu.memory_space<vmem>>, vector<16xf32>,
          tpu.vector_store %arg12[%swap3A_931], %gather3A_928 {strides = array<i32>} : memref<4096xf32, #tpu.memory_space<vmem>>, vector<16xf32>,
          %add3A_933 = arith.constant 32 : i32
          %add3A_934 = vector.broadcast %add3A_933 : i32 to vector<16xi32>
          %add3A_935 = arith.addi %iota3A, %add3A_934 : vector<16xi32>
          %gather3A_936 = tpu.vector_load_idx %arg10[%add3A_935, %broadcast_in_dim3A_897] : memref<64x640xf32, #tpu.memory_space<vmem>>[vector<16xi32>, vector<16xi32>], vector<16xf32>,
          %add3A_937 = arith.constant 32 : i32
          %add3A_938 = arith.addi %mul3A_915, %add3A_937 : i32
          %swap3A_939 = arith.index_cast %add3A_938 : i32 to index
          %swap3A_940 = tpu.vector_load %arg12[%swap3A_939] {strides = array<i32>} : memref<4096xf32, #tpu.memory_space<vmem>>, vector<16xf32>,
          tpu.vector_store %arg12[%swap3A_939], %gather3A_936 {strides = array<i32>} : memref<4096xf32, #tpu.memory_space<vmem>>, vector<16xf32>,
          %add3A_941 = arith.constant 48 : i32
          %add3A_942 = vector.broadcast %add3A_941 : i32 to vector<16xi32>
          %add3A_943 = arith.addi %iota3A, %add3A_942 : vector<16xi32>
          %gather3A_944 = tpu.vector_load_idx %arg10[%add3A_943, %broadcast_in_dim3A_897] : memref<64x640xf32, #tpu.memory_space<vmem>>[vector<16xi32>, vector<16xi32>], vector<16xf32>,
          %add3A_945 = arith.constant 48 : i32
          %add3A_946 = arith.addi %mul3A_915, %add3A_945 : i32
          %swap3A_947 = arith.index_cast %add3A_946 : i32 to index
          %swap3A_948 = tpu.vector_load %arg12[%swap3A_947] {strides = array<i32>} : memref<4096xf32, #tpu.memory_space<vmem>>, vector<16xf32>,
          tpu.vector_store %arg12[%swap3A_947], %gather3A_944 {strides = array<i32>} : memref<4096xf32, #tpu.memory_space<vmem>>, vector<16xf32>,
          %mul3A_949 = arith.constant 64 : i32
          %mul3A_950 = arith.muli %and3A_896, %mul3A_949 : i32
          %dma_start3A_951 = tpu.memref_slice %arg12[%mul3A_915] : memref<4096xf32, #tpu.memory_space<vmem>> -> memref<64xf32, #tpu.memory_space<vmem>>
          %dma_start3A_952 = tpu.memref_slice %arg5[%mul3A_950] : memref<1048576xf32, #tpu.memory_space<hbm>> -> memref<64xf32, #tpu.memory_space<hbm>>
          %dma_start3A_953 = tpu.memref_slice %arg5[%mul3A_950] : memref<1048576xf32, #tpu.memory_space<hbm>> -> memref<64xf32, #tpu.memory_space<hbm>>
          %dma_start3A_954 = tpu.memref_slice %arg12[%mul3A_915] : memref<4096xf32, #tpu.memory_space<vmem>> -> memref<64xf32, #tpu.memory_space<vmem>>
          tpu.enqueue_dma source(%dma_start3A_954 : memref<64xf32, #tpu.memory_space<vmem>>) target(%dma_start3A_953 : memref<64xf32, #tpu.memory_space<hbm>>) target_semaphore(%arg13 : memref<!tpu.dma_semaphore, #tpu.memory_space<semaphore_mem>>)
          %add3A_955 = arith.constant 1 : i32
          %add3A_956 = arith.addi %while3A_887, %add3A_955 : i32
          scf.yield %add3A_956 : i32
        }
        %while3A_884 = arith.constant 1 : i32
        %while3A_885 = scf.for %while3A_886 = %while3A_881 to %while3A_877 step %while3A_884 iter_args(%while3A_887 = %while3A_883) -> (i32)  : i32 {
          %get3A_888 = arith.index_cast %while3A_886 : i32 to index
          %get3A_889 = tpu.vector_load %arg8[%get3A_888] {strides = array<i32>} : memref<32xi32, #tpu.memory_space<vmem>>, vector<16xi32>,
          %slice3A_890 = vector.extract_strided_slice %get3A_889 {offsets = [0], sizes = [1], strides = [1]} : vector<16xi32> to vector<1xi32>
          %squeeze3A_891 = vector.extract %slice3A_890[0] : i32 from vector<1xi32>
          %shift_right_arithmetic3A_892 = arith.constant 14 : i32
          %shift_right_arithmetic3A_893 = arith.shrsi %squeeze3A_891, %shift_right_arithmetic3A_892 : i32
          %sub3A_894 = arith.subi %shift_right_arithmetic3A_893, %sub3A_715 : i32
          %and3A_895 = arith.constant 16383 : i32
          %and3A_896 = arith.andi %squeeze3A_891, %and3A_895 : i32
          %broadcast_in_dim3A_897 = vector.broadcast %sub3A_894 : i32 to vector<16xi32>
          %jit3A_898 = arith.constant 64 : i32
          %eq3A_899 = arith.constant 0 : i32
          %eq3A_900 = arith.cmpi eq, %jit3A_898, %eq3A_899 : i32
          %jit3A_901 = arith.constant 1 : i32
          %select_n3A_902 = arith.select %eq3A_900, %jit3A_901, %jit3A_898 : i32
          %rem3A_903 = arith.remsi %while3A_887, %select_n3A_902 : i32
          %ne3A_904 = arith.constant 0 : i32
          %ne3A_905 = arith.cmpi ne, %rem3A_903, %ne3A_904 : i32
          %lt3A_906 = arith.constant 0 : i32
          %lt3A_907 = arith.cmpi slt, %rem3A_903, %lt3A_906 : i32
          %lt3A_908 = arith.constant 0 : i32
          %lt3A_909 = arith.cmpi slt, %select_n3A_902, %lt3A_908 : i32
          %ne3A_910 = arith.xori %lt3A_907, %lt3A_909 : i1
          %and3A_911 = arith.andi %ne3A_910, %ne3A_905 : i1
          %add3A_912 = arith.addi %rem3A_903, %select_n3A_902 : i32
          %select_n3A_913 = arith.select %and3A_911, %add3A_912, %rem3A_903 : i32
          %mul3A_914 = arith.constant 64 : i32
          %mul3A_915 = arith.muli %select_n3A_913, %mul3A_914 : i32
          %ge3A = arith.constant 64 : i32
          %ge3A_916 = arith.cmpi sge, %while3A_887, %ge3A : i32
          %convert_element_type3A = arith.extui %ge3A_916 : i1 to i32
          %cond3A = arith.constant 0 : i32
          %cond3A_917 = arith.cmpi ne, %convert_element_type3A, %cond3A : i32
          scf.if %cond3A_917 {
            %dma_wait3A_957 = arith.constant 0 : i32
            %dma_wait3A_958 = tpu.memref_slice %arg12[%dma_wait3A_957] : memref<4096xf32, #tpu.memory_space<vmem>> -> memref<64xf32, #tpu.memory_space<vmem>>
            %dma_wait3A_959 = arith.constant 0 : i32
            %dma_wait3A_960 = tpu.memref_slice %arg5[%dma_wait3A_959] : memref<1048576xf32, #tpu.memory_space<hbm>> -> memref<64xf32, #tpu.memory_space<hbm>>
            %dma_wait3A_961 = arith.constant 0 : i32
            %dma_wait3A_962 = tpu.memref_slice %arg12[%dma_wait3A_961] : memref<4096xf32, #tpu.memory_space<vmem>> -> memref<64xf32, #tpu.memory_space<vmem>>
            %dma_wait3A_963 = arith.constant 0 : i32
            %dma_wait3A_964 = tpu.memref_slice %arg5[%dma_wait3A_963] : memref<1048576xf32, #tpu.memory_space<hbm>> -> memref<64xf32, #tpu.memory_space<hbm>>
            tpu.wait_dma2 semaphore(%arg13 : memref<!tpu.dma_semaphore, #tpu.memory_space<semaphore_mem>>) src(%dma_wait3A_964 : memref<64xf32, #tpu.memory_space<hbm>>) dst(%dma_wait3A_962 : memref<64xf32, #tpu.memory_space<vmem>>)
          } else {
          }
          %add3A_918 = arith.constant 0 : i32
          %add3A_919 = vector.broadcast %add3A_918 : i32 to vector<16xi32>
          %add3A_920 = arith.addi %iota3A, %add3A_919 : vector<16xi32>
          %gather3A = tpu.vector_load_idx %arg10[%add3A_920, %broadcast_in_dim3A_897] : memref<64x640xf32, #tpu.memory_space<vmem>>[vector<16xi32>, vector<16xi32>], vector<16xf32>,
          %add3A_921 = arith.constant 0 : i32
          %add3A_922 = arith.addi %mul3A_915, %add3A_921 : i32
          %swap3A_923 = arith.index_cast %add3A_922 : i32 to index
          %swap3A_924 = tpu.vector_load %arg12[%swap3A_923] {strides = array<i32>} : memref<4096xf32, #tpu.memory_space<vmem>>, vector<16xf32>,
          tpu.vector_store %arg12[%swap3A_923], %gather3A {strides = array<i32>} : memref<4096xf32, #tpu.memory_space<vmem>>, vector<16xf32>,
          %add3A_925 = arith.constant 16 : i32
          %add3A_926 = vector.broadcast %add3A_925 : i32 to vector<16xi32>
          %add3A_927 = arith.addi %iota3A, %add3A_926 : vector<16xi32>
          %gather3A_928 = tpu.vector_load_idx %arg10[%add3A_927, %broadcast_in_dim3A_897] : memref<64x640xf32, #tpu.memory_space<vmem>>[vector<16xi32>, vector<16xi32>], vector<16xf32>,
          %add3A_929 = arith.constant 16 : i32
          %add3A_930 = arith.addi %mul3A_915, %add3A_929 : i32
          %swap3A_931 = arith.index_cast %add3A_930 : i32 to index
          %swap3A_932 = tpu.vector_load %arg12[%swap3A_931] {strides = array<i32>} : memref<4096xf32, #tpu.memory_space<vmem>>, vector<16xf32>,
          tpu.vector_store %arg12[%swap3A_931], %gather3A_928 {strides = array<i32>} : memref<4096xf32, #tpu.memory_space<vmem>>, vector<16xf32>,
          %add3A_933 = arith.constant 32 : i32
          %add3A_934 = vector.broadcast %add3A_933 : i32 to vector<16xi32>
          %add3A_935 = arith.addi %iota3A, %add3A_934 : vector<16xi32>
          %gather3A_936 = tpu.vector_load_idx %arg10[%add3A_935, %broadcast_in_dim3A_897] : memref<64x640xf32, #tpu.memory_space<vmem>>[vector<16xi32>, vector<16xi32>], vector<16xf32>,
          %add3A_937 = arith.constant 32 : i32
          %add3A_938 = arith.addi %mul3A_915, %add3A_937 : i32
          %swap3A_939 = arith.index_cast %add3A_938 : i32 to index
          %swap3A_940 = tpu.vector_load %arg12[%swap3A_939] {strides = array<i32>} : memref<4096xf32, #tpu.memory_space<vmem>>, vector<16xf32>,
          tpu.vector_store %arg12[%swap3A_939], %gather3A_936 {strides = array<i32>} : memref<4096xf32, #tpu.memory_space<vmem>>, vector<16xf32>,
          %add3A_941 = arith.constant 48 : i32
          %add3A_942 = vector.broadcast %add3A_941 : i32 to vector<16xi32>
          %add3A_943 = arith.addi %iota3A, %add3A_942 : vector<16xi32>
          %gather3A_944 = tpu.vector_load_idx %arg10[%add3A_943, %broadcast_in_dim3A_897] : memref<64x640xf32, #tpu.memory_space<vmem>>[vector<16xi32>, vector<16xi32>], vector<16xf32>,
          %add3A_945 = arith.constant 48 : i32
          %add3A_946 = arith.addi %mul3A_915, %add3A_945 : i32
          %swap3A_947 = arith.index_cast %add3A_946 : i32 to index
          %swap3A_948 = tpu.vector_load %arg12[%swap3A_947] {strides = array<i32>} : memref<4096xf32, #tpu.memory_space<vmem>>, vector<16xf32>,
          tpu.vector_store %arg12[%swap3A_947], %gather3A_944 {strides = array<i32>} : memref<4096xf32, #tpu.memory_space<vmem>>, vector<16xf32>,
          %mul3A_949 = arith.constant 64 : i32
          %mul3A_950 = arith.muli %and3A_896, %mul3A_949 : i32
          %dma_start3A_951 = tpu.memref_slice %arg12[%mul3A_915] : memref<4096xf32, #tpu.memory_space<vmem>> -> memref<64xf32, #tpu.memory_space<vmem>>
          %dma_start3A_952 = tpu.memref_slice %arg5[%mul3A_950] : memref<1048576xf32, #tpu.memory_space<hbm>> -> memref<64xf32, #tpu.memory_space<hbm>>
          %dma_start3A_953 = tpu.memref_slice %arg5[%mul3A_950] : memref<1048576xf32, #tpu.memory_space<hbm>> -> memref<64xf32, #tpu.memory_space<hbm>>
          %dma_start3A_954 = tpu.memref_slice %arg12[%mul3A_915] : memref<4096xf32, #tpu.memory_space<vmem>> -> memref<64xf32, #tpu.memory_space<vmem>>
          tpu.enqueue_dma source(%dma_start3A_954 : memref<64xf32, #tpu.memory_space<vmem>>) target(%dma_start3A_953 : memref<64xf32, #tpu.memory_space<hbm>>) target_semaphore(%arg13 : memref<!tpu.dma_semaphore, #tpu.memory_space<semaphore_mem>>)
          %add3A_955 = arith.constant 1 : i32
          %add3A_956 = arith.addi %while3A_887, %add3A_955 : i32
          scf.yield %add3A_956 : i32
        }
        scf.yield %while3A_885 : i32
      }
      %mul3A_848 = arith.constant 2 : i32
      %mul3A_849 = arith.muli %mul3A_848, %scan3A_539 : i32
      %add3A_850 = arith.constant 3 : i32
      %add3A_851 = arith.addi %mul3A_849, %add3A_850 : i32
      %mul3A_852 = arith.constant 640 : i32
      %mul3A_853 = arith.muli %add3A_851, %mul3A_852 : i32
      %add3A_854 = arith.addi %mul3A_2, %mul3A_853 : i32
      %min3A_855 = arith.constant 999296 : i32
      %min3A_856 = arith.minsi %add3A_854, %min3A_855 : i32
      %dma_start3A_857 = arith.constant 0 : i32
      %dma_start3A_858 = tpu.memref_slice %arg2[%dma_start3A_857, %min3A_856] : memref<64x1000000xf32, #tpu.memory_space<hbm>> -> memref<64x640xf32, #tpu.memory_space<hbm>>
      %dma_start3A_859 = arith.constant 0 : i32
      %dma_start3A_860 = tpu.memref_slice %arg2[%dma_start3A_859, %min3A_856] : memref<64x1000000xf32, #tpu.memory_space<hbm>> -> memref<64x640xf32, #tpu.memory_space<hbm>>
      tpu.enqueue_dma source(%dma_start3A_860 : memref<64x640xf32, #tpu.memory_space<hbm>>) target(%arg10 : memref<64x640xf32, #tpu.memory_space<vmem>>) target_semaphore(%arg14 : memref<!tpu.dma_semaphore, #tpu.memory_space<semaphore_mem>>)
      scf.yield %while3A_847 : i32
    }
    %scan3A_243 = arith.constant 24 : i32
    %dma_wait3A = arith.constant 0 : i32
    %dma_wait3A_244 = arith.constant 0 : i32
    %dma_wait3A_245 = tpu.memref_slice %arg2[%dma_wait3A, %dma_wait3A_244] : memref<64x1000000xf32, #tpu.memory_space<hbm>> -> memref<64x640xf32, #tpu.memory_space<hbm>>
    %dma_wait3A_246 = arith.constant 0 : i32
    %dma_wait3A_247 = arith.constant 0 : i32
    %dma_wait3A_248 = tpu.memref_slice %arg2[%dma_wait3A_246, %dma_wait3A_247] : memref<64x1000000xf32, #tpu.memory_space<hbm>> -> memref<64x640xf32, #tpu.memory_space<hbm>>
    tpu.wait_dma2 semaphore(%arg14 : memref<!tpu.dma_semaphore, #tpu.memory_space<semaphore_mem>>) src(%dma_wait3A_248 : memref<64x640xf32, #tpu.memory_space<hbm>>) dst(%arg9 : memref<64x640xf32, #tpu.memory_space<vmem>>)
    %add3A_249 = arith.constant 30720 : i32
    %add3A_250 = arith.addi %mul3A_2, %add3A_249 : i32
    %min3A_251 = arith.constant 999296 : i32
    %min3A_252 = arith.minsi %add3A_250, %min3A_251 : i32
    %sub3A_253 = arith.subi %min3A_252, %mul3A_2 : i32
    %jit3A_254 = arith.constant 5120 : i32
    %div3A_255 = arith.divsi %sub3A_253, %jit3A_254 : i32
    %sign3A_256 = arith.constant 0 : i32
    %sign3A_257 = arith.cmpi sgt, %sub3A_253, %sign3A_256 : i32
    %sign3A_258 = arith.extui %sign3A_257 : i1 to i32
    %sign3A_259 = arith.constant 0 : i32
    %sign3A_260 = arith.cmpi slt, %sub3A_253, %sign3A_259 : i32
    %sign3A_261 = arith.extui %sign3A_260 : i1 to i32
    %sign3A_262 = arith.subi %sign3A_258, %sign3A_261 : i32
    %sign3A_263 = arith.constant 0 : i32
    %sign3A_264 = arith.cmpi sgt, %jit3A_254, %sign3A_263 : i32
    %sign3A_265 = arith.extui %sign3A_264 : i1 to i32
    %sign3A_266 = arith.constant 0 : i32
    %sign3A_267 = arith.cmpi slt, %jit3A_254, %sign3A_266 : i32
    %sign3A_268 = arith.extui %sign3A_267 : i1 to i32
    %sign3A_269 = arith.subi %sign3A_265, %sign3A_268 : i32
    %ne3A_270 = arith.cmpi ne, %sign3A_262, %sign3A_269 : i32
    %rem3A_271 = arith.remsi %sub3A_253, %jit3A_254 : i32
    %ne3A_272 = arith.constant 0 : i32
    %ne3A_273 = arith.cmpi ne, %rem3A_271, %ne3A_272 : i32
    %and3A_274 = arith.andi %ne3A_270, %ne3A_273 : i1
    %sub3A_275 = arith.constant 1 : i32
    %sub3A_276 = arith.subi %div3A_255, %sub3A_275 : i32
    %select_n3A_277 = arith.select %and3A_274, %sub3A_276, %div3A_255 : i32
    %add3A_278 = arith.constant 640 : i32
    %add3A_279 = arith.addi %sub3A_253, %add3A_278 : i32
    %sub3A_280 = arith.constant 1 : i32
    %sub3A_281 = arith.subi %add3A_279, %sub3A_280 : i32
    %jit3A_282 = arith.constant 5120 : i32
    %div3A_283 = arith.divsi %sub3A_281, %jit3A_282 : i32
    %sign3A_284 = arith.constant 0 : i32
    %sign3A_285 = arith.cmpi sgt, %sub3A_281, %sign3A_284 : i32
    %sign3A_286 = arith.extui %sign3A_285 : i1 to i32
    %sign3A_287 = arith.constant 0 : i32
    %sign3A_288 = arith.cmpi slt, %sub3A_281, %sign3A_287 : i32
    %sign3A_289 = arith.extui %sign3A_288 : i1 to i32
    %sign3A_290 = arith.subi %sign3A_286, %sign3A_289 : i32
    %sign3A_291 = arith.constant 0 : i32
    %sign3A_292 = arith.cmpi sgt, %jit3A_282, %sign3A_291 : i32
    %sign3A_293 = arith.extui %sign3A_292 : i1 to i32
    %sign3A_294 = arith.constant 0 : i32
    %sign3A_295 = arith.cmpi slt, %jit3A_282, %sign3A_294 : i32
    %sign3A_296 = arith.extui %sign3A_295 : i1 to i32
    %sign3A_297 = arith.subi %sign3A_293, %sign3A_296 : i32
    %ne3A_298 = arith.cmpi ne, %sign3A_290, %sign3A_297 : i32
    %rem3A_299 = arith.remsi %sub3A_281, %jit3A_282 : i32
    %ne3A_300 = arith.constant 0 : i32
    %ne3A_301 = arith.cmpi ne, %rem3A_299, %ne3A_300 : i32
    %and3A_302 = arith.andi %ne3A_298, %ne3A_301 : i1
    %sub3A_303 = arith.constant 1 : i32
    %sub3A_304 = arith.subi %div3A_283, %sub3A_303 : i32
    %select_n3A_305 = arith.select %and3A_302, %sub3A_304, %div3A_283 : i32
    %iota3A_306 = tpu.iota {dimensions = array<i32: 0>} : vector<16xi32>
    %eq3A_307 = vector.broadcast %select_n3A_277 : i32 to vector<16xi32>
    %eq3A_308 = arith.cmpi eq, %iota3A_306, %eq3A_307 : vector<16xi32>
    %jit3A_309 = arith.constant 0 : i32
    %broadcast_in_dim3A_310 = vector.broadcast %jit3A_309 : i32 to vector<16xi32>
    %select_n3A_311 = arith.select %eq3A_308, %select_n3A_230, %broadcast_in_dim3A_310 : vector<16xi1>, vector<16xi32>
    %iota3A_312 = tpu.iota {dimensions = array<i32: 0>} : vector<16xi32>
    %eq3A_313 = vector.broadcast %select_n3A_305 : i32 to vector<16xi32>
    %eq3A_314 = arith.cmpi eq, %iota3A_312, %eq3A_313 : vector<16xi32>
    %jit3A_315 = arith.constant 0 : i32
    %broadcast_in_dim3A_316 = vector.broadcast %jit3A_315 : i32 to vector<16xi32>
    %select_n3A_317 = arith.select %eq3A_314, %select_n3A_236, %broadcast_in_dim3A_316 : vector<16xi1>, vector<16xi32>
    %reduce_sum3A = arith.constant true
    %reduce_sum3A_318 = vector.broadcast %reduce_sum3A : i1 to vector<16xi1>
    %reduce_sum3A_319 = tpu.scan <sum>, %select_n3A_311 masked %reduce_sum3A_318 : vector<16xi32>, vector<16xi1> -> vector<16xi32>
    %reduce_sum3A_320 = vector.extract %reduce_sum3A_319[15] : i32 from vector<16xi32>
    %jit3A_321 = arith.constant 16 : i32
    %div3A_322 = arith.divsi %reduce_sum3A_320, %jit3A_321 : i32
    %sign3A_323 = arith.constant 0 : i32
    %sign3A_324 = arith.cmpi sgt, %reduce_sum3A_320, %sign3A_323 : i32
    %sign3A_325 = arith.extui %sign3A_324 : i1 to i32
    %sign3A_326 = arith.constant 0 : i32
    %sign3A_327 = arith.cmpi slt, %reduce_sum3A_320, %sign3A_326 : i32
    %sign3A_328 = arith.extui %sign3A_327 : i1 to i32
    %sign3A_329 = arith.subi %sign3A_325, %sign3A_328 : i32
    %sign3A_330 = arith.constant 0 : i32
    %sign3A_331 = arith.cmpi sgt, %jit3A_321, %sign3A_330 : i32
    %sign3A_332 = arith.extui %sign3A_331 : i1 to i32
    %sign3A_333 = arith.constant 0 : i32
    %sign3A_334 = arith.cmpi slt, %jit3A_321, %sign3A_333 : i32
    %sign3A_335 = arith.extui %sign3A_334 : i1 to i32
    %sign3A_336 = arith.subi %sign3A_332, %sign3A_335 : i32
    %ne3A_337 = arith.cmpi ne, %sign3A_329, %sign3A_336 : i32
    %rem3A_338 = arith.remsi %reduce_sum3A_320, %jit3A_321 : i32
    %ne3A_339 = arith.constant 0 : i32
    %ne3A_340 = arith.cmpi ne, %rem3A_338, %ne3A_339 : i32
    %and3A_341 = arith.andi %ne3A_337, %ne3A_340 : i1
    %sub3A_342 = arith.constant 1 : i32
    %sub3A_343 = arith.subi %div3A_322, %sub3A_342 : i32
    %select_n3A_344 = arith.select %and3A_341, %sub3A_343, %div3A_322 : i32
    %reduce_sum3A_345 = arith.constant true
    %reduce_sum3A_346 = vector.broadcast %reduce_sum3A_345 : i1 to vector<16xi1>
    %reduce_sum3A_347 = tpu.scan <sum>, %select_n3A_317 masked %reduce_sum3A_346 : vector<16xi32>, vector<16xi1> -> vector<16xi32>
    %reduce_sum3A_348 = vector.extract %reduce_sum3A_347[15] : i32 from vector<16xi32>
    %add3A_349 = arith.constant 15 : i32
    %add3A_350 = arith.addi %reduce_sum3A_348, %add3A_349 : i32
    %jit3A_351 = arith.constant 16 : i32
    %div3A_352 = arith.divsi %add3A_350, %jit3A_351 : i32
    %sign3A_353 = arith.constant 0 : i32
    %sign3A_354 = arith.cmpi sgt, %add3A_350, %sign3A_353 : i32
    %sign3A_355 = arith.extui %sign3A_354 : i1 to i32
    %sign3A_356 = arith.constant 0 : i32
    %sign3A_357 = arith.cmpi slt, %add3A_350, %sign3A_356 : i32
    %sign3A_358 = arith.extui %sign3A_357 : i1 to i32
    %sign3A_359 = arith.subi %sign3A_355, %sign3A_358 : i32
    %sign3A_360 = arith.constant 0 : i32
    %sign3A_361 = arith.cmpi sgt, %jit3A_351, %sign3A_360 : i32
    %sign3A_362 = arith.extui %sign3A_361 : i1 to i32
    %sign3A_363 = arith.constant 0 : i32
    %sign3A_364 = arith.cmpi slt, %jit3A_351, %sign3A_363 : i32
    %sign3A_365 = arith.extui %sign3A_364 : i1 to i32
    %sign3A_366 = arith.subi %sign3A_362, %sign3A_365 : i32
    %ne3A_367 = arith.cmpi ne, %sign3A_359, %sign3A_366 : i32
    %rem3A_368 = arith.remsi %add3A_350, %jit3A_351 : i32
    %ne3A_369 = arith.constant 0 : i32
    %ne3A_370 = arith.cmpi ne, %rem3A_368, %ne3A_369 : i32
    %and3A_371 = arith.andi %ne3A_367, %ne3A_370 : i1
    %sub3A_372 = arith.constant 1 : i32
    %sub3A_373 = arith.subi %div3A_352, %sub3A_372 : i32
    %select_n3A_374 = arith.select %and3A_371, %sub3A_373, %div3A_352 : i32
    %while3A_375 = arith.subi %select_n3A_374, %select_n3A_344 : i32
    %while3A_376 = arith.addi %select_n3A_344, %while3A_375 : i32
    %while3A_377 = arith.constant 1 : i32
    %while3A_378 = arith.divsi %while3A_375, %while3A_377 : i32
    %while3A_379 = arith.muli %while3A_378, %while3A_377 : i32
    %while3A_380 = arith.addi %select_n3A_344, %while3A_379 : i32
    %while3A_381 = arith.constant 1 : i32
    %while3A_382 = scf.for %while3A_539 = %select_n3A_344 to %while3A_380 step %while3A_381 iter_args(%while3A_540 = %scan3A_242) -> (i32)  : i32 {
      %mul3A_541 = arith.constant 16 : i32
      %mul3A_542 = arith.muli %while3A_539, %mul3A_541 : i32
      %get3A = arith.index_cast %mul3A_542 : i32 to index
      %get3A_543 = tpu.vector_load %arg6[%get3A] {strides = array<i32>} : memref<16400xi32, #tpu.memory_space<vmem>>, vector<16xi32>,
      %shift_right_arithmetic3A = arith.constant 14 : i32
      %shift_right_arithmetic3A_544 = vector.broadcast %shift_right_arithmetic3A : i32 to vector<16xi32>
      %shift_right_arithmetic3A_545 = arith.shrsi %get3A_543, %shift_right_arithmetic3A_544 : vector<16xi32>
      %le3A = vector.broadcast %sub3A_253 : i32 to vector<16xi32>
      %le3A_546 = arith.cmpi sle, %le3A, %shift_right_arithmetic3A_545 : vector<16xi32>
      %add3A_547 = arith.constant 640 : i32
      %add3A_548 = arith.addi %sub3A_253, %add3A_547 : i32
      %lt3A = vector.broadcast %add3A_548 : i32 to vector<16xi32>
      %lt3A_549 = arith.cmpi slt, %shift_right_arithmetic3A_545, %lt3A : vector<16xi32>
      %and3A_550 = arith.andi %le3A_546, %lt3A_549 : vector<16xi1>
      %swap3A_551 = arith.constant 0 : index
      %swap3A_552 = tpu.vector_load %arg8[%swap3A_551] masked %and3A_550 {strides = array<i32>} : memref<32xi32, #tpu.memory_space<vmem>>, vector<16xi32>, vector<16xi1>
      tpu.vector_store %arg8[%swap3A_551], %get3A_543 masked %and3A_550 {strides = array<i32>} : memref<32xi32, #tpu.memory_space<vmem>>, vector<16xi32>, vector<16xi1>
      %all_reduce_population_count3A = tpu.all_reduce %and3A_550 {dim = 0 : i64, kind = #tpu.reduction_kind<sum>} : vector<16xi1> -> vector<16xi32>
      %slice3A = vector.extract_strided_slice %all_reduce_population_count3A {offsets = [0], sizes = [1], strides = [1]} : vector<16xi32> to vector<1xi32>
      %squeeze3A = vector.extract %slice3A[0] : i32 from vector<1xi32>
      %while3A_553 = arith.constant 0 : i32
      %while3A_554 = arith.subi %squeeze3A, %while3A_553 : i32
      %while3A_555 = arith.addi %while3A_553, %while3A_554 : i32
      %while3A_556 = arith.constant 1 : i32
      %while3A_557 = arith.divsi %while3A_554, %while3A_556 : i32
      %while3A_558 = arith.muli %while3A_557, %while3A_556 : i32
      %while3A_559 = arith.addi %while3A_553, %while3A_558 : i32
      %while3A_560 = arith.constant 1 : i32
      %while3A_561 = scf.for %while3A_564 = %while3A_553 to %while3A_559 step %while3A_560 iter_args(%while3A_565 = %while3A_540) -> (i32)  : i32 {
        %get3A_566 = arith.index_cast %while3A_564 : i32 to index
        %get3A_567 = tpu.vector_load %arg8[%get3A_566] {strides = array<i32>} : memref<32xi32, #tpu.memory_space<vmem>>, vector<16xi32>,
        %slice3A_568 = vector.extract_strided_slice %get3A_567 {offsets = [0], sizes = [1], strides = [1]} : vector<16xi32> to vector<1xi32>
        %squeeze3A_569 = vector.extract %slice3A_568[0] : i32 from vector<1xi32>
        %shift_right_arithmetic3A_570 = arith.constant 14 : i32
        %shift_right_arithmetic3A_571 = arith.shrsi %squeeze3A_569, %shift_right_arithmetic3A_570 : i32
        %sub3A_572 = arith.subi %shift_right_arithmetic3A_571, %sub3A_253 : i32
        %and3A_573 = arith.constant 16383 : i32
        %and3A_574 = arith.andi %squeeze3A_569, %and3A_573 : i32
        %broadcast_in_dim3A_575 = vector.broadcast %sub3A_572 : i32 to vector<16xi32>
        %jit3A_576 = arith.constant 64 : i32
        %eq3A_577 = arith.constant 0 : i32
        %eq3A_578 = arith.cmpi eq, %jit3A_576, %eq3A_577 : i32
        %jit3A_579 = arith.constant 1 : i32
        %select_n3A_580 = arith.select %eq3A_578, %jit3A_579, %jit3A_576 : i32
        %rem3A_581 = arith.remsi %while3A_565, %select_n3A_580 : i32
        %ne3A_582 = arith.constant 0 : i32
        %ne3A_583 = arith.cmpi ne, %rem3A_581, %ne3A_582 : i32
        %lt3A_584 = arith.constant 0 : i32
        %lt3A_585 = arith.cmpi slt, %rem3A_581, %lt3A_584 : i32
        %lt3A_586 = arith.constant 0 : i32
        %lt3A_587 = arith.cmpi slt, %select_n3A_580, %lt3A_586 : i32
        %ne3A_588 = arith.xori %lt3A_585, %lt3A_587 : i1
        %and3A_589 = arith.andi %ne3A_588, %ne3A_583 : i1
        %add3A_590 = arith.addi %rem3A_581, %select_n3A_580 : i32
        %select_n3A_591 = arith.select %and3A_589, %add3A_590, %rem3A_581 : i32
        %mul3A_592 = arith.constant 64 : i32
        %mul3A_593 = arith.muli %select_n3A_591, %mul3A_592 : i32
        %ge3A = arith.constant 64 : i32
        %ge3A_594 = arith.cmpi sge, %while3A_565, %ge3A : i32
        %convert_element_type3A = arith.extui %ge3A_594 : i1 to i32
        %cond3A = arith.constant 0 : i32
        %cond3A_595 = arith.cmpi ne, %convert_element_type3A, %cond3A : i32
        scf.if %cond3A_595 {
          %dma_wait3A_635 = arith.constant 0 : i32
          %dma_wait3A_636 = tpu.memref_slice %arg12[%dma_wait3A_635] : memref<4096xf32, #tpu.memory_space<vmem>> -> memref<64xf32, #tpu.memory_space<vmem>>
          %dma_wait3A_637 = arith.constant 0 : i32
          %dma_wait3A_638 = tpu.memref_slice %arg5[%dma_wait3A_637] : memref<1048576xf32, #tpu.memory_space<hbm>> -> memref<64xf32, #tpu.memory_space<hbm>>
          %dma_wait3A_639 = arith.constant 0 : i32
          %dma_wait3A_640 = tpu.memref_slice %arg12[%dma_wait3A_639] : memref<4096xf32, #tpu.memory_space<vmem>> -> memref<64xf32, #tpu.memory_space<vmem>>
          %dma_wait3A_641 = arith.constant 0 : i32
          %dma_wait3A_642 = tpu.memref_slice %arg5[%dma_wait3A_641] : memref<1048576xf32, #tpu.memory_space<hbm>> -> memref<64xf32, #tpu.memory_space<hbm>>
          tpu.wait_dma2 semaphore(%arg13 : memref<!tpu.dma_semaphore, #tpu.memory_space<semaphore_mem>>) src(%dma_wait3A_642 : memref<64xf32, #tpu.memory_space<hbm>>) dst(%dma_wait3A_640 : memref<64xf32, #tpu.memory_space<vmem>>)
        } else {
        }
        %add3A_596 = arith.constant 0 : i32
        %add3A_597 = vector.broadcast %add3A_596 : i32 to vector<16xi32>
        %add3A_598 = arith.addi %iota3A, %add3A_597 : vector<16xi32>
        %gather3A = tpu.vector_load_idx %arg9[%add3A_598, %broadcast_in_dim3A_575] : memref<64x640xf32, #tpu.memory_space<vmem>>[vector<16xi32>, vector<16xi32>], vector<16xf32>,
        %add3A_599 = arith.constant 0 : i32
        %add3A_600 = arith.addi %mul3A_593, %add3A_599 : i32
        %swap3A_601 = arith.index_cast %add3A_600 : i32 to index
        %swap3A_602 = tpu.vector_load %arg12[%swap3A_601] {strides = array<i32>} : memref<4096xf32, #tpu.memory_space<vmem>>, vector<16xf32>,
        tpu.vector_store %arg12[%swap3A_601], %gather3A {strides = array<i32>} : memref<4096xf32, #tpu.memory_space<vmem>>, vector<16xf32>,
        %add3A_603 = arith.constant 16 : i32
        %add3A_604 = vector.broadcast %add3A_603 : i32 to vector<16xi32>
        %add3A_605 = arith.addi %iota3A, %add3A_604 : vector<16xi32>
        %gather3A_606 = tpu.vector_load_idx %arg9[%add3A_605, %broadcast_in_dim3A_575] : memref<64x640xf32, #tpu.memory_space<vmem>>[vector<16xi32>, vector<16xi32>], vector<16xf32>,
        %add3A_607 = arith.constant 16 : i32
        %add3A_608 = arith.addi %mul3A_593, %add3A_607 : i32
        %swap3A_609 = arith.index_cast %add3A_608 : i32 to index
        %swap3A_610 = tpu.vector_load %arg12[%swap3A_609] {strides = array<i32>} : memref<4096xf32, #tpu.memory_space<vmem>>, vector<16xf32>,
        tpu.vector_store %arg12[%swap3A_609], %gather3A_606 {strides = array<i32>} : memref<4096xf32, #tpu.memory_space<vmem>>, vector<16xf32>,
        %add3A_611 = arith.constant 32 : i32
        %add3A_612 = vector.broadcast %add3A_611 : i32 to vector<16xi32>
        %add3A_613 = arith.addi %iota3A, %add3A_612 : vector<16xi32>
        %gather3A_614 = tpu.vector_load_idx %arg9[%add3A_613, %broadcast_in_dim3A_575] : memref<64x640xf32, #tpu.memory_space<vmem>>[vector<16xi32>, vector<16xi32>], vector<16xf32>,
        %add3A_615 = arith.constant 32 : i32
        %add3A_616 = arith.addi %mul3A_593, %add3A_615 : i32
        %swap3A_617 = arith.index_cast %add3A_616 : i32 to index
        %swap3A_618 = tpu.vector_load %arg12[%swap3A_617] {strides = array<i32>} : memref<4096xf32, #tpu.memory_space<vmem>>, vector<16xf32>,
        tpu.vector_store %arg12[%swap3A_617], %gather3A_614 {strides = array<i32>} : memref<4096xf32, #tpu.memory_space<vmem>>, vector<16xf32>,
        %add3A_619 = arith.constant 48 : i32
        %add3A_620 = vector.broadcast %add3A_619 : i32 to vector<16xi32>
        %add3A_621 = arith.addi %iota3A, %add3A_620 : vector<16xi32>
        %gather3A_622 = tpu.vector_load_idx %arg9[%add3A_621, %broadcast_in_dim3A_575] : memref<64x640xf32, #tpu.memory_space<vmem>>[vector<16xi32>, vector<16xi32>], vector<16xf32>,
        %add3A_623 = arith.constant 48 : i32
        %add3A_624 = arith.addi %mul3A_593, %add3A_623 : i32
        %swap3A_625 = arith.index_cast %add3A_624 : i32 to index
        %swap3A_626 = tpu.vector_load %arg12[%swap3A_625] {strides = array<i32>} : memref<4096xf32, #tpu.memory_space<vmem>>, vector<16xf32>,
        tpu.vector_store %arg12[%swap3A_625], %gather3A_622 {strides = array<i32>} : memref<4096xf32, #tpu.memory_space<vmem>>, vector<16xf32>,
        %mul3A_627 = arith.constant 64 : i32
        %mul3A_628 = arith.muli %and3A_574, %mul3A_627 : i32
        %dma_start3A_629 = tpu.memref_slice %arg12[%mul3A_593] : memref<4096xf32, #tpu.memory_space<vmem>> -> memref<64xf32, #tpu.memory_space<vmem>>
        %dma_start3A_630 = tpu.memref_slice %arg5[%mul3A_628] : memref<1048576xf32, #tpu.memory_space<hbm>> -> memref<64xf32, #tpu.memory_space<hbm>>
        %dma_start3A_631 = tpu.memref_slice %arg5[%mul3A_628] : memref<1048576xf32, #tpu.memory_space<hbm>> -> memref<64xf32, #tpu.memory_space<hbm>>
        %dma_start3A_632 = tpu.memref_slice %arg12[%mul3A_593] : memref<4096xf32, #tpu.memory_space<vmem>> -> memref<64xf32, #tpu.memory_space<vmem>>
        tpu.enqueue_dma source(%dma_start3A_632 : memref<64xf32, #tpu.memory_space<vmem>>) target(%dma_start3A_631 : memref<64xf32, #tpu.memory_space<hbm>>) target_semaphore(%arg13 : memref<!tpu.dma_semaphore, #tpu.memory_space<semaphore_mem>>)
        %add3A_633 = arith.constant 1 : i32
        %add3A_634 = arith.addi %while3A_565, %add3A_633 : i32
        scf.yield %add3A_634 : i32
      }
      %while3A_562 = arith.constant 1 : i32
      %while3A_563 = scf.for %while3A_564 = %while3A_559 to %while3A_555 step %while3A_562 iter_args(%while3A_565 = %while3A_561) -> (i32)  : i32 {
        %get3A_566 = arith.index_cast %while3A_564 : i32 to index
        %get3A_567 = tpu.vector_load %arg8[%get3A_566] {strides = array<i32>} : memref<32xi32, #tpu.memory_space<vmem>>, vector<16xi32>,
        %slice3A_568 = vector.extract_strided_slice %get3A_567 {offsets = [0], sizes = [1], strides = [1]} : vector<16xi32> to vector<1xi32>
        %squeeze3A_569 = vector.extract %slice3A_568[0] : i32 from vector<1xi32>
        %shift_right_arithmetic3A_570 = arith.constant 14 : i32
        %shift_right_arithmetic3A_571 = arith.shrsi %squeeze3A_569, %shift_right_arithmetic3A_570 : i32
        %sub3A_572 = arith.subi %shift_right_arithmetic3A_571, %sub3A_253 : i32
        %and3A_573 = arith.constant 16383 : i32
        %and3A_574 = arith.andi %squeeze3A_569, %and3A_573 : i32
        %broadcast_in_dim3A_575 = vector.broadcast %sub3A_572 : i32 to vector<16xi32>
        %jit3A_576 = arith.constant 64 : i32
        %eq3A_577 = arith.constant 0 : i32
        %eq3A_578 = arith.cmpi eq, %jit3A_576, %eq3A_577 : i32
        %jit3A_579 = arith.constant 1 : i32
        %select_n3A_580 = arith.select %eq3A_578, %jit3A_579, %jit3A_576 : i32
        %rem3A_581 = arith.remsi %while3A_565, %select_n3A_580 : i32
        %ne3A_582 = arith.constant 0 : i32
        %ne3A_583 = arith.cmpi ne, %rem3A_581, %ne3A_582 : i32
        %lt3A_584 = arith.constant 0 : i32
        %lt3A_585 = arith.cmpi slt, %rem3A_581, %lt3A_584 : i32
        %lt3A_586 = arith.constant 0 : i32
        %lt3A_587 = arith.cmpi slt, %select_n3A_580, %lt3A_586 : i32
        %ne3A_588 = arith.xori %lt3A_585, %lt3A_587 : i1
        %and3A_589 = arith.andi %ne3A_588, %ne3A_583 : i1
        %add3A_590 = arith.addi %rem3A_581, %select_n3A_580 : i32
        %select_n3A_591 = arith.select %and3A_589, %add3A_590, %rem3A_581 : i32
        %mul3A_592 = arith.constant 64 : i32
        %mul3A_593 = arith.muli %select_n3A_591, %mul3A_592 : i32
        %ge3A = arith.constant 64 : i32
        %ge3A_594 = arith.cmpi sge, %while3A_565, %ge3A : i32
        %convert_element_type3A = arith.extui %ge3A_594 : i1 to i32
        %cond3A = arith.constant 0 : i32
        %cond3A_595 = arith.cmpi ne, %convert_element_type3A, %cond3A : i32
        scf.if %cond3A_595 {
          %dma_wait3A_635 = arith.constant 0 : i32
          %dma_wait3A_636 = tpu.memref_slice %arg12[%dma_wait3A_635] : memref<4096xf32, #tpu.memory_space<vmem>> -> memref<64xf32, #tpu.memory_space<vmem>>
          %dma_wait3A_637 = arith.constant 0 : i32
          %dma_wait3A_638 = tpu.memref_slice %arg5[%dma_wait3A_637] : memref<1048576xf32, #tpu.memory_space<hbm>> -> memref<64xf32, #tpu.memory_space<hbm>>
          %dma_wait3A_639 = arith.constant 0 : i32
          %dma_wait3A_640 = tpu.memref_slice %arg12[%dma_wait3A_639] : memref<4096xf32, #tpu.memory_space<vmem>> -> memref<64xf32, #tpu.memory_space<vmem>>
          %dma_wait3A_641 = arith.constant 0 : i32
          %dma_wait3A_642 = tpu.memref_slice %arg5[%dma_wait3A_641] : memref<1048576xf32, #tpu.memory_space<hbm>> -> memref<64xf32, #tpu.memory_space<hbm>>
          tpu.wait_dma2 semaphore(%arg13 : memref<!tpu.dma_semaphore, #tpu.memory_space<semaphore_mem>>) src(%dma_wait3A_642 : memref<64xf32, #tpu.memory_space<hbm>>) dst(%dma_wait3A_640 : memref<64xf32, #tpu.memory_space<vmem>>)
        } else {
        }
        %add3A_596 = arith.constant 0 : i32
        %add3A_597 = vector.broadcast %add3A_596 : i32 to vector<16xi32>
        %add3A_598 = arith.addi %iota3A, %add3A_597 : vector<16xi32>
        %gather3A = tpu.vector_load_idx %arg9[%add3A_598, %broadcast_in_dim3A_575] : memref<64x640xf32, #tpu.memory_space<vmem>>[vector<16xi32>, vector<16xi32>], vector<16xf32>,
        %add3A_599 = arith.constant 0 : i32
        %add3A_600 = arith.addi %mul3A_593, %add3A_599 : i32
        %swap3A_601 = arith.index_cast %add3A_600 : i32 to index
        %swap3A_602 = tpu.vector_load %arg12[%swap3A_601] {strides = array<i32>} : memref<4096xf32, #tpu.memory_space<vmem>>, vector<16xf32>,
        tpu.vector_store %arg12[%swap3A_601], %gather3A {strides = array<i32>} : memref<4096xf32, #tpu.memory_space<vmem>>, vector<16xf32>,
        %add3A_603 = arith.constant 16 : i32
        %add3A_604 = vector.broadcast %add3A_603 : i32 to vector<16xi32>
        %add3A_605 = arith.addi %iota3A, %add3A_604 : vector<16xi32>
        %gather3A_606 = tpu.vector_load_idx %arg9[%add3A_605, %broadcast_in_dim3A_575] : memref<64x640xf32, #tpu.memory_space<vmem>>[vector<16xi32>, vector<16xi32>], vector<16xf32>,
        %add3A_607 = arith.constant 16 : i32
        %add3A_608 = arith.addi %mul3A_593, %add3A_607 : i32
        %swap3A_609 = arith.index_cast %add3A_608 : i32 to index
        %swap3A_610 = tpu.vector_load %arg12[%swap3A_609] {strides = array<i32>} : memref<4096xf32, #tpu.memory_space<vmem>>, vector<16xf32>,
        tpu.vector_store %arg12[%swap3A_609], %gather3A_606 {strides = array<i32>} : memref<4096xf32, #tpu.memory_space<vmem>>, vector<16xf32>,
        %add3A_611 = arith.constant 32 : i32
        %add3A_612 = vector.broadcast %add3A_611 : i32 to vector<16xi32>
        %add3A_613 = arith.addi %iota3A, %add3A_612 : vector<16xi32>
        %gather3A_614 = tpu.vector_load_idx %arg9[%add3A_613, %broadcast_in_dim3A_575] : memref<64x640xf32, #tpu.memory_space<vmem>>[vector<16xi32>, vector<16xi32>], vector<16xf32>,
        %add3A_615 = arith.constant 32 : i32
        %add3A_616 = arith.addi %mul3A_593, %add3A_615 : i32
        %swap3A_617 = arith.index_cast %add3A_616 : i32 to index
        %swap3A_618 = tpu.vector_load %arg12[%swap3A_617] {strides = array<i32>} : memref<4096xf32, #tpu.memory_space<vmem>>, vector<16xf32>,
        tpu.vector_store %arg12[%swap3A_617], %gather3A_614 {strides = array<i32>} : memref<4096xf32, #tpu.memory_space<vmem>>, vector<16xf32>,
        %add3A_619 = arith.constant 48 : i32
        %add3A_620 = vector.broadcast %add3A_619 : i32 to vector<16xi32>
        %add3A_621 = arith.addi %iota3A, %add3A_620 : vector<16xi32>
        %gather3A_622 = tpu.vector_load_idx %arg9[%add3A_621, %broadcast_in_dim3A_575] : memref<64x640xf32, #tpu.memory_space<vmem>>[vector<16xi32>, vector<16xi32>], vector<16xf32>,
        %add3A_623 = arith.constant 48 : i32
        %add3A_624 = arith.addi %mul3A_593, %add3A_623 : i32
        %swap3A_625 = arith.index_cast %add3A_624 : i32 to index
        %swap3A_626 = tpu.vector_load %arg12[%swap3A_625] {strides = array<i32>} : memref<4096xf32, #tpu.memory_space<vmem>>, vector<16xf32>,
        tpu.vector_store %arg12[%swap3A_625], %gather3A_622 {strides = array<i32>} : memref<4096xf32, #tpu.memory_space<vmem>>, vector<16xf32>,
        %mul3A_627 = arith.constant 64 : i32
        %mul3A_628 = arith.muli %and3A_574, %mul3A_627 : i32
        %dma_start3A_629 = tpu.memref_slice %arg12[%mul3A_593] : memref<4096xf32, #tpu.memory_space<vmem>> -> memref<64xf32, #tpu.memory_space<vmem>>
        %dma_start3A_630 = tpu.memref_slice %arg5[%mul3A_628] : memref<1048576xf32, #tpu.memory_space<hbm>> -> memref<64xf32, #tpu.memory_space<hbm>>
        %dma_start3A_631 = tpu.memref_slice %arg5[%mul3A_628] : memref<1048576xf32, #tpu.memory_space<hbm>> -> memref<64xf32, #tpu.memory_space<hbm>>
        %dma_start3A_632 = tpu.memref_slice %arg12[%mul3A_593] : memref<4096xf32, #tpu.memory_space<vmem>> -> memref<64xf32, #tpu.memory_space<vmem>>
        tpu.enqueue_dma source(%dma_start3A_632 : memref<64xf32, #tpu.memory_space<vmem>>) target(%dma_start3A_631 : memref<64xf32, #tpu.memory_space<hbm>>) target_semaphore(%arg13 : memref<!tpu.dma_semaphore, #tpu.memory_space<semaphore_mem>>)
        %add3A_633 = arith.constant 1 : i32
        %add3A_634 = arith.addi %while3A_565, %add3A_633 : i32
        scf.yield %add3A_634 : i32
      }
      scf.yield %while3A_563 : i32
    }
    %while3A_383 = arith.constant 1 : i32
    %while3A_384 = scf.for %while3A_539 = %while3A_380 to %while3A_376 step %while3A_383 iter_args(%while3A_540 = %while3A_382) -> (i32)  : i32 {
      %mul3A_541 = arith.constant 16 : i32
      %mul3A_542 = arith.muli %while3A_539, %mul3A_541 : i32
      %get3A = arith.index_cast %mul3A_542 : i32 to index
      %get3A_543 = tpu.vector_load %arg6[%get3A] {strides = array<i32>} : memref<16400xi32, #tpu.memory_space<vmem>>, vector<16xi32>,
      %shift_right_arithmetic3A = arith.constant 14 : i32
      %shift_right_arithmetic3A_544 = vector.broadcast %shift_right_arithmetic3A : i32 to vector<16xi32>
      %shift_right_arithmetic3A_545 = arith.shrsi %get3A_543, %shift_right_arithmetic3A_544 : vector<16xi32>
      %le3A = vector.broadcast %sub3A_253 : i32 to vector<16xi32>
      %le3A_546 = arith.cmpi sle, %le3A, %shift_right_arithmetic3A_545 : vector<16xi32>
      %add3A_547 = arith.constant 640 : i32
      %add3A_548 = arith.addi %sub3A_253, %add3A_547 : i32
      %lt3A = vector.broadcast %add3A_548 : i32 to vector<16xi32>
      %lt3A_549 = arith.cmpi slt, %shift_right_arithmetic3A_545, %lt3A : vector<16xi32>
      %and3A_550 = arith.andi %le3A_546, %lt3A_549 : vector<16xi1>
      %swap3A_551 = arith.constant 0 : index
      %swap3A_552 = tpu.vector_load %arg8[%swap3A_551] masked %and3A_550 {strides = array<i32>} : memref<32xi32, #tpu.memory_space<vmem>>, vector<16xi32>, vector<16xi1>
      tpu.vector_store %arg8[%swap3A_551], %get3A_543 masked %and3A_550 {strides = array<i32>} : memref<32xi32, #tpu.memory_space<vmem>>, vector<16xi32>, vector<16xi1>
      %all_reduce_population_count3A = tpu.all_reduce %and3A_550 {dim = 0 : i64, kind = #tpu.reduction_kind<sum>} : vector<16xi1> -> vector<16xi32>
      %slice3A = vector.extract_strided_slice %all_reduce_population_count3A {offsets = [0], sizes = [1], strides = [1]} : vector<16xi32> to vector<1xi32>
      %squeeze3A = vector.extract %slice3A[0] : i32 from vector<1xi32>
      %while3A_553 = arith.constant 0 : i32
      %while3A_554 = arith.subi %squeeze3A, %while3A_553 : i32
      %while3A_555 = arith.addi %while3A_553, %while3A_554 : i32
      %while3A_556 = arith.constant 1 : i32
      %while3A_557 = arith.divsi %while3A_554, %while3A_556 : i32
      %while3A_558 = arith.muli %while3A_557, %while3A_556 : i32
      %while3A_559 = arith.addi %while3A_553, %while3A_558 : i32
      %while3A_560 = arith.constant 1 : i32
      %while3A_561 = scf.for %while3A_564 = %while3A_553 to %while3A_559 step %while3A_560 iter_args(%while3A_565 = %while3A_540) -> (i32)  : i32 {
        %get3A_566 = arith.index_cast %while3A_564 : i32 to index
        %get3A_567 = tpu.vector_load %arg8[%get3A_566] {strides = array<i32>} : memref<32xi32, #tpu.memory_space<vmem>>, vector<16xi32>,
        %slice3A_568 = vector.extract_strided_slice %get3A_567 {offsets = [0], sizes = [1], strides = [1]} : vector<16xi32> to vector<1xi32>
        %squeeze3A_569 = vector.extract %slice3A_568[0] : i32 from vector<1xi32>
        %shift_right_arithmetic3A_570 = arith.constant 14 : i32
        %shift_right_arithmetic3A_571 = arith.shrsi %squeeze3A_569, %shift_right_arithmetic3A_570 : i32
        %sub3A_572 = arith.subi %shift_right_arithmetic3A_571, %sub3A_253 : i32
        %and3A_573 = arith.constant 16383 : i32
        %and3A_574 = arith.andi %squeeze3A_569, %and3A_573 : i32
        %broadcast_in_dim3A_575 = vector.broadcast %sub3A_572 : i32 to vector<16xi32>
        %jit3A_576 = arith.constant 64 : i32
        %eq3A_577 = arith.constant 0 : i32
        %eq3A_578 = arith.cmpi eq, %jit3A_576, %eq3A_577 : i32
        %jit3A_579 = arith.constant 1 : i32
        %select_n3A_580 = arith.select %eq3A_578, %jit3A_579, %jit3A_576 : i32
        %rem3A_581 = arith.remsi %while3A_565, %select_n3A_580 : i32
        %ne3A_582 = arith.constant 0 : i32
        %ne3A_583 = arith.cmpi ne, %rem3A_581, %ne3A_582 : i32
        %lt3A_584 = arith.constant 0 : i32
        %lt3A_585 = arith.cmpi slt, %rem3A_581, %lt3A_584 : i32
        %lt3A_586 = arith.constant 0 : i32
        %lt3A_587 = arith.cmpi slt, %select_n3A_580, %lt3A_586 : i32
        %ne3A_588 = arith.xori %lt3A_585, %lt3A_587 : i1
        %and3A_589 = arith.andi %ne3A_588, %ne3A_583 : i1
        %add3A_590 = arith.addi %rem3A_581, %select_n3A_580 : i32
        %select_n3A_591 = arith.select %and3A_589, %add3A_590, %rem3A_581 : i32
        %mul3A_592 = arith.constant 64 : i32
        %mul3A_593 = arith.muli %select_n3A_591, %mul3A_592 : i32
        %ge3A = arith.constant 64 : i32
        %ge3A_594 = arith.cmpi sge, %while3A_565, %ge3A : i32
        %convert_element_type3A = arith.extui %ge3A_594 : i1 to i32
        %cond3A = arith.constant 0 : i32
        %cond3A_595 = arith.cmpi ne, %convert_element_type3A, %cond3A : i32
        scf.if %cond3A_595 {
          %dma_wait3A_635 = arith.constant 0 : i32
          %dma_wait3A_636 = tpu.memref_slice %arg12[%dma_wait3A_635] : memref<4096xf32, #tpu.memory_space<vmem>> -> memref<64xf32, #tpu.memory_space<vmem>>
          %dma_wait3A_637 = arith.constant 0 : i32
          %dma_wait3A_638 = tpu.memref_slice %arg5[%dma_wait3A_637] : memref<1048576xf32, #tpu.memory_space<hbm>> -> memref<64xf32, #tpu.memory_space<hbm>>
          %dma_wait3A_639 = arith.constant 0 : i32
          %dma_wait3A_640 = tpu.memref_slice %arg12[%dma_wait3A_639] : memref<4096xf32, #tpu.memory_space<vmem>> -> memref<64xf32, #tpu.memory_space<vmem>>
          %dma_wait3A_641 = arith.constant 0 : i32
          %dma_wait3A_642 = tpu.memref_slice %arg5[%dma_wait3A_641] : memref<1048576xf32, #tpu.memory_space<hbm>> -> memref<64xf32, #tpu.memory_space<hbm>>
          tpu.wait_dma2 semaphore(%arg13 : memref<!tpu.dma_semaphore, #tpu.memory_space<semaphore_mem>>) src(%dma_wait3A_642 : memref<64xf32, #tpu.memory_space<hbm>>) dst(%dma_wait3A_640 : memref<64xf32, #tpu.memory_space<vmem>>)
        } else {
        }
        %add3A_596 = arith.constant 0 : i32
        %add3A_597 = vector.broadcast %add3A_596 : i32 to vector<16xi32>
        %add3A_598 = arith.addi %iota3A, %add3A_597 : vector<16xi32>
        %gather3A = tpu.vector_load_idx %arg9[%add3A_598, %broadcast_in_dim3A_575] : memref<64x640xf32, #tpu.memory_space<vmem>>[vector<16xi32>, vector<16xi32>], vector<16xf32>,
        %add3A_599 = arith.constant 0 : i32
        %add3A_600 = arith.addi %mul3A_593, %add3A_599 : i32
        %swap3A_601 = arith.index_cast %add3A_600 : i32 to index
        %swap3A_602 = tpu.vector_load %arg12[%swap3A_601] {strides = array<i32>} : memref<4096xf32, #tpu.memory_space<vmem>>, vector<16xf32>,
        tpu.vector_store %arg12[%swap3A_601], %gather3A {strides = array<i32>} : memref<4096xf32, #tpu.memory_space<vmem>>, vector<16xf32>,
        %add3A_603 = arith.constant 16 : i32
        %add3A_604 = vector.broadcast %add3A_603 : i32 to vector<16xi32>
        %add3A_605 = arith.addi %iota3A, %add3A_604 : vector<16xi32>
        %gather3A_606 = tpu.vector_load_idx %arg9[%add3A_605, %broadcast_in_dim3A_575] : memref<64x640xf32, #tpu.memory_space<vmem>>[vector<16xi32>, vector<16xi32>], vector<16xf32>,
        %add3A_607 = arith.constant 16 : i32
        %add3A_608 = arith.addi %mul3A_593, %add3A_607 : i32
        %swap3A_609 = arith.index_cast %add3A_608 : i32 to index
        %swap3A_610 = tpu.vector_load %arg12[%swap3A_609] {strides = array<i32>} : memref<4096xf32, #tpu.memory_space<vmem>>, vector<16xf32>,
        tpu.vector_store %arg12[%swap3A_609], %gather3A_606 {strides = array<i32>} : memref<4096xf32, #tpu.memory_space<vmem>>, vector<16xf32>,
        %add3A_611 = arith.constant 32 : i32
        %add3A_612 = vector.broadcast %add3A_611 : i32 to vector<16xi32>
        %add3A_613 = arith.addi %iota3A, %add3A_612 : vector<16xi32>
        %gather3A_614 = tpu.vector_load_idx %arg9[%add3A_613, %broadcast_in_dim3A_575] : memref<64x640xf32, #tpu.memory_space<vmem>>[vector<16xi32>, vector<16xi32>], vector<16xf32>,
        %add3A_615 = arith.constant 32 : i32
        %add3A_616 = arith.addi %mul3A_593, %add3A_615 : i32
        %swap3A_617 = arith.index_cast %add3A_616 : i32 to index
        %swap3A_618 = tpu.vector_load %arg12[%swap3A_617] {strides = array<i32>} : memref<4096xf32, #tpu.memory_space<vmem>>, vector<16xf32>,
        tpu.vector_store %arg12[%swap3A_617], %gather3A_614 {strides = array<i32>} : memref<4096xf32, #tpu.memory_space<vmem>>, vector<16xf32>,
        %add3A_619 = arith.constant 48 : i32
        %add3A_620 = vector.broadcast %add3A_619 : i32 to vector<16xi32>
        %add3A_621 = arith.addi %iota3A, %add3A_620 : vector<16xi32>
        %gather3A_622 = tpu.vector_load_idx %arg9[%add3A_621, %broadcast_in_dim3A_575] : memref<64x640xf32, #tpu.memory_space<vmem>>[vector<16xi32>, vector<16xi32>], vector<16xf32>,
        %add3A_623 = arith.constant 48 : i32
        %add3A_624 = arith.addi %mul3A_593, %add3A_623 : i32
        %swap3A_625 = arith.index_cast %add3A_624 : i32 to index
        %swap3A_626 = tpu.vector_load %arg12[%swap3A_625] {strides = array<i32>} : memref<4096xf32, #tpu.memory_space<vmem>>, vector<16xf32>,
        tpu.vector_store %arg12[%swap3A_625], %gather3A_622 {strides = array<i32>} : memref<4096xf32, #tpu.memory_space<vmem>>, vector<16xf32>,
        %mul3A_627 = arith.constant 64 : i32
        %mul3A_628 = arith.muli %and3A_574, %mul3A_627 : i32
        %dma_start3A_629 = tpu.memref_slice %arg12[%mul3A_593] : memref<4096xf32, #tpu.memory_space<vmem>> -> memref<64xf32, #tpu.memory_space<vmem>>
        %dma_start3A_630 = tpu.memref_slice %arg5[%mul3A_628] : memref<1048576xf32, #tpu.memory_space<hbm>> -> memref<64xf32, #tpu.memory_space<hbm>>
        %dma_start3A_631 = tpu.memref_slice %arg5[%mul3A_628] : memref<1048576xf32, #tpu.memory_space<hbm>> -> memref<64xf32, #tpu.memory_space<hbm>>
        %dma_start3A_632 = tpu.memref_slice %arg12[%mul3A_593] : memref<4096xf32, #tpu.memory_space<vmem>> -> memref<64xf32, #tpu.memory_space<vmem>>
        tpu.enqueue_dma source(%dma_start3A_632 : memref<64xf32, #tpu.memory_space<vmem>>) target(%dma_start3A_631 : memref<64xf32, #tpu.memory_space<hbm>>) target_semaphore(%arg13 : memref<!tpu.dma_semaphore, #tpu.memory_space<semaphore_mem>>)
        %add3A_633 = arith.constant 1 : i32
        %add3A_634 = arith.addi %while3A_565, %add3A_633 : i32
        scf.yield %add3A_634 : i32
      }
      %while3A_562 = arith.constant 1 : i32
      %while3A_563 = scf.for %while3A_564 = %while3A_559 to %while3A_555 step %while3A_562 iter_args(%while3A_565 = %while3A_561) -> (i32)  : i32 {
        %get3A_566 = arith.index_cast %while3A_564 : i32 to index
        %get3A_567 = tpu.vector_load %arg8[%get3A_566] {strides = array<i32>} : memref<32xi32, #tpu.memory_space<vmem>>, vector<16xi32>,
        %slice3A_568 = vector.extract_strided_slice %get3A_567 {offsets = [0], sizes = [1], strides = [1]} : vector<16xi32> to vector<1xi32>
        %squeeze3A_569 = vector.extract %slice3A_568[0] : i32 from vector<1xi32>
        %shift_right_arithmetic3A_570 = arith.constant 14 : i32
        %shift_right_arithmetic3A_571 = arith.shrsi %squeeze3A_569, %shift_right_arithmetic3A_570 : i32
        %sub3A_572 = arith.subi %shift_right_arithmetic3A_571, %sub3A_253 : i32
        %and3A_573 = arith.constant 16383 : i32
        %and3A_574 = arith.andi %squeeze3A_569, %and3A_573 : i32
        %broadcast_in_dim3A_575 = vector.broadcast %sub3A_572 : i32 to vector<16xi32>
        %jit3A_576 = arith.constant 64 : i32
        %eq3A_577 = arith.constant 0 : i32
        %eq3A_578 = arith.cmpi eq, %jit3A_576, %eq3A_577 : i32
        %jit3A_579 = arith.constant 1 : i32
        %select_n3A_580 = arith.select %eq3A_578, %jit3A_579, %jit3A_576 : i32
        %rem3A_581 = arith.remsi %while3A_565, %select_n3A_580 : i32
        %ne3A_582 = arith.constant 0 : i32
        %ne3A_583 = arith.cmpi ne, %rem3A_581, %ne3A_582 : i32
        %lt3A_584 = arith.constant 0 : i32
        %lt3A_585 = arith.cmpi slt, %rem3A_581, %lt3A_584 : i32
        %lt3A_586 = arith.constant 0 : i32
        %lt3A_587 = arith.cmpi slt, %select_n3A_580, %lt3A_586 : i32
        %ne3A_588 = arith.xori %lt3A_585, %lt3A_587 : i1
        %and3A_589 = arith.andi %ne3A_588, %ne3A_583 : i1
        %add3A_590 = arith.addi %rem3A_581, %select_n3A_580 : i32
        %select_n3A_591 = arith.select %and3A_589, %add3A_590, %rem3A_581 : i32
        %mul3A_592 = arith.constant 64 : i32
        %mul3A_593 = arith.muli %select_n3A_591, %mul3A_592 : i32
        %ge3A = arith.constant 64 : i32
        %ge3A_594 = arith.cmpi sge, %while3A_565, %ge3A : i32
        %convert_element_type3A = arith.extui %ge3A_594 : i1 to i32
        %cond3A = arith.constant 0 : i32
        %cond3A_595 = arith.cmpi ne, %convert_element_type3A, %cond3A : i32
        scf.if %cond3A_595 {
          %dma_wait3A_635 = arith.constant 0 : i32
          %dma_wait3A_636 = tpu.memref_slice %arg12[%dma_wait3A_635] : memref<4096xf32, #tpu.memory_space<vmem>> -> memref<64xf32, #tpu.memory_space<vmem>>
          %dma_wait3A_637 = arith.constant 0 : i32
          %dma_wait3A_638 = tpu.memref_slice %arg5[%dma_wait3A_637] : memref<1048576xf32, #tpu.memory_space<hbm>> -> memref<64xf32, #tpu.memory_space<hbm>>
          %dma_wait3A_639 = arith.constant 0 : i32
          %dma_wait3A_640 = tpu.memref_slice %arg12[%dma_wait3A_639] : memref<4096xf32, #tpu.memory_space<vmem>> -> memref<64xf32, #tpu.memory_space<vmem>>
          %dma_wait3A_641 = arith.constant 0 : i32
          %dma_wait3A_642 = tpu.memref_slice %arg5[%dma_wait3A_641] : memref<1048576xf32, #tpu.memory_space<hbm>> -> memref<64xf32, #tpu.memory_space<hbm>>
          tpu.wait_dma2 semaphore(%arg13 : memref<!tpu.dma_semaphore, #tpu.memory_space<semaphore_mem>>) src(%dma_wait3A_642 : memref<64xf32, #tpu.memory_space<hbm>>) dst(%dma_wait3A_640 : memref<64xf32, #tpu.memory_space<vmem>>)
        } else {
        }
        %add3A_596 = arith.constant 0 : i32
        %add3A_597 = vector.broadcast %add3A_596 : i32 to vector<16xi32>
        %add3A_598 = arith.addi %iota3A, %add3A_597 : vector<16xi32>
        %gather3A = tpu.vector_load_idx %arg9[%add3A_598, %broadcast_in_dim3A_575] : memref<64x640xf32, #tpu.memory_space<vmem>>[vector<16xi32>, vector<16xi32>], vector<16xf32>,
        %add3A_599 = arith.constant 0 : i32
        %add3A_600 = arith.addi %mul3A_593, %add3A_599 : i32
        %swap3A_601 = arith.index_cast %add3A_600 : i32 to index
        %swap3A_602 = tpu.vector_load %arg12[%swap3A_601] {strides = array<i32>} : memref<4096xf32, #tpu.memory_space<vmem>>, vector<16xf32>,
        tpu.vector_store %arg12[%swap3A_601], %gather3A {strides = array<i32>} : memref<4096xf32, #tpu.memory_space<vmem>>, vector<16xf32>,
        %add3A_603 = arith.constant 16 : i32
        %add3A_604 = vector.broadcast %add3A_603 : i32 to vector<16xi32>
        %add3A_605 = arith.addi %iota3A, %add3A_604 : vector<16xi32>
        %gather3A_606 = tpu.vector_load_idx %arg9[%add3A_605, %broadcast_in_dim3A_575] : memref<64x640xf32, #tpu.memory_space<vmem>>[vector<16xi32>, vector<16xi32>], vector<16xf32>,
        %add3A_607 = arith.constant 16 : i32
        %add3A_608 = arith.addi %mul3A_593, %add3A_607 : i32
        %swap3A_609 = arith.index_cast %add3A_608 : i32 to index
        %swap3A_610 = tpu.vector_load %arg12[%swap3A_609] {strides = array<i32>} : memref<4096xf32, #tpu.memory_space<vmem>>, vector<16xf32>,
        tpu.vector_store %arg12[%swap3A_609], %gather3A_606 {strides = array<i32>} : memref<4096xf32, #tpu.memory_space<vmem>>, vector<16xf32>,
        %add3A_611 = arith.constant 32 : i32
        %add3A_612 = vector.broadcast %add3A_611 : i32 to vector<16xi32>
        %add3A_613 = arith.addi %iota3A, %add3A_612 : vector<16xi32>
        %gather3A_614 = tpu.vector_load_idx %arg9[%add3A_613, %broadcast_in_dim3A_575] : memref<64x640xf32, #tpu.memory_space<vmem>>[vector<16xi32>, vector<16xi32>], vector<16xf32>,
        %add3A_615 = arith.constant 32 : i32
        %add3A_616 = arith.addi %mul3A_593, %add3A_615 : i32
        %swap3A_617 = arith.index_cast %add3A_616 : i32 to index
        %swap3A_618 = tpu.vector_load %arg12[%swap3A_617] {strides = array<i32>} : memref<4096xf32, #tpu.memory_space<vmem>>, vector<16xf32>,
        tpu.vector_store %arg12[%swap3A_617], %gather3A_614 {strides = array<i32>} : memref<4096xf32, #tpu.memory_space<vmem>>, vector<16xf32>,
        %add3A_619 = arith.constant 48 : i32
        %add3A_620 = vector.broadcast %add3A_619 : i32 to vector<16xi32>
        %add3A_621 = arith.addi %iota3A, %add3A_620 : vector<16xi32>
        %gather3A_622 = tpu.vector_load_idx %arg9[%add3A_621, %broadcast_in_dim3A_575] : memref<64x640xf32, #tpu.memory_space<vmem>>[vector<16xi32>, vector<16xi32>], vector<16xf32>,
        %add3A_623 = arith.constant 48 : i32
        %add3A_624 = arith.addi %mul3A_593, %add3A_623 : i32
        %swap3A_625 = arith.index_cast %add3A_624 : i32 to index
        %swap3A_626 = tpu.vector_load %arg12[%swap3A_625] {strides = array<i32>} : memref<4096xf32, #tpu.memory_space<vmem>>, vector<16xf32>,
        tpu.vector_store %arg12[%swap3A_625], %gather3A_622 {strides = array<i32>} : memref<4096xf32, #tpu.memory_space<vmem>>, vector<16xf32>,
        %mul3A_627 = arith.constant 64 : i32
        %mul3A_628 = arith.muli %and3A_574, %mul3A_627 : i32
        %dma_start3A_629 = tpu.memref_slice %arg12[%mul3A_593] : memref<4096xf32, #tpu.memory_space<vmem>> -> memref<64xf32, #tpu.memory_space<vmem>>
        %dma_start3A_630 = tpu.memref_slice %arg5[%mul3A_628] : memref<1048576xf32, #tpu.memory_space<hbm>> -> memref<64xf32, #tpu.memory_space<hbm>>
        %dma_start3A_631 = tpu.memref_slice %arg5[%mul3A_628] : memref<1048576xf32, #tpu.memory_space<hbm>> -> memref<64xf32, #tpu.memory_space<hbm>>
        %dma_start3A_632 = tpu.memref_slice %arg12[%mul3A_593] : memref<4096xf32, #tpu.memory_space<vmem>> -> memref<64xf32, #tpu.memory_space<vmem>>
        tpu.enqueue_dma source(%dma_start3A_632 : memref<64xf32, #tpu.memory_space<vmem>>) target(%dma_start3A_631 : memref<64xf32, #tpu.memory_space<hbm>>) target_semaphore(%arg13 : memref<!tpu.dma_semaphore, #tpu.memory_space<semaphore_mem>>)
        %add3A_633 = arith.constant 1 : i32
        %add3A_634 = arith.addi %while3A_565, %add3A_633 : i32
        scf.yield %add3A_634 : i32
      }
      scf.yield %while3A_563 : i32
    }
    %dma_wait3A_385 = arith.constant 0 : i32
    %dma_wait3A_386 = arith.constant 0 : i32
    %dma_wait3A_387 = tpu.memref_slice %arg2[%dma_wait3A_385, %dma_wait3A_386] : memref<64x1000000xf32, #tpu.memory_space<hbm>> -> memref<64x640xf32, #tpu.memory_space<hbm>>
    %dma_wait3A_388 = arith.constant 0 : i32
    %dma_wait3A_389 = arith.constant 0 : i32
    %dma_wait3A_390 = tpu.memref_slice %arg2[%dma_wait3A_388, %dma_wait3A_389] : memref<64x1000000xf32, #tpu.memory_space<hbm>> -> memref<64x640xf32, #tpu.memory_space<hbm>>
    tpu.wait_dma2 semaphore(%arg14 : memref<!tpu.dma_semaphore, #tpu.memory_space<semaphore_mem>>) src(%dma_wait3A_390 : memref<64x640xf32, #tpu.memory_space<hbm>>) dst(%arg10 : memref<64x640xf32, #tpu.memory_space<vmem>>)
    "tpu.region"() ({
      %run_scoped3A = tpu.sem_alloc : memref<!tpu.dma_semaphore, #tpu.memory_space<semaphore_mem>>
      tpu.enqueue_dma source(%arg3 : memref<64x64xf32, #tpu.memory_space<hbm>>) target(%arg11 : memref<64x64xf32, #tpu.memory_space<vmem>>) target_semaphore(%run_scoped3A : memref<!tpu.dma_semaphore, #tpu.memory_space<semaphore_mem>>)
      tpu.wait_dma2 semaphore(%run_scoped3A : memref<!tpu.dma_semaphore, #tpu.memory_space<semaphore_mem>>) src(%arg3 : memref<64x64xf32, #tpu.memory_space<hbm>>) dst(%arg11 : memref<64x64xf32, #tpu.memory_space<vmem>>)
      tpu.yield
    }) : () -> ()
    %sub3A_391 = arith.constant 999936 : i32
    %sub3A_392 = arith.subi %sub3A_391, %mul3A_2 : i32
    %jit3A_393 = arith.constant 5120 : i32
    %div3A_394 = arith.divsi %sub3A_392, %jit3A_393 : i32
    %sign3A_395 = arith.constant 0 : i32
    %sign3A_396 = arith.cmpi sgt, %sub3A_392, %sign3A_395 : i32
    %sign3A_397 = arith.extui %sign3A_396 : i1 to i32
    %sign3A_398 = arith.constant 0 : i32
    %sign3A_399 = arith.cmpi slt, %sub3A_392, %sign3A_398 : i32
    %sign3A_400 = arith.extui %sign3A_399 : i1 to i32
    %sign3A_401 = arith.subi %sign3A_397, %sign3A_400 : i32
    %sign3A_402 = arith.constant 0 : i32
    %sign3A_403 = arith.cmpi sgt, %jit3A_393, %sign3A_402 : i32
    %sign3A_404 = arith.extui %sign3A_403 : i1 to i32
    %sign3A_405 = arith.constant 0 : i32
    %sign3A_406 = arith.cmpi slt, %jit3A_393, %sign3A_405 : i32
    %sign3A_407 = arith.extui %sign3A_406 : i1 to i32
    %sign3A_408 = arith.subi %sign3A_404, %sign3A_407 : i32
    %ne3A_409 = arith.cmpi ne, %sign3A_401, %sign3A_408 : i32
    %rem3A_410 = arith.remsi %sub3A_392, %jit3A_393 : i32
    %ne3A_411 = arith.constant 0 : i32
    %ne3A_412 = arith.cmpi ne, %rem3A_410, %ne3A_411 : i32
    %and3A_413 = arith.andi %ne3A_409, %ne3A_412 : i1
    %sub3A_414 = arith.constant 1 : i32
    %sub3A_415 = arith.subi %div3A_394, %sub3A_414 : i32
    %select_n3A_416 = arith.select %and3A_413, %sub3A_415, %div3A_394 : i32
    %add3A_417 = arith.constant 64 : i32
    %add3A_418 = arith.addi %sub3A_392, %add3A_417 : i32
    %sub3A_419 = arith.constant 1 : i32
    %sub3A_420 = arith.subi %add3A_418, %sub3A_419 : i32
    %jit3A_421 = arith.constant 5120 : i32
    %div3A_422 = arith.divsi %sub3A_420, %jit3A_421 : i32
    %sign3A_423 = arith.constant 0 : i32
    %sign3A_424 = arith.cmpi sgt, %sub3A_420, %sign3A_423 : i32
    %sign3A_425 = arith.extui %sign3A_424 : i1 to i32
    %sign3A_426 = arith.constant 0 : i32
    %sign3A_427 = arith.cmpi slt, %sub3A_420, %sign3A_426 : i32
    %sign3A_428 = arith.extui %sign3A_427 : i1 to i32
    %sign3A_429 = arith.subi %sign3A_425, %sign3A_428 : i32
    %sign3A_430 = arith.constant 0 : i32
    %sign3A_431 = arith.cmpi sgt, %jit3A_421, %sign3A_430 : i32
    %sign3A_432 = arith.extui %sign3A_431 : i1 to i32
    %sign3A_433 = arith.constant 0 : i32
    %sign3A_434 = arith.cmpi slt, %jit3A_421, %sign3A_433 : i32
    %sign3A_435 = arith.extui %sign3A_434 : i1 to i32
    %sign3A_436 = arith.subi %sign3A_432, %sign3A_435 : i32
    %ne3A_437 = arith.cmpi ne, %sign3A_429, %sign3A_436 : i32
    %rem3A_438 = arith.remsi %sub3A_420, %jit3A_421 : i32
    %ne3A_439 = arith.constant 0 : i32
    %ne3A_440 = arith.cmpi ne, %rem3A_438, %ne3A_439 : i32
    %and3A_441 = arith.andi %ne3A_437, %ne3A_440 : i1
    %sub3A_442 = arith.constant 1 : i32
    %sub3A_443 = arith.subi %div3A_422, %sub3A_442 : i32
    %select_n3A_444 = arith.select %and3A_441, %sub3A_443, %div3A_422 : i32
    %iota3A_445 = tpu.iota {dimensions = array<i32: 0>} : vector<16xi32>
    %eq3A_446 = vector.broadcast %select_n3A_416 : i32 to vector<16xi32>
    %eq3A_447 = arith.cmpi eq, %iota3A_445, %eq3A_446 : vector<16xi32>
    %jit3A_448 = arith.constant 0 : i32
    %broadcast_in_dim3A_449 = vector.broadcast %jit3A_448 : i32 to vector<16xi32>
    %select_n3A_450 = arith.select %eq3A_447, %select_n3A_230, %broadcast_in_dim3A_449 : vector<16xi1>, vector<16xi32>
    %iota3A_451 = tpu.iota {dimensions = array<i32: 0>} : vector<16xi32>
    %eq3A_452 = vector.broadcast %select_n3A_444 : i32 to vector<16xi32>
    %eq3A_453 = arith.cmpi eq, %iota3A_451, %eq3A_452 : vector<16xi32>
    %jit3A_454 = arith.constant 0 : i32
    %broadcast_in_dim3A_455 = vector.broadcast %jit3A_454 : i32 to vector<16xi32>
    %select_n3A_456 = arith.select %eq3A_453, %select_n3A_236, %broadcast_in_dim3A_455 : vector<16xi1>, vector<16xi32>
    %reduce_sum3A_457 = arith.constant true
    %reduce_sum3A_458 = vector.broadcast %reduce_sum3A_457 : i1 to vector<16xi1>
    %reduce_sum3A_459 = tpu.scan <sum>, %select_n3A_450 masked %reduce_sum3A_458 : vector<16xi32>, vector<16xi1> -> vector<16xi32>
    %reduce_sum3A_460 = vector.extract %reduce_sum3A_459[15] : i32 from vector<16xi32>
    %jit3A_461 = arith.constant 16 : i32
    %div3A_462 = arith.divsi %reduce_sum3A_460, %jit3A_461 : i32
    %sign3A_463 = arith.constant 0 : i32
    %sign3A_464 = arith.cmpi sgt, %reduce_sum3A_460, %sign3A_463 : i32
    %sign3A_465 = arith.extui %sign3A_464 : i1 to i32
    %sign3A_466 = arith.constant 0 : i32
    %sign3A_467 = arith.cmpi slt, %reduce_sum3A_460, %sign3A_466 : i32
    %sign3A_468 = arith.extui %sign3A_467 : i1 to i32
    %sign3A_469 = arith.subi %sign3A_465, %sign3A_468 : i32
    %sign3A_470 = arith.constant 0 : i32
    %sign3A_471 = arith.cmpi sgt, %jit3A_461, %sign3A_470 : i32
    %sign3A_472 = arith.extui %sign3A_471 : i1 to i32
    %sign3A_473 = arith.constant 0 : i32
    %sign3A_474 = arith.cmpi slt, %jit3A_461, %sign3A_473 : i32
    %sign3A_475 = arith.extui %sign3A_474 : i1 to i32
    %sign3A_476 = arith.subi %sign3A_472, %sign3A_475 : i32
    %ne3A_477 = arith.cmpi ne, %sign3A_469, %sign3A_476 : i32
    %rem3A_478 = arith.remsi %reduce_sum3A_460, %jit3A_461 : i32
    %ne3A_479 = arith.constant 0 : i32
    %ne3A_480 = arith.cmpi ne, %rem3A_478, %ne3A_479 : i32
    %and3A_481 = arith.andi %ne3A_477, %ne3A_480 : i1
    %sub3A_482 = arith.constant 1 : i32
    %sub3A_483 = arith.subi %div3A_462, %sub3A_482 : i32
    %select_n3A_484 = arith.select %and3A_481, %sub3A_483, %div3A_462 : i32
    %reduce_sum3A_485 = arith.constant true
    %reduce_sum3A_486 = vector.broadcast %reduce_sum3A_485 : i1 to vector<16xi1>
    %reduce_sum3A_487 = tpu.scan <sum>, %select_n3A_456 masked %reduce_sum3A_486 : vector<16xi32>, vector<16xi1> -> vector<16xi32>
    %reduce_sum3A_488 = vector.extract %reduce_sum3A_487[15] : i32 from vector<16xi32>
    %add3A_489 = arith.constant 15 : i32
    %add3A_490 = arith.addi %reduce_sum3A_488, %add3A_489 : i32
    %jit3A_491 = arith.constant 16 : i32
    %div3A_492 = arith.divsi %add3A_490, %jit3A_491 : i32
    %sign3A_493 = arith.constant 0 : i32
    %sign3A_494 = arith.cmpi sgt, %add3A_490, %sign3A_493 : i32
    %sign3A_495 = arith.extui %sign3A_494 : i1 to i32
    %sign3A_496 = arith.constant 0 : i32
    %sign3A_497 = arith.cmpi slt, %add3A_490, %sign3A_496 : i32
    %sign3A_498 = arith.extui %sign3A_497 : i1 to i32
    %sign3A_499 = arith.subi %sign3A_495, %sign3A_498 : i32
    %sign3A_500 = arith.constant 0 : i32
    %sign3A_501 = arith.cmpi sgt, %jit3A_491, %sign3A_500 : i32
    %sign3A_502 = arith.extui %sign3A_501 : i1 to i32
    %sign3A_503 = arith.constant 0 : i32
    %sign3A_504 = arith.cmpi slt, %jit3A_491, %sign3A_503 : i32
    %sign3A_505 = arith.extui %sign3A_504 : i1 to i32
    %sign3A_506 = arith.subi %sign3A_502, %sign3A_505 : i32
    %ne3A_507 = arith.cmpi ne, %sign3A_499, %sign3A_506 : i32
    %rem3A_508 = arith.remsi %add3A_490, %jit3A_491 : i32
    %ne3A_509 = arith.constant 0 : i32
    %ne3A_510 = arith.cmpi ne, %rem3A_508, %ne3A_509 : i32
    %and3A_511 = arith.andi %ne3A_507, %ne3A_510 : i1
    %sub3A_512 = arith.constant 1 : i32
    %sub3A_513 = arith.subi %div3A_492, %sub3A_512 : i32
    %select_n3A_514 = arith.select %and3A_511, %sub3A_513, %div3A_492 : i32
    %while3A_515 = arith.subi %select_n3A_514, %select_n3A_484 : i32
    %while3A_516 = arith.addi %select_n3A_484, %while3A_515 : i32
    %while3A_517 = arith.constant 1 : i32
    %while3A_518 = arith.divsi %while3A_515, %while3A_517 : i32
    %while3A_519 = arith.muli %while3A_518, %while3A_517 : i32
    %while3A_520 = arith.addi %select_n3A_484, %while3A_519 : i32
    %while3A_521 = arith.constant 1 : i32
    %while3A_522 = scf.for %while3A_539 = %select_n3A_484 to %while3A_520 step %while3A_521 iter_args(%while3A_540 = %while3A_384) -> (i32)  : i32 {
      %mul3A_541 = arith.constant 16 : i32
      %mul3A_542 = arith.muli %while3A_539, %mul3A_541 : i32
      %get3A = arith.index_cast %mul3A_542 : i32 to index
      %get3A_543 = tpu.vector_load %arg6[%get3A] {strides = array<i32>} : memref<16400xi32, #tpu.memory_space<vmem>>, vector<16xi32>,
      %shift_right_arithmetic3A = arith.constant 14 : i32
      %shift_right_arithmetic3A_544 = vector.broadcast %shift_right_arithmetic3A : i32 to vector<16xi32>
      %shift_right_arithmetic3A_545 = arith.shrsi %get3A_543, %shift_right_arithmetic3A_544 : vector<16xi32>
      %le3A = vector.broadcast %sub3A_392 : i32 to vector<16xi32>
      %le3A_546 = arith.cmpi sle, %le3A, %shift_right_arithmetic3A_545 : vector<16xi32>
      %add3A_547 = arith.constant 64 : i32
      %add3A_548 = arith.addi %sub3A_392, %add3A_547 : i32
      %lt3A = vector.broadcast %add3A_548 : i32 to vector<16xi32>
      %lt3A_549 = arith.cmpi slt, %shift_right_arithmetic3A_545, %lt3A : vector<16xi32>
      %and3A_550 = arith.andi %le3A_546, %lt3A_549 : vector<16xi1>
      %swap3A_551 = arith.constant 0 : index
      %swap3A_552 = tpu.vector_load %arg8[%swap3A_551] masked %and3A_550 {strides = array<i32>} : memref<32xi32, #tpu.memory_space<vmem>>, vector<16xi32>, vector<16xi1>
      tpu.vector_store %arg8[%swap3A_551], %get3A_543 masked %and3A_550 {strides = array<i32>} : memref<32xi32, #tpu.memory_space<vmem>>, vector<16xi32>, vector<16xi1>
      %all_reduce_population_count3A = tpu.all_reduce %and3A_550 {dim = 0 : i64, kind = #tpu.reduction_kind<sum>} : vector<16xi1> -> vector<16xi32>
      %slice3A = vector.extract_strided_slice %all_reduce_population_count3A {offsets = [0], sizes = [1], strides = [1]} : vector<16xi32> to vector<1xi32>
      %squeeze3A = vector.extract %slice3A[0] : i32 from vector<1xi32>
      %while3A_553 = arith.constant 0 : i32
      %while3A_554 = arith.subi %squeeze3A, %while3A_553 : i32
      %while3A_555 = arith.addi %while3A_553, %while3A_554 : i32
      %while3A_556 = arith.constant 1 : i32
      %while3A_557 = arith.divsi %while3A_554, %while3A_556 : i32
      %while3A_558 = arith.muli %while3A_557, %while3A_556 : i32
      %while3A_559 = arith.addi %while3A_553, %while3A_558 : i32
      %while3A_560 = arith.constant 1 : i32
      %while3A_561 = scf.for %while3A_564 = %while3A_553 to %while3A_559 step %while3A_560 iter_args(%while3A_565 = %while3A_540) -> (i32)  : i32 {
        %get3A_566 = arith.index_cast %while3A_564 : i32 to index
        %get3A_567 = tpu.vector_load %arg8[%get3A_566] {strides = array<i32>} : memref<32xi32, #tpu.memory_space<vmem>>, vector<16xi32>,
        %slice3A_568 = vector.extract_strided_slice %get3A_567 {offsets = [0], sizes = [1], strides = [1]} : vector<16xi32> to vector<1xi32>
        %squeeze3A_569 = vector.extract %slice3A_568[0] : i32 from vector<1xi32>
        %shift_right_arithmetic3A_570 = arith.constant 14 : i32
        %shift_right_arithmetic3A_571 = arith.shrsi %squeeze3A_569, %shift_right_arithmetic3A_570 : i32
        %sub3A_572 = arith.subi %shift_right_arithmetic3A_571, %sub3A_392 : i32
        %and3A_573 = arith.constant 16383 : i32
        %and3A_574 = arith.andi %squeeze3A_569, %and3A_573 : i32
        %broadcast_in_dim3A_575 = vector.broadcast %sub3A_572 : i32 to vector<16xi32>
        %jit3A_576 = arith.constant 64 : i32
        %eq3A_577 = arith.constant 0 : i32
        %eq3A_578 = arith.cmpi eq, %jit3A_576, %eq3A_577 : i32
        %jit3A_579 = arith.constant 1 : i32
        %select_n3A_580 = arith.select %eq3A_578, %jit3A_579, %jit3A_576 : i32
        %rem3A_581 = arith.remsi %while3A_565, %select_n3A_580 : i32
        %ne3A_582 = arith.constant 0 : i32
        %ne3A_583 = arith.cmpi ne, %rem3A_581, %ne3A_582 : i32
        %lt3A_584 = arith.constant 0 : i32
        %lt3A_585 = arith.cmpi slt, %rem3A_581, %lt3A_584 : i32
        %lt3A_586 = arith.constant 0 : i32
        %lt3A_587 = arith.cmpi slt, %select_n3A_580, %lt3A_586 : i32
        %ne3A_588 = arith.xori %lt3A_585, %lt3A_587 : i1
        %and3A_589 = arith.andi %ne3A_588, %ne3A_583 : i1
        %add3A_590 = arith.addi %rem3A_581, %select_n3A_580 : i32
        %select_n3A_591 = arith.select %and3A_589, %add3A_590, %rem3A_581 : i32
        %mul3A_592 = arith.constant 64 : i32
        %mul3A_593 = arith.muli %select_n3A_591, %mul3A_592 : i32
        %ge3A = arith.constant 64 : i32
        %ge3A_594 = arith.cmpi sge, %while3A_565, %ge3A : i32
        %convert_element_type3A = arith.extui %ge3A_594 : i1 to i32
        %cond3A = arith.constant 0 : i32
        %cond3A_595 = arith.cmpi ne, %convert_element_type3A, %cond3A : i32
        scf.if %cond3A_595 {
          %dma_wait3A_635 = arith.constant 0 : i32
          %dma_wait3A_636 = tpu.memref_slice %arg12[%dma_wait3A_635] : memref<4096xf32, #tpu.memory_space<vmem>> -> memref<64xf32, #tpu.memory_space<vmem>>
          %dma_wait3A_637 = arith.constant 0 : i32
          %dma_wait3A_638 = tpu.memref_slice %arg5[%dma_wait3A_637] : memref<1048576xf32, #tpu.memory_space<hbm>> -> memref<64xf32, #tpu.memory_space<hbm>>
          %dma_wait3A_639 = arith.constant 0 : i32
          %dma_wait3A_640 = tpu.memref_slice %arg12[%dma_wait3A_639] : memref<4096xf32, #tpu.memory_space<vmem>> -> memref<64xf32, #tpu.memory_space<vmem>>
          %dma_wait3A_641 = arith.constant 0 : i32
          %dma_wait3A_642 = tpu.memref_slice %arg5[%dma_wait3A_641] : memref<1048576xf32, #tpu.memory_space<hbm>> -> memref<64xf32, #tpu.memory_space<hbm>>
          tpu.wait_dma2 semaphore(%arg13 : memref<!tpu.dma_semaphore, #tpu.memory_space<semaphore_mem>>) src(%dma_wait3A_642 : memref<64xf32, #tpu.memory_space<hbm>>) dst(%dma_wait3A_640 : memref<64xf32, #tpu.memory_space<vmem>>)
        } else {
        }
        %add3A_596 = arith.constant 0 : i32
        %add3A_597 = vector.broadcast %add3A_596 : i32 to vector<16xi32>
        %add3A_598 = arith.addi %iota3A, %add3A_597 : vector<16xi32>
        %gather3A = tpu.vector_load_idx %arg11[%add3A_598, %broadcast_in_dim3A_575] : memref<64x64xf32, #tpu.memory_space<vmem>>[vector<16xi32>, vector<16xi32>], vector<16xf32>,
        %add3A_599 = arith.constant 0 : i32
        %add3A_600 = arith.addi %mul3A_593, %add3A_599 : i32
        %swap3A_601 = arith.index_cast %add3A_600 : i32 to index
        %swap3A_602 = tpu.vector_load %arg12[%swap3A_601] {strides = array<i32>} : memref<4096xf32, #tpu.memory_space<vmem>>, vector<16xf32>,
        tpu.vector_store %arg12[%swap3A_601], %gather3A {strides = array<i32>} : memref<4096xf32, #tpu.memory_space<vmem>>, vector<16xf32>,
        %add3A_603 = arith.constant 16 : i32
        %add3A_604 = vector.broadcast %add3A_603 : i32 to vector<16xi32>
        %add3A_605 = arith.addi %iota3A, %add3A_604 : vector<16xi32>
        %gather3A_606 = tpu.vector_load_idx %arg11[%add3A_605, %broadcast_in_dim3A_575] : memref<64x64xf32, #tpu.memory_space<vmem>>[vector<16xi32>, vector<16xi32>], vector<16xf32>,
        %add3A_607 = arith.constant 16 : i32
        %add3A_608 = arith.addi %mul3A_593, %add3A_607 : i32
        %swap3A_609 = arith.index_cast %add3A_608 : i32 to index
        %swap3A_610 = tpu.vector_load %arg12[%swap3A_609] {strides = array<i32>} : memref<4096xf32, #tpu.memory_space<vmem>>, vector<16xf32>,
        tpu.vector_store %arg12[%swap3A_609], %gather3A_606 {strides = array<i32>} : memref<4096xf32, #tpu.memory_space<vmem>>, vector<16xf32>,
        %add3A_611 = arith.constant 32 : i32
        %add3A_612 = vector.broadcast %add3A_611 : i32 to vector<16xi32>
        %add3A_613 = arith.addi %iota3A, %add3A_612 : vector<16xi32>
        %gather3A_614 = tpu.vector_load_idx %arg11[%add3A_613, %broadcast_in_dim3A_575] : memref<64x64xf32, #tpu.memory_space<vmem>>[vector<16xi32>, vector<16xi32>], vector<16xf32>,
        %add3A_615 = arith.constant 32 : i32
        %add3A_616 = arith.addi %mul3A_593, %add3A_615 : i32
        %swap3A_617 = arith.index_cast %add3A_616 : i32 to index
        %swap3A_618 = tpu.vector_load %arg12[%swap3A_617] {strides = array<i32>} : memref<4096xf32, #tpu.memory_space<vmem>>, vector<16xf32>,
        tpu.vector_store %arg12[%swap3A_617], %gather3A_614 {strides = array<i32>} : memref<4096xf32, #tpu.memory_space<vmem>>, vector<16xf32>,
        %add3A_619 = arith.constant 48 : i32
        %add3A_620 = vector.broadcast %add3A_619 : i32 to vector<16xi32>
        %add3A_621 = arith.addi %iota3A, %add3A_620 : vector<16xi32>
        %gather3A_622 = tpu.vector_load_idx %arg11[%add3A_621, %broadcast_in_dim3A_575] : memref<64x64xf32, #tpu.memory_space<vmem>>[vector<16xi32>, vector<16xi32>], vector<16xf32>,
        %add3A_623 = arith.constant 48 : i32
        %add3A_624 = arith.addi %mul3A_593, %add3A_623 : i32
        %swap3A_625 = arith.index_cast %add3A_624 : i32 to index
        %swap3A_626 = tpu.vector_load %arg12[%swap3A_625] {strides = array<i32>} : memref<4096xf32, #tpu.memory_space<vmem>>, vector<16xf32>,
        tpu.vector_store %arg12[%swap3A_625], %gather3A_622 {strides = array<i32>} : memref<4096xf32, #tpu.memory_space<vmem>>, vector<16xf32>,
        %mul3A_627 = arith.constant 64 : i32
        %mul3A_628 = arith.muli %and3A_574, %mul3A_627 : i32
        %dma_start3A_629 = tpu.memref_slice %arg12[%mul3A_593] : memref<4096xf32, #tpu.memory_space<vmem>> -> memref<64xf32, #tpu.memory_space<vmem>>
        %dma_start3A_630 = tpu.memref_slice %arg5[%mul3A_628] : memref<1048576xf32, #tpu.memory_space<hbm>> -> memref<64xf32, #tpu.memory_space<hbm>>
        %dma_start3A_631 = tpu.memref_slice %arg5[%mul3A_628] : memref<1048576xf32, #tpu.memory_space<hbm>> -> memref<64xf32, #tpu.memory_space<hbm>>
        %dma_start3A_632 = tpu.memref_slice %arg12[%mul3A_593] : memref<4096xf32, #tpu.memory_space<vmem>> -> memref<64xf32, #tpu.memory_space<vmem>>
        tpu.enqueue_dma source(%dma_start3A_632 : memref<64xf32, #tpu.memory_space<vmem>>) target(%dma_start3A_631 : memref<64xf32, #tpu.memory_space<hbm>>) target_semaphore(%arg13 : memref<!tpu.dma_semaphore, #tpu.memory_space<semaphore_mem>>)
        %add3A_633 = arith.constant 1 : i32
        %add3A_634 = arith.addi %while3A_565, %add3A_633 : i32
        scf.yield %add3A_634 : i32
      }
      %while3A_562 = arith.constant 1 : i32
      %while3A_563 = scf.for %while3A_564 = %while3A_559 to %while3A_555 step %while3A_562 iter_args(%while3A_565 = %while3A_561) -> (i32)  : i32 {
        %get3A_566 = arith.index_cast %while3A_564 : i32 to index
        %get3A_567 = tpu.vector_load %arg8[%get3A_566] {strides = array<i32>} : memref<32xi32, #tpu.memory_space<vmem>>, vector<16xi32>,
        %slice3A_568 = vector.extract_strided_slice %get3A_567 {offsets = [0], sizes = [1], strides = [1]} : vector<16xi32> to vector<1xi32>
        %squeeze3A_569 = vector.extract %slice3A_568[0] : i32 from vector<1xi32>
        %shift_right_arithmetic3A_570 = arith.constant 14 : i32
        %shift_right_arithmetic3A_571 = arith.shrsi %squeeze3A_569, %shift_right_arithmetic3A_570 : i32
        %sub3A_572 = arith.subi %shift_right_arithmetic3A_571, %sub3A_392 : i32
        %and3A_573 = arith.constant 16383 : i32
        %and3A_574 = arith.andi %squeeze3A_569, %and3A_573 : i32
        %broadcast_in_dim3A_575 = vector.broadcast %sub3A_572 : i32 to vector<16xi32>
        %jit3A_576 = arith.constant 64 : i32
        %eq3A_577 = arith.constant 0 : i32
        %eq3A_578 = arith.cmpi eq, %jit3A_576, %eq3A_577 : i32
        %jit3A_579 = arith.constant 1 : i32
        %select_n3A_580 = arith.select %eq3A_578, %jit3A_579, %jit3A_576 : i32
        %rem3A_581 = arith.remsi %while3A_565, %select_n3A_580 : i32
        %ne3A_582 = arith.constant 0 : i32
        %ne3A_583 = arith.cmpi ne, %rem3A_581, %ne3A_582 : i32
        %lt3A_584 = arith.constant 0 : i32
        %lt3A_585 = arith.cmpi slt, %rem3A_581, %lt3A_584 : i32
        %lt3A_586 = arith.constant 0 : i32
        %lt3A_587 = arith.cmpi slt, %select_n3A_580, %lt3A_586 : i32
        %ne3A_588 = arith.xori %lt3A_585, %lt3A_587 : i1
        %and3A_589 = arith.andi %ne3A_588, %ne3A_583 : i1
        %add3A_590 = arith.addi %rem3A_581, %select_n3A_580 : i32
        %select_n3A_591 = arith.select %and3A_589, %add3A_590, %rem3A_581 : i32
        %mul3A_592 = arith.constant 64 : i32
        %mul3A_593 = arith.muli %select_n3A_591, %mul3A_592 : i32
        %ge3A = arith.constant 64 : i32
        %ge3A_594 = arith.cmpi sge, %while3A_565, %ge3A : i32
        %convert_element_type3A = arith.extui %ge3A_594 : i1 to i32
        %cond3A = arith.constant 0 : i32
        %cond3A_595 = arith.cmpi ne, %convert_element_type3A, %cond3A : i32
        scf.if %cond3A_595 {
          %dma_wait3A_635 = arith.constant 0 : i32
          %dma_wait3A_636 = tpu.memref_slice %arg12[%dma_wait3A_635] : memref<4096xf32, #tpu.memory_space<vmem>> -> memref<64xf32, #tpu.memory_space<vmem>>
          %dma_wait3A_637 = arith.constant 0 : i32
          %dma_wait3A_638 = tpu.memref_slice %arg5[%dma_wait3A_637] : memref<1048576xf32, #tpu.memory_space<hbm>> -> memref<64xf32, #tpu.memory_space<hbm>>
          %dma_wait3A_639 = arith.constant 0 : i32
          %dma_wait3A_640 = tpu.memref_slice %arg12[%dma_wait3A_639] : memref<4096xf32, #tpu.memory_space<vmem>> -> memref<64xf32, #tpu.memory_space<vmem>>
          %dma_wait3A_641 = arith.constant 0 : i32
          %dma_wait3A_642 = tpu.memref_slice %arg5[%dma_wait3A_641] : memref<1048576xf32, #tpu.memory_space<hbm>> -> memref<64xf32, #tpu.memory_space<hbm>>
          tpu.wait_dma2 semaphore(%arg13 : memref<!tpu.dma_semaphore, #tpu.memory_space<semaphore_mem>>) src(%dma_wait3A_642 : memref<64xf32, #tpu.memory_space<hbm>>) dst(%dma_wait3A_640 : memref<64xf32, #tpu.memory_space<vmem>>)
        } else {
        }
        %add3A_596 = arith.constant 0 : i32
        %add3A_597 = vector.broadcast %add3A_596 : i32 to vector<16xi32>
        %add3A_598 = arith.addi %iota3A, %add3A_597 : vector<16xi32>
        %gather3A = tpu.vector_load_idx %arg11[%add3A_598, %broadcast_in_dim3A_575] : memref<64x64xf32, #tpu.memory_space<vmem>>[vector<16xi32>, vector<16xi32>], vector<16xf32>,
        %add3A_599 = arith.constant 0 : i32
        %add3A_600 = arith.addi %mul3A_593, %add3A_599 : i32
        %swap3A_601 = arith.index_cast %add3A_600 : i32 to index
        %swap3A_602 = tpu.vector_load %arg12[%swap3A_601] {strides = array<i32>} : memref<4096xf32, #tpu.memory_space<vmem>>, vector<16xf32>,
        tpu.vector_store %arg12[%swap3A_601], %gather3A {strides = array<i32>} : memref<4096xf32, #tpu.memory_space<vmem>>, vector<16xf32>,
        %add3A_603 = arith.constant 16 : i32
        %add3A_604 = vector.broadcast %add3A_603 : i32 to vector<16xi32>
        %add3A_605 = arith.addi %iota3A, %add3A_604 : vector<16xi32>
        %gather3A_606 = tpu.vector_load_idx %arg11[%add3A_605, %broadcast_in_dim3A_575] : memref<64x64xf32, #tpu.memory_space<vmem>>[vector<16xi32>, vector<16xi32>], vector<16xf32>,
        %add3A_607 = arith.constant 16 : i32
        %add3A_608 = arith.addi %mul3A_593, %add3A_607 : i32
        %swap3A_609 = arith.index_cast %add3A_608 : i32 to index
        %swap3A_610 = tpu.vector_load %arg12[%swap3A_609] {strides = array<i32>} : memref<4096xf32, #tpu.memory_space<vmem>>, vector<16xf32>,
        tpu.vector_store %arg12[%swap3A_609], %gather3A_606 {strides = array<i32>} : memref<4096xf32, #tpu.memory_space<vmem>>, vector<16xf32>,
        %add3A_611 = arith.constant 32 : i32
        %add3A_612 = vector.broadcast %add3A_611 : i32 to vector<16xi32>
        %add3A_613 = arith.addi %iota3A, %add3A_612 : vector<16xi32>
        %gather3A_614 = tpu.vector_load_idx %arg11[%add3A_613, %broadcast_in_dim3A_575] : memref<64x64xf32, #tpu.memory_space<vmem>>[vector<16xi32>, vector<16xi32>], vector<16xf32>,
        %add3A_615 = arith.constant 32 : i32
        %add3A_616 = arith.addi %mul3A_593, %add3A_615 : i32
        %swap3A_617 = arith.index_cast %add3A_616 : i32 to index
        %swap3A_618 = tpu.vector_load %arg12[%swap3A_617] {strides = array<i32>} : memref<4096xf32, #tpu.memory_space<vmem>>, vector<16xf32>,
        tpu.vector_store %arg12[%swap3A_617], %gather3A_614 {strides = array<i32>} : memref<4096xf32, #tpu.memory_space<vmem>>, vector<16xf32>,
        %add3A_619 = arith.constant 48 : i32
        %add3A_620 = vector.broadcast %add3A_619 : i32 to vector<16xi32>
        %add3A_621 = arith.addi %iota3A, %add3A_620 : vector<16xi32>
        %gather3A_622 = tpu.vector_load_idx %arg11[%add3A_621, %broadcast_in_dim3A_575] : memref<64x64xf32, #tpu.memory_space<vmem>>[vector<16xi32>, vector<16xi32>], vector<16xf32>,
        %add3A_623 = arith.constant 48 : i32
        %add3A_624 = arith.addi %mul3A_593, %add3A_623 : i32
        %swap3A_625 = arith.index_cast %add3A_624 : i32 to index
        %swap3A_626 = tpu.vector_load %arg12[%swap3A_625] {strides = array<i32>} : memref<4096xf32, #tpu.memory_space<vmem>>, vector<16xf32>,
        tpu.vector_store %arg12[%swap3A_625], %gather3A_622 {strides = array<i32>} : memref<4096xf32, #tpu.memory_space<vmem>>, vector<16xf32>,
        %mul3A_627 = arith.constant 64 : i32
        %mul3A_628 = arith.muli %and3A_574, %mul3A_627 : i32
        %dma_start3A_629 = tpu.memref_slice %arg12[%mul3A_593] : memref<4096xf32, #tpu.memory_space<vmem>> -> memref<64xf32, #tpu.memory_space<vmem>>
        %dma_start3A_630 = tpu.memref_slice %arg5[%mul3A_628] : memref<1048576xf32, #tpu.memory_space<hbm>> -> memref<64xf32, #tpu.memory_space<hbm>>
        %dma_start3A_631 = tpu.memref_slice %arg5[%mul3A_628] : memref<1048576xf32, #tpu.memory_space<hbm>> -> memref<64xf32, #tpu.memory_space<hbm>>
        %dma_start3A_632 = tpu.memref_slice %arg12[%mul3A_593] : memref<4096xf32, #tpu.memory_space<vmem>> -> memref<64xf32, #tpu.memory_space<vmem>>
        tpu.enqueue_dma source(%dma_start3A_632 : memref<64xf32, #tpu.memory_space<vmem>>) target(%dma_start3A_631 : memref<64xf32, #tpu.memory_space<hbm>>) target_semaphore(%arg13 : memref<!tpu.dma_semaphore, #tpu.memory_space<semaphore_mem>>)
        %add3A_633 = arith.constant 1 : i32
        %add3A_634 = arith.addi %while3A_565, %add3A_633 : i32
        scf.yield %add3A_634 : i32
      }
      scf.yield %while3A_563 : i32
    }
    %while3A_523 = arith.constant 1 : i32
    %while3A_524 = scf.for %while3A_539 = %while3A_520 to %while3A_516 step %while3A_523 iter_args(%while3A_540 = %while3A_522) -> (i32)  : i32 {
      %mul3A_541 = arith.constant 16 : i32
      %mul3A_542 = arith.muli %while3A_539, %mul3A_541 : i32
      %get3A = arith.index_cast %mul3A_542 : i32 to index
      %get3A_543 = tpu.vector_load %arg6[%get3A] {strides = array<i32>} : memref<16400xi32, #tpu.memory_space<vmem>>, vector<16xi32>,
      %shift_right_arithmetic3A = arith.constant 14 : i32
      %shift_right_arithmetic3A_544 = vector.broadcast %shift_right_arithmetic3A : i32 to vector<16xi32>
      %shift_right_arithmetic3A_545 = arith.shrsi %get3A_543, %shift_right_arithmetic3A_544 : vector<16xi32>
      %le3A = vector.broadcast %sub3A_392 : i32 to vector<16xi32>
      %le3A_546 = arith.cmpi sle, %le3A, %shift_right_arithmetic3A_545 : vector<16xi32>
      %add3A_547 = arith.constant 64 : i32
      %add3A_548 = arith.addi %sub3A_392, %add3A_547 : i32
      %lt3A = vector.broadcast %add3A_548 : i32 to vector<16xi32>
      %lt3A_549 = arith.cmpi slt, %shift_right_arithmetic3A_545, %lt3A : vector<16xi32>
      %and3A_550 = arith.andi %le3A_546, %lt3A_549 : vector<16xi1>
      %swap3A_551 = arith.constant 0 : index
      %swap3A_552 = tpu.vector_load %arg8[%swap3A_551] masked %and3A_550 {strides = array<i32>} : memref<32xi32, #tpu.memory_space<vmem>>, vector<16xi32>, vector<16xi1>
      tpu.vector_store %arg8[%swap3A_551], %get3A_543 masked %and3A_550 {strides = array<i32>} : memref<32xi32, #tpu.memory_space<vmem>>, vector<16xi32>, vector<16xi1>
      %all_reduce_population_count3A = tpu.all_reduce %and3A_550 {dim = 0 : i64, kind = #tpu.reduction_kind<sum>} : vector<16xi1> -> vector<16xi32>
      %slice3A = vector.extract_strided_slice %all_reduce_population_count3A {offsets = [0], sizes = [1], strides = [1]} : vector<16xi32> to vector<1xi32>
      %squeeze3A = vector.extract %slice3A[0] : i32 from vector<1xi32>
      %while3A_553 = arith.constant 0 : i32
      %while3A_554 = arith.subi %squeeze3A, %while3A_553 : i32
      %while3A_555 = arith.addi %while3A_553, %while3A_554 : i32
      %while3A_556 = arith.constant 1 : i32
      %while3A_557 = arith.divsi %while3A_554, %while3A_556 : i32
      %while3A_558 = arith.muli %while3A_557, %while3A_556 : i32
      %while3A_559 = arith.addi %while3A_553, %while3A_558 : i32
      %while3A_560 = arith.constant 1 : i32
      %while3A_561 = scf.for %while3A_564 = %while3A_553 to %while3A_559 step %while3A_560 iter_args(%while3A_565 = %while3A_540) -> (i32)  : i32 {
        %get3A_566 = arith.index_cast %while3A_564 : i32 to index
        %get3A_567 = tpu.vector_load %arg8[%get3A_566] {strides = array<i32>} : memref<32xi32, #tpu.memory_space<vmem>>, vector<16xi32>,
        %slice3A_568 = vector.extract_strided_slice %get3A_567 {offsets = [0], sizes = [1], strides = [1]} : vector<16xi32> to vector<1xi32>
        %squeeze3A_569 = vector.extract %slice3A_568[0] : i32 from vector<1xi32>
        %shift_right_arithmetic3A_570 = arith.constant 14 : i32
        %shift_right_arithmetic3A_571 = arith.shrsi %squeeze3A_569, %shift_right_arithmetic3A_570 : i32
        %sub3A_572 = arith.subi %shift_right_arithmetic3A_571, %sub3A_392 : i32
        %and3A_573 = arith.constant 16383 : i32
        %and3A_574 = arith.andi %squeeze3A_569, %and3A_573 : i32
        %broadcast_in_dim3A_575 = vector.broadcast %sub3A_572 : i32 to vector<16xi32>
        %jit3A_576 = arith.constant 64 : i32
        %eq3A_577 = arith.constant 0 : i32
        %eq3A_578 = arith.cmpi eq, %jit3A_576, %eq3A_577 : i32
        %jit3A_579 = arith.constant 1 : i32
        %select_n3A_580 = arith.select %eq3A_578, %jit3A_579, %jit3A_576 : i32
        %rem3A_581 = arith.remsi %while3A_565, %select_n3A_580 : i32
        %ne3A_582 = arith.constant 0 : i32
        %ne3A_583 = arith.cmpi ne, %rem3A_581, %ne3A_582 : i32
        %lt3A_584 = arith.constant 0 : i32
        %lt3A_585 = arith.cmpi slt, %rem3A_581, %lt3A_584 : i32
        %lt3A_586 = arith.constant 0 : i32
        %lt3A_587 = arith.cmpi slt, %select_n3A_580, %lt3A_586 : i32
        %ne3A_588 = arith.xori %lt3A_585, %lt3A_587 : i1
        %and3A_589 = arith.andi %ne3A_588, %ne3A_583 : i1
        %add3A_590 = arith.addi %rem3A_581, %select_n3A_580 : i32
        %select_n3A_591 = arith.select %and3A_589, %add3A_590, %rem3A_581 : i32
        %mul3A_592 = arith.constant 64 : i32
        %mul3A_593 = arith.muli %select_n3A_591, %mul3A_592 : i32
        %ge3A = arith.constant 64 : i32
        %ge3A_594 = arith.cmpi sge, %while3A_565, %ge3A : i32
        %convert_element_type3A = arith.extui %ge3A_594 : i1 to i32
        %cond3A = arith.constant 0 : i32
        %cond3A_595 = arith.cmpi ne, %convert_element_type3A, %cond3A : i32
        scf.if %cond3A_595 {
          %dma_wait3A_635 = arith.constant 0 : i32
          %dma_wait3A_636 = tpu.memref_slice %arg12[%dma_wait3A_635] : memref<4096xf32, #tpu.memory_space<vmem>> -> memref<64xf32, #tpu.memory_space<vmem>>
          %dma_wait3A_637 = arith.constant 0 : i32
          %dma_wait3A_638 = tpu.memref_slice %arg5[%dma_wait3A_637] : memref<1048576xf32, #tpu.memory_space<hbm>> -> memref<64xf32, #tpu.memory_space<hbm>>
          %dma_wait3A_639 = arith.constant 0 : i32
          %dma_wait3A_640 = tpu.memref_slice %arg12[%dma_wait3A_639] : memref<4096xf32, #tpu.memory_space<vmem>> -> memref<64xf32, #tpu.memory_space<vmem>>
          %dma_wait3A_641 = arith.constant 0 : i32
          %dma_wait3A_642 = tpu.memref_slice %arg5[%dma_wait3A_641] : memref<1048576xf32, #tpu.memory_space<hbm>> -> memref<64xf32, #tpu.memory_space<hbm>>
          tpu.wait_dma2 semaphore(%arg13 : memref<!tpu.dma_semaphore, #tpu.memory_space<semaphore_mem>>) src(%dma_wait3A_642 : memref<64xf32, #tpu.memory_space<hbm>>) dst(%dma_wait3A_640 : memref<64xf32, #tpu.memory_space<vmem>>)
        } else {
        }
        %add3A_596 = arith.constant 0 : i32
        %add3A_597 = vector.broadcast %add3A_596 : i32 to vector<16xi32>
        %add3A_598 = arith.addi %iota3A, %add3A_597 : vector<16xi32>
        %gather3A = tpu.vector_load_idx %arg11[%add3A_598, %broadcast_in_dim3A_575] : memref<64x64xf32, #tpu.memory_space<vmem>>[vector<16xi32>, vector<16xi32>], vector<16xf32>,
        %add3A_599 = arith.constant 0 : i32
        %add3A_600 = arith.addi %mul3A_593, %add3A_599 : i32
        %swap3A_601 = arith.index_cast %add3A_600 : i32 to index
        %swap3A_602 = tpu.vector_load %arg12[%swap3A_601] {strides = array<i32>} : memref<4096xf32, #tpu.memory_space<vmem>>, vector<16xf32>,
        tpu.vector_store %arg12[%swap3A_601], %gather3A {strides = array<i32>} : memref<4096xf32, #tpu.memory_space<vmem>>, vector<16xf32>,
        %add3A_603 = arith.constant 16 : i32
        %add3A_604 = vector.broadcast %add3A_603 : i32 to vector<16xi32>
        %add3A_605 = arith.addi %iota3A, %add3A_604 : vector<16xi32>
        %gather3A_606 = tpu.vector_load_idx %arg11[%add3A_605, %broadcast_in_dim3A_575] : memref<64x64xf32, #tpu.memory_space<vmem>>[vector<16xi32>, vector<16xi32>], vector<16xf32>,
        %add3A_607 = arith.constant 16 : i32
        %add3A_608 = arith.addi %mul3A_593, %add3A_607 : i32
        %swap3A_609 = arith.index_cast %add3A_608 : i32 to index
        %swap3A_610 = tpu.vector_load %arg12[%swap3A_609] {strides = array<i32>} : memref<4096xf32, #tpu.memory_space<vmem>>, vector<16xf32>,
        tpu.vector_store %arg12[%swap3A_609], %gather3A_606 {strides = array<i32>} : memref<4096xf32, #tpu.memory_space<vmem>>, vector<16xf32>,
        %add3A_611 = arith.constant 32 : i32
        %add3A_612 = vector.broadcast %add3A_611 : i32 to vector<16xi32>
        %add3A_613 = arith.addi %iota3A, %add3A_612 : vector<16xi32>
        %gather3A_614 = tpu.vector_load_idx %arg11[%add3A_613, %broadcast_in_dim3A_575] : memref<64x64xf32, #tpu.memory_space<vmem>>[vector<16xi32>, vector<16xi32>], vector<16xf32>,
        %add3A_615 = arith.constant 32 : i32
        %add3A_616 = arith.addi %mul3A_593, %add3A_615 : i32
        %swap3A_617 = arith.index_cast %add3A_616 : i32 to index
        %swap3A_618 = tpu.vector_load %arg12[%swap3A_617] {strides = array<i32>} : memref<4096xf32, #tpu.memory_space<vmem>>, vector<16xf32>,
        tpu.vector_store %arg12[%swap3A_617], %gather3A_614 {strides = array<i32>} : memref<4096xf32, #tpu.memory_space<vmem>>, vector<16xf32>,
        %add3A_619 = arith.constant 48 : i32
        %add3A_620 = vector.broadcast %add3A_619 : i32 to vector<16xi32>
        %add3A_621 = arith.addi %iota3A, %add3A_620 : vector<16xi32>
        %gather3A_622 = tpu.vector_load_idx %arg11[%add3A_621, %broadcast_in_dim3A_575] : memref<64x64xf32, #tpu.memory_space<vmem>>[vector<16xi32>, vector<16xi32>], vector<16xf32>,
        %add3A_623 = arith.constant 48 : i32
        %add3A_624 = arith.addi %mul3A_593, %add3A_623 : i32
        %swap3A_625 = arith.index_cast %add3A_624 : i32 to index
        %swap3A_626 = tpu.vector_load %arg12[%swap3A_625] {strides = array<i32>} : memref<4096xf32, #tpu.memory_space<vmem>>, vector<16xf32>,
        tpu.vector_store %arg12[%swap3A_625], %gather3A_622 {strides = array<i32>} : memref<4096xf32, #tpu.memory_space<vmem>>, vector<16xf32>,
        %mul3A_627 = arith.constant 64 : i32
        %mul3A_628 = arith.muli %and3A_574, %mul3A_627 : i32
        %dma_start3A_629 = tpu.memref_slice %arg12[%mul3A_593] : memref<4096xf32, #tpu.memory_space<vmem>> -> memref<64xf32, #tpu.memory_space<vmem>>
        %dma_start3A_630 = tpu.memref_slice %arg5[%mul3A_628] : memref<1048576xf32, #tpu.memory_space<hbm>> -> memref<64xf32, #tpu.memory_space<hbm>>
        %dma_start3A_631 = tpu.memref_slice %arg5[%mul3A_628] : memref<1048576xf32, #tpu.memory_space<hbm>> -> memref<64xf32, #tpu.memory_space<hbm>>
        %dma_start3A_632 = tpu.memref_slice %arg12[%mul3A_593] : memref<4096xf32, #tpu.memory_space<vmem>> -> memref<64xf32, #tpu.memory_space<vmem>>
        tpu.enqueue_dma source(%dma_start3A_632 : memref<64xf32, #tpu.memory_space<vmem>>) target(%dma_start3A_631 : memref<64xf32, #tpu.memory_space<hbm>>) target_semaphore(%arg13 : memref<!tpu.dma_semaphore, #tpu.memory_space<semaphore_mem>>)
        %add3A_633 = arith.constant 1 : i32
        %add3A_634 = arith.addi %while3A_565, %add3A_633 : i32
        scf.yield %add3A_634 : i32
      }
      %while3A_562 = arith.constant 1 : i32
      %while3A_563 = scf.for %while3A_564 = %while3A_559 to %while3A_555 step %while3A_562 iter_args(%while3A_565 = %while3A_561) -> (i32)  : i32 {
        %get3A_566 = arith.index_cast %while3A_564 : i32 to index
        %get3A_567 = tpu.vector_load %arg8[%get3A_566] {strides = array<i32>} : memref<32xi32, #tpu.memory_space<vmem>>, vector<16xi32>,
        %slice3A_568 = vector.extract_strided_slice %get3A_567 {offsets = [0], sizes = [1], strides = [1]} : vector<16xi32> to vector<1xi32>
        %squeeze3A_569 = vector.extract %slice3A_568[0] : i32 from vector<1xi32>
        %shift_right_arithmetic3A_570 = arith.constant 14 : i32
        %shift_right_arithmetic3A_571 = arith.shrsi %squeeze3A_569, %shift_right_arithmetic3A_570 : i32
        %sub3A_572 = arith.subi %shift_right_arithmetic3A_571, %sub3A_392 : i32
        %and3A_573 = arith.constant 16383 : i32
        %and3A_574 = arith.andi %squeeze3A_569, %and3A_573 : i32
        %broadcast_in_dim3A_575 = vector.broadcast %sub3A_572 : i32 to vector<16xi32>
        %jit3A_576 = arith.constant 64 : i32
        %eq3A_577 = arith.constant 0 : i32
        %eq3A_578 = arith.cmpi eq, %jit3A_576, %eq3A_577 : i32
        %jit3A_579 = arith.constant 1 : i32
        %select_n3A_580 = arith.select %eq3A_578, %jit3A_579, %jit3A_576 : i32
        %rem3A_581 = arith.remsi %while3A_565, %select_n3A_580 : i32
        %ne3A_582 = arith.constant 0 : i32
        %ne3A_583 = arith.cmpi ne, %rem3A_581, %ne3A_582 : i32
        %lt3A_584 = arith.constant 0 : i32
        %lt3A_585 = arith.cmpi slt, %rem3A_581, %lt3A_584 : i32
        %lt3A_586 = arith.constant 0 : i32
        %lt3A_587 = arith.cmpi slt, %select_n3A_580, %lt3A_586 : i32
        %ne3A_588 = arith.xori %lt3A_585, %lt3A_587 : i1
        %and3A_589 = arith.andi %ne3A_588, %ne3A_583 : i1
        %add3A_590 = arith.addi %rem3A_581, %select_n3A_580 : i32
        %select_n3A_591 = arith.select %and3A_589, %add3A_590, %rem3A_581 : i32
        %mul3A_592 = arith.constant 64 : i32
        %mul3A_593 = arith.muli %select_n3A_591, %mul3A_592 : i32
        %ge3A = arith.constant 64 : i32
        %ge3A_594 = arith.cmpi sge, %while3A_565, %ge3A : i32
        %convert_element_type3A = arith.extui %ge3A_594 : i1 to i32
        %cond3A = arith.constant 0 : i32
        %cond3A_595 = arith.cmpi ne, %convert_element_type3A, %cond3A : i32
        scf.if %cond3A_595 {
          %dma_wait3A_635 = arith.constant 0 : i32
          %dma_wait3A_636 = tpu.memref_slice %arg12[%dma_wait3A_635] : memref<4096xf32, #tpu.memory_space<vmem>> -> memref<64xf32, #tpu.memory_space<vmem>>
          %dma_wait3A_637 = arith.constant 0 : i32
          %dma_wait3A_638 = tpu.memref_slice %arg5[%dma_wait3A_637] : memref<1048576xf32, #tpu.memory_space<hbm>> -> memref<64xf32, #tpu.memory_space<hbm>>
          %dma_wait3A_639 = arith.constant 0 : i32
          %dma_wait3A_640 = tpu.memref_slice %arg12[%dma_wait3A_639] : memref<4096xf32, #tpu.memory_space<vmem>> -> memref<64xf32, #tpu.memory_space<vmem>>
          %dma_wait3A_641 = arith.constant 0 : i32
          %dma_wait3A_642 = tpu.memref_slice %arg5[%dma_wait3A_641] : memref<1048576xf32, #tpu.memory_space<hbm>> -> memref<64xf32, #tpu.memory_space<hbm>>
          tpu.wait_dma2 semaphore(%arg13 : memref<!tpu.dma_semaphore, #tpu.memory_space<semaphore_mem>>) src(%dma_wait3A_642 : memref<64xf32, #tpu.memory_space<hbm>>) dst(%dma_wait3A_640 : memref<64xf32, #tpu.memory_space<vmem>>)
        } else {
        }
        %add3A_596 = arith.constant 0 : i32
        %add3A_597 = vector.broadcast %add3A_596 : i32 to vector<16xi32>
        %add3A_598 = arith.addi %iota3A, %add3A_597 : vector<16xi32>
        %gather3A = tpu.vector_load_idx %arg11[%add3A_598, %broadcast_in_dim3A_575] : memref<64x64xf32, #tpu.memory_space<vmem>>[vector<16xi32>, vector<16xi32>], vector<16xf32>,
        %add3A_599 = arith.constant 0 : i32
        %add3A_600 = arith.addi %mul3A_593, %add3A_599 : i32
        %swap3A_601 = arith.index_cast %add3A_600 : i32 to index
        %swap3A_602 = tpu.vector_load %arg12[%swap3A_601] {strides = array<i32>} : memref<4096xf32, #tpu.memory_space<vmem>>, vector<16xf32>,
        tpu.vector_store %arg12[%swap3A_601], %gather3A {strides = array<i32>} : memref<4096xf32, #tpu.memory_space<vmem>>, vector<16xf32>,
        %add3A_603 = arith.constant 16 : i32
        %add3A_604 = vector.broadcast %add3A_603 : i32 to vector<16xi32>
        %add3A_605 = arith.addi %iota3A, %add3A_604 : vector<16xi32>
        %gather3A_606 = tpu.vector_load_idx %arg11[%add3A_605, %broadcast_in_dim3A_575] : memref<64x64xf32, #tpu.memory_space<vmem>>[vector<16xi32>, vector<16xi32>], vector<16xf32>,
        %add3A_607 = arith.constant 16 : i32
        %add3A_608 = arith.addi %mul3A_593, %add3A_607 : i32
        %swap3A_609 = arith.index_cast %add3A_608 : i32 to index
        %swap3A_610 = tpu.vector_load %arg12[%swap3A_609] {strides = array<i32>} : memref<4096xf32, #tpu.memory_space<vmem>>, vector<16xf32>,
        tpu.vector_store %arg12[%swap3A_609], %gather3A_606 {strides = array<i32>} : memref<4096xf32, #tpu.memory_space<vmem>>, vector<16xf32>,
        %add3A_611 = arith.constant 32 : i32
        %add3A_612 = vector.broadcast %add3A_611 : i32 to vector<16xi32>
        %add3A_613 = arith.addi %iota3A, %add3A_612 : vector<16xi32>
        %gather3A_614 = tpu.vector_load_idx %arg11[%add3A_613, %broadcast_in_dim3A_575] : memref<64x64xf32, #tpu.memory_space<vmem>>[vector<16xi32>, vector<16xi32>], vector<16xf32>,
        %add3A_615 = arith.constant 32 : i32
        %add3A_616 = arith.addi %mul3A_593, %add3A_615 : i32
        %swap3A_617 = arith.index_cast %add3A_616 : i32 to index
        %swap3A_618 = tpu.vector_load %arg12[%swap3A_617] {strides = array<i32>} : memref<4096xf32, #tpu.memory_space<vmem>>, vector<16xf32>,
        tpu.vector_store %arg12[%swap3A_617], %gather3A_614 {strides = array<i32>} : memref<4096xf32, #tpu.memory_space<vmem>>, vector<16xf32>,
        %add3A_619 = arith.constant 48 : i32
        %add3A_620 = vector.broadcast %add3A_619 : i32 to vector<16xi32>
        %add3A_621 = arith.addi %iota3A, %add3A_620 : vector<16xi32>
        %gather3A_622 = tpu.vector_load_idx %arg11[%add3A_621, %broadcast_in_dim3A_575] : memref<64x64xf32, #tpu.memory_space<vmem>>[vector<16xi32>, vector<16xi32>], vector<16xf32>,
        %add3A_623 = arith.constant 48 : i32
        %add3A_624 = arith.addi %mul3A_593, %add3A_623 : i32
        %swap3A_625 = arith.index_cast %add3A_624 : i32 to index
        %swap3A_626 = tpu.vector_load %arg12[%swap3A_625] {strides = array<i32>} : memref<4096xf32, #tpu.memory_space<vmem>>, vector<16xf32>,
        tpu.vector_store %arg12[%swap3A_625], %gather3A_622 {strides = array<i32>} : memref<4096xf32, #tpu.memory_space<vmem>>, vector<16xf32>,
        %mul3A_627 = arith.constant 64 : i32
        %mul3A_628 = arith.muli %and3A_574, %mul3A_627 : i32
        %dma_start3A_629 = tpu.memref_slice %arg12[%mul3A_593] : memref<4096xf32, #tpu.memory_space<vmem>> -> memref<64xf32, #tpu.memory_space<vmem>>
        %dma_start3A_630 = tpu.memref_slice %arg5[%mul3A_628] : memref<1048576xf32, #tpu.memory_space<hbm>> -> memref<64xf32, #tpu.memory_space<hbm>>
        %dma_start3A_631 = tpu.memref_slice %arg5[%mul3A_628] : memref<1048576xf32, #tpu.memory_space<hbm>> -> memref<64xf32, #tpu.memory_space<hbm>>
        %dma_start3A_632 = tpu.memref_slice %arg12[%mul3A_593] : memref<4096xf32, #tpu.memory_space<vmem>> -> memref<64xf32, #tpu.memory_space<vmem>>
        tpu.enqueue_dma source(%dma_start3A_632 : memref<64xf32, #tpu.memory_space<vmem>>) target(%dma_start3A_631 : memref<64xf32, #tpu.memory_space<hbm>>) target_semaphore(%arg13 : memref<!tpu.dma_semaphore, #tpu.memory_space<semaphore_mem>>)
        %add3A_633 = arith.constant 1 : i32
        %add3A_634 = arith.addi %while3A_565, %add3A_633 : i32
        scf.yield %add3A_634 : i32
      }
      scf.yield %while3A_563 : i32
    }
    %min3A_525 = arith.constant 64 : i32
    %min3A_526 = arith.minsi %while3A_524, %min3A_525 : i32
    %while3A_527 = arith.constant 0 : i32
    %while3A_528 = arith.constant 0 : i32
    %while3A_529 = arith.subi %min3A_526, %while3A_527 : i32
    %while3A_530 = arith.addi %while3A_527, %while3A_529 : i32
    %while3A_531 = arith.constant 1 : i32
    %while3A_532 = arith.divsi %while3A_529, %while3A_531 : i32
    %while3A_533 = arith.muli %while3A_532, %while3A_531 : i32
    %while3A_534 = arith.addi %while3A_527, %while3A_533 : i32
    %while3A_535 = arith.constant 1 : i32
    %while3A_536 = scf.for %while3A_539 = %while3A_527 to %while3A_534 step %while3A_535 iter_args(%while3A_540 = %while3A_528) -> (i32)  : i32 {
      %dma_wait3A_541 = arith.constant 0 : i32
      %dma_wait3A_542 = tpu.memref_slice %arg12[%dma_wait3A_541] : memref<4096xf32, #tpu.memory_space<vmem>> -> memref<64xf32, #tpu.memory_space<vmem>>
      %dma_wait3A_543 = arith.constant 0 : i32
      %dma_wait3A_544 = tpu.memref_slice %arg5[%dma_wait3A_543] : memref<1048576xf32, #tpu.memory_space<hbm>> -> memref<64xf32, #tpu.memory_space<hbm>>
      %dma_wait3A_545 = arith.constant 0 : i32
      %dma_wait3A_546 = tpu.memref_slice %arg12[%dma_wait3A_545] : memref<4096xf32, #tpu.memory_space<vmem>> -> memref<64xf32, #tpu.memory_space<vmem>>
      %dma_wait3A_547 = arith.constant 0 : i32
      %dma_wait3A_548 = tpu.memref_slice %arg5[%dma_wait3A_547] : memref<1048576xf32, #tpu.memory_space<hbm>> -> memref<64xf32, #tpu.memory_space<hbm>>
      tpu.wait_dma2 semaphore(%arg13 : memref<!tpu.dma_semaphore, #tpu.memory_space<semaphore_mem>>) src(%dma_wait3A_548 : memref<64xf32, #tpu.memory_space<hbm>>) dst(%dma_wait3A_546 : memref<64xf32, #tpu.memory_space<vmem>>)
      %while3A_549 = arith.constant 0 : i32
      scf.yield %while3A_549 : i32
    }
    %while3A_537 = arith.constant 1 : i32
    %while3A_538 = scf.for %while3A_539 = %while3A_534 to %while3A_530 step %while3A_537 iter_args(%while3A_540 = %while3A_536) -> (i32)  : i32 {
      %dma_wait3A_541 = arith.constant 0 : i32
      %dma_wait3A_542 = tpu.memref_slice %arg12[%dma_wait3A_541] : memref<4096xf32, #tpu.memory_space<vmem>> -> memref<64xf32, #tpu.memory_space<vmem>>
      %dma_wait3A_543 = arith.constant 0 : i32
      %dma_wait3A_544 = tpu.memref_slice %arg5[%dma_wait3A_543] : memref<1048576xf32, #tpu.memory_space<hbm>> -> memref<64xf32, #tpu.memory_space<hbm>>
      %dma_wait3A_545 = arith.constant 0 : i32
      %dma_wait3A_546 = tpu.memref_slice %arg12[%dma_wait3A_545] : memref<4096xf32, #tpu.memory_space<vmem>> -> memref<64xf32, #tpu.memory_space<vmem>>
      %dma_wait3A_547 = arith.constant 0 : i32
      %dma_wait3A_548 = tpu.memref_slice %arg5[%dma_wait3A_547] : memref<1048576xf32, #tpu.memory_space<hbm>> -> memref<64xf32, #tpu.memory_space<hbm>>
      tpu.wait_dma2 semaphore(%arg13 : memref<!tpu.dma_semaphore, #tpu.memory_space<semaphore_mem>>) src(%dma_wait3A_548 : memref<64xf32, #tpu.memory_space<hbm>>) dst(%dma_wait3A_546 : memref<64xf32, #tpu.memory_space<vmem>>)
      %while3A_549 = arith.constant 0 : i32
      scf.yield %while3A_549 : i32
    }
    return
  }
}

</mosaic_0001>

<sc_bundles>
// kernel: kernel.3.cloned.1.call-start
scs
__scs_entry_jumppad:
0x0: {  	(pc) =	sbr.rel $0x88, $3  }
0x1: {  	(tag) =	ssettag $0x0;
	lr =	simm.s32 $0x1  }
0x2: {  	[smem:$0x3F9F] =	sst lr;
	_ =	strace $0xD0000000  }
0x3: {  	_ = 	snop  }
0x4: {  	_ = 	snop  }
0x5: {  	_ = 	snop  }
0x6: {  	_ = 	snop  }
0x7: {  	_ = 	snop  }
__scs_overlays_trampoline_lowered:
0x8: {  	[smem:$0x3FAE] =	sst s0  }
0x9: {  	[smem:$0x3FAF] =	sst s1  }
0xa: {  	[smem:$0x3FB0] =	sst s2  }
0xb: {  	[smem:$0x3FB1] =	sst s3  }
0xc: {  	[smem:$0x3FB2] =	sst s4  }
0xd: {  	[smem:$0x3FB3] =	sst s5  }
0xe: {  	[smem:$0x3FB4] =	sst s6  }
0xf: {  	[smem:$0x3FB5] =	sst s7  }
0x10: {  	[smem:$0x3FB6] =	sst s8  }
0x11: {  	[smem:$0x3FB7] =	sst s9;
	s0 =	simm.s32 @!p0 $0x0  }
0x12: {  	s1 =	sld [smem:$0x3F9D];
	s0 =	simm.s32 @p0 $0x1  }
0x13: {  	[smem:$0x3FB8] =	sst s0;
	s0 =	simm.s32 @!p1 $0x0  }
0x14: {  	s2 =	sld [smem:$0x3F9C];
	s0 =	simm.s32 @p1 $0x1  }
0x15: {  	[smem:$0x3FB9] =	sst s0;
	s0 =	simm.s32 @!p2 $0x0  }
0x16: {  	s3 =	sld [smem:$0x3FDB];
	s0 =	simm.s32 @p2 $0x1  }
0x17: {  	s4 =	simm.s32 $0x1BF5;
	[smem:$0x3FBB] =	sst s0  }
0x18: {  	s0 =	sld [smem:$0x3F9E];
	_ =	swait.ge [sflag:s4], $0x0  }
0x19: {  	s7 =	sld [smem:$0x3F9F]  }
0x1a: {  	s8 =	sadd.s32 $0xFFFFE003, lr  }
0x1b: {  	s9 =	sadd.s32 $0xFFFFFEF7, lr;
	s5 =	simm.s32 $0xFFFFFFFF;
	p2 =	slt.u32 s8, $0xFFFFF086  }
0x1c: {  	p1 =	slt.u32 s9, $0xF7A;
	s5 =	simm.s32 @!p2 $0x0  }
0x1d: {  	s5 =	simm.s32 @p1 $0x1;
	p0 =	seq.s32 s7, s2  }
0x1e: {  	s7 =	smul.u32 @!p0 $0xF7A, s2;
	p2 =	seq.s32 @!p0 s5, $0x0  }
0x1f: {  	s9 =	smul.u32 $0xF7A, s1;
	s8 =	simm.s32 @!p0 $0x1BF5;
	p2 =	por !p2, p0  }
0x20: {  	[sflag:s8] =	ssyncset.s32 @!p0 $0xFFFFF086;
	s6 =	sadd.s32 @!p0 s3, s7;
	s7 =	simm.s32 @!p0 $0x108  }
0x21: {  	s3 =	sadd.s32 s3, s9;
	s6 =	sadd.s32 @!p0 $0x88, s6;
	s7 =	simm.s32 @p2 $0x1082  }
0x22: {  	[simem:s7], [sflag:s8] =	dma.local @!p0 [hbm:s6], $0xF7A  }
0x23: {  	s9 =	sor.u32 $0xD0000000, s2;
	s6 =	simm.s32 $0x108;
	_ =	swait.ge @!p0 [sflag:s8], $0x0  }
0x24: {  	s3 =	sadd.s32 $0x88, s3;
	s6 =	simm.s32 @!p1 $0x1082;
	[sflag:s4] =	ssyncset.s32 $0xFFFFF086  }
0x25: {  	[simem:s6], [sflag:s4] =	dma.local [hbm:s3], $0xF7A  }
0x26: {  	[smem:$0x3F9F] =	sst s1;
	(tag) =	ssettag s2;
	_ =	strace s9  }
0x27: {  	s1 =	sld [smem:$0x3FAF]  }
0x28: {  	s2 =	sld [smem:$0x3FB0]  }
0x29: {  	s4 =	sld [smem:$0x3FB2]  }
0x2a: {  	p0 =	seq.s32 s5, $0x0;
	s5 =	sld [smem:$0x3FB3]  }
0x2b: {  	s6 =	sld [smem:$0x3FB4]  }
0x2c: {  	s7 =	sld [smem:$0x3FB5]  }
0x2d: {  	s3 =	simm.s32 $0x108;
	s8 =	sld [smem:$0x3FB6]  }
0x2e: {  	s3 =	simm.s32 @!p0 $0x1082;
	s9 =	sld [smem:$0x3FB7]  }
0x2f: {  	lr =	sadd.s32 s0, s3;
	s0 =	sld [smem:$0x3FAE]  }
0x30: {  	s3 =	sld [smem:$0x3FB1]  }
0x31: {  	[smem:$0x3FBA] =	sst s10  }
0x32: {  	s10 =	sld [smem:$0x3FB8];
	_ =	sdelay $0x3  }
0x33: {  	p0 =	seq.s32 s10, $0x1;
	s10 =	sld [smem:$0x3FBA];
	_ =	sdelay $0x3  }
0x34: {  	[smem:$0x3FBA] =	sst s10  }
0x35: {  	s10 =	sld [smem:$0x3FB9];
	_ =	sdelay $0x3  }
0x36: {  	p1 =	seq.s32 s10, $0x1;
	s10 =	sld [smem:$0x3FBA];
	_ =	sdelay $0x3  }
0x37: {  	[smem:$0x3FBA] =	sst s10  }
0x38: {  	s10 =	sld [smem:$0x3FBB]  }
0x39: {  	_ = 	snop;
	(pc) =	sbr.ind lr, $3  }
0x3a: {  	_ = 	snop  }
0x3b: {  	_ = 	snop  }
0x3c: {  	p2 =	seq.s32 s10, $0x1;
	s10 =	sld [smem:$0x3FBA]  }
0x3d: {  	_ =	shalt  }
0x3e: {  	_ =	shalt  }
0x3f: {  	_ =	shalt  }
0x40: {  	_ =	shalt  }
0x41: {  	_ =	shalt  }
0x42: {  	_ =	shalt  }
0x43: {  	_ =	shalt  }
0x44: {  	_ =	shalt  }
0x45: {  	_ =	shalt  }
0x46: {  	_ =	shalt  }
0x47: {  	_ =	shalt  }
0x48: {  	_ =	shalt  }
0x49: {  	_ =	shalt  }
0x4a: {  	_ =	shalt  }
0x4b: {  	_ =	shalt  }
0x4c: {  	_ =	shalt  }
0x4d: {  	_ =	shalt  }
0x4e: {  	_ =	shalt  }
0x4f: {  	_ =	shalt  }
0x50: {  	_ =	shalt  }
0x51: {  	_ =	shalt  }
0x52: {  	_ =	shalt  }
0x53: {  	_ =	shalt  }
0x54: {  	_ =	shalt  }
0x55: {  	_ =	shalt  }
0x56: {  	_ =	shalt  }
0x57: {  	_ =	shalt  }
0x58: {  	_ =	shalt  }
0x59: {  	_ =	shalt  }
0x5a: {  	_ =	shalt  }
0x5b: {  	_ =	shalt  }
0x5c: {  	_ =	shalt  }
0x5d: {  	_ =	shalt  }
0x5e: {  	_ =	shalt  }
0x5f: {  	_ =	shalt  }
0x60: {  	_ =	shalt  }
0x61: {  	_ =	shalt  }
0x62: {  	_ =	shalt  }
0x63: {  	_ =	shalt  }
0x64: {  	_ =	shalt  }
0x65: {  	_ =	shalt  }
0x66: {  	_ =	shalt  }
0x67: {  	_ =	shalt  }
0x68: {  	_ =	shalt  }
0x69: {  	_ =	shalt  }
0x6a: {  	_ =	shalt  }
0x6b: {  	_ =	shalt  }
0x6c: {  	_ =	shalt  }
0x6d: {  	_ =	shalt  }
0x6e: {  	_ =	shalt  }
0x6f: {  	_ =	shalt  }
0x70: {  	_ =	shalt  }
0x71: {  	_ =	shalt  }
0x72: {  	_ =	shalt  }
0x73: {  	_ =	shalt  }
0x74: {  	_ =	shalt  }
0x75: {  	_ =	shalt  }
0x76: {  	_ =	shalt  }
0x77: {  	_ =	shalt  }
0x78: {  	_ =	shalt  }
0x79: {  	_ =	shalt  }
0x7a: {  	_ =	shalt  }
0x7b: {  	_ =	shalt  }
0x7c: {  	_ =	shalt  }
0x7d: {  	_ =	shalt  }
0x7e: {  	_ =	shalt  }
0x7f: {  	_ =	shalt  }
0x80: {  	_ =	shalt  }
0x81: {  	_ =	shalt  }
0x82: {  	_ =	shalt  }
0x83: {  	_ =	shalt  }
0x84: {  	_ =	shalt  }
0x85: {  	_ =	shalt  }
0x86: {  	_ =	shalt  }
0x87: {  	_ =	shalt  }
.Lfunc_end0:
.L_simem_size_0:
called_computation_lowered:
.L_overlay_start_0:
0x88: {  	s2 =	sld [smem:$0x3FD9]  }
0x89: {  	s3 =	sld [smem:$0x3FFE];
	_ =	sdelay $0x1  }
0x8a: {  	s1 =	srdreg.scid  }
0x8b: {  	s0 =	sand.u32 $0x1, s1  }
0x8c: {  	s17 =	sshll.u32 s0, $0xA;
	s2 =	sadd.s32 s3, s2  }
0x8d: {  	s2 =	sadd.s32 s2, s17  }
0x8e: {  	[smem:$0x3FC6] =	sst s2  }
0x8f: {  	_ = 	snop  }
0x90: {  	s2 =	sld [smem:$0x3FC9]  }
0x91: {  	s18 =	sld [smem:$0x3FC8]  }
0x92: {  	s4 =	sld [smem:$0x3FD0];
	(tm) =	ssettm $0x1  }
0x93: {  	s5 =	sld [smem:$0x3FFB];
	_ =	sdelay $0x3  }
0x94: {  	_ =	strace s5  }
0x95: {  	s5 =	sld [smem:$0x3FFC];
	_ =	sdelay $0x3  }
0x96: {  	_ =	strace s5  }
0x97: {  	s5 =	sld [smem:$0x3FFD];
	_ =	sdelay $0x3  }
0x98: {  	_ =	strace s5  }
0x99: {  	_ =	strace $0x8FFFFFFF  }
0x9a: {  	s19 =	sld [smem:$0x3FDB];
	_ =	sdelay $0x1  }
0x9b: {  	s6 =	simm.s32 $_scs_section_size  }
0x9c: {  	s7 =	simm.s32 $_size__tile_overlayer_lowered;
	s8 =	simm.s32 $_tile_overlayer_lowered  }
0x9d: {  	s22 =	simm.s32 $0x1BFF;
	s21 =	sshll.u32 s8, $0x1;
	s5 =	sadd.s32 s6, s19  }
0x9e: {  	s9 =	simm.s32 $0x0;
	s20 =	sshll.u32 s7, $0x1;
	s7 =	sadd.s32 s21, s5  }
0x9f: {  	[timem:s9], [sflag:s22] =	dma.local [hbm:s7], s20  }
0xa0: {  	_ =	swait.ge [sflag:s22], s20  }
0xa1: {  	s6 =	ssub.s32 $0x0, s20;
	[sflag:s22] =	ssyncset.done $0x0  }
0xa2: {  	[sflag:s22] =	ssyncadd.s32 s6;
	_ =	sdelay $0x1  }
0xa3: {  	s23 =	simm.s32 $0x1B8B  }
0xa4: {  	_ =	swait.ge [sflag:s23], $0x1  }
0xa5: {  	[sflag:s23] =	ssyncset.done $0x0  }
0xa6: {  	s25 =	simm.s32 $0x1B8E;
	s24 =	sld [smem:$0x3FFE];
	[sflag:s23] =	ssyncadd.s32 $0xFFFFFFFF  }
0xa7: {  	s26 =	simm.s32 $execute0_lowered;
	[smem:$0x3FD2] =	sst s25  }
0xa8: {  	s7 =	sshll.u32 s26, $0x1;
	_ =	strace $0x80000046;
	[dreg:$0x1] =	wrdreg $0xFFFFFFFF  }
0xa9: {  	s28 =	simm.s32 $_size_execute0_lowered;
	s5 =	sadd.s32 s5, s7;
	[dreg:$0x0] =	wrdreg $0x0  }
0xaa: {  	s7 =	sshll.u32 s28, $0x1;
	[dreg:$0x2] =	wrdreg s5  }
0xab: {  	[dreg:$0x3] =	wrdreg s7  }
0xac: {  	[dreg:$0x4] =	wrdreg $0xC0  }
0xad: {  	_ =	task [dreg:s9], $0x5FFFF  }
0xae: {  	[dreg:$0x1] =	wrdreg $0xFFFFFFFF  }
0xaf: {  	[dreg:$0x0] =	wrdreg $0x60  }
0xb0: {  	[dreg:$0x2] =	wrdreg s18  }
0xb1: {  	[dreg:$0x3] =	wrdreg s24  }
0xb2: {  	[dreg:$0x4] =	wrdreg s2  }
0xb3: {  	[dreg:$0x5] =	wrdreg s4  }
0xb4: {  	[dreg:$0x6] =	wrdreg $0x9  }
0xb5: {  	_ =	task.clear_ibuf [dreg:s9], $0x7FFFF;
	_ =	strace $0x90000046  }
0xb6: {  	s29 =	simm.s32 $0x9;
	_ =	strace $0x80000048  }
0xb7: {  	_ =	swait.ge [sflag:s29], $0x1  }
0xb8: {  	[sflag:s29] =	ssyncadd.s32 $0xFFFFFFFF  }
0xb9: {  	_ =	strace $0x90000048  }
0xba: {  	_ =	sfence  }
0xbb: {  	s30 =	sld [smem:$0x0];
	_ =	sdelay $0x2  }
0xbc: {  	s31 =	sshll.u32 s1, $0xD;
	s1 =	sshrl.u32 s1, $0x2  }
0xbd: {  	s3 =	sand.u32 $0x4000, s31;
	s1 =	sadd.s32 s1, s30  }
0xbe: {  	s0 =	sor.u32 s3, s0;
	s1 =	sshll.u32 s1, $0x11  }
0xbf: {  	s0 =	sor.u32 s1, s0  }
0xc0: {  	s0 =	sadd.s32 $0x8F2B, s0  }
0xc1: {  	[sflag:s0] =	ssyncadd.remote.s32 $0x1  }
0xc2: {  	_ =	sfence.sel $0xFFFF  }
0xc3: {  	[dreg:$0x0] =	wrdreg $0xFFFFFFFF;
	(pc) =	sbr.abs _section_cstart, $3  }
0xc4: {  	[dreg:$0x1] =	wrdreg $0xFFFFFFFF  }
0xc5: {  	_ =	task.clear_ibuf [dreg:s9], $0x2FFFF;
	_ =	strace $0x9FFFFFFF  }
0xc6: {  	(tm) =	ssettm $0x7FFFFFFF  }
0xc7: {  	_ =	shalt  }
tec
execute0_lowered:
.L_overlay_start_1:
0x0: {  	(tag) =	ssettag $0x1  }
0x1: {  	vm0 =	vcmask $0x300  }
0x2: {  	v3 =	vimm.s32 $0x1780;
	vm1 =	vcmask $0x704;
	vm2 =	vcmask $0xB08  }
0x3: {  	vm8 =	vcmask $0xF0C;
	vm3 =	vcmask $0x1310;
	vm4 =	vcmask $0x1714  }
0x4: {  	vm7 =	vcmask $0x1B18;
	vm6 =	vcmask $0x1F1C;
	vm5 =	vcmask $0x2320  }
0x5: {  	v12 =	vimm.s32 $0x3F80;
	v13 =	vimm.s32 $0x6780;
	v14 =	vimm.s32 $0x8F80  }
0x6: {  	vm9 =	vcmask $0x2B28;
	v4 =	vsel vm0, $0x0, v3;
	v12 =	vsel vm0, $0x2800, v12  }
0x7: {  	s0 =	srdreg.scid;
	s1 =	stileid.u32;
	v13 =	vsel vm0, $0x5000, v13;
	v14 =	vsel vm0, $0x7800, v14;
	v5 =	vsel vm1, $0x80, v4  }
0x8: {  	s0 =	sand.u32 $0x1, s0;
	s1 =	sshll.u32 s1, $0x1;
	v12 =	vsel vm1, $0x2880, v12;
	v13 =	vsel vm1, $0x5080, v13;
	v14 =	vsel vm1, $0x7880, v14  }
0x9: {  	s1 =	sor.u32 s0, s1;
	v6 =	vsel vm2, $0x100, v5;
	v12 =	vsel vm2, $0x2900, v12;
	v13 =	vsel vm2, $0x5100, v13  }
0xa: {  	s1 =	smul.u32 $0x7A80, s1;
	v14 =	vsel vm2, $0x7900, v14;
	v7 =	vsel vm8, $0x180, v6;
	v12 =	vsel vm8, $0x2980, v12  }
0xb: {  	v13 =	vsel vm8, $0x5180, v13;
	v14 =	vsel vm8, $0x7980, v14;
	vm8 =	vcmask $0x2724  }
0xc: {  	s28 =	rddreg [dreg:$0x1];
	s15 =	simm.s32 $0x1;
	v0 =	vmov s1;
	v8 =	vsel vm3, $0x200, v7;
	v12 =	vsel vm3, $0x2A00, v12  }
0xd: {  	s2 =	smin.u32 s1, $0xEC780;
	s23 =	sadd.s32 $0x7A80, s1;
	s26 =	ssub.s32 $0xF4240, s1;
	v13 =	vsel vm3, $0x5200, v13;
	v14 =	vsel vm3, $0x7A00, v14;
	vm3 =	vcmask $0x720  }
0xe: {  	s18 =	simm.s32 $0x1400;
	s0 =	ssub.s32 $0x2, s0;
	s3 =	sadd.s32 $0x7800, s2;
	v1 =	vmov s23;
	v9 =	vsel vm4, $0x280, v8;
	v8 =	vmov s26  }
0xf: {  	s19 =	simm.s32 $0x7A1400;
	s29 =	sshrl.u32 s0, $0x1;
	v12 =	vsel vm4, $0x2A80, v12;
	v13 =	vsel vm4, $0x5280, v13;
	v14 =	vsel vm4, $0x7A80, v14;
	s2 =	ssub.s32 s3, s1  }
0x10: {  	s10 =	sadd.s32 $0x280, s1;
	vm4 =	vcmask $0xB20;
	v10 =	vsel vm7, $0x300, v9;
	v9 =	vlaneseq.u32;
	s4 =	smulhi.u32 $0x66666667, s2;
	s5 =	sshra.s32 s2, $0x1F  }
0x11: {  	s0 =	ssub.s32 s0, s29;
	s13 =	sadd.s32 $0x500, s1;
	v12 =	vsel vm7, $0x2B00, v12;
	v13 =	vsel vm7, $0x5300, v13;
	v14 =	vsel vm7, $0x7B00, v14;
	s6 =	smul.u32 $0x66666667, s5  }
0x12: {  	s14 =	sadd.s32 $0x780, s1;
	s0 =	smax.u32 s0, $0x1;
	s23 =	simm.s32 $0x8100;
	vm7 =	vcmask $0x2F2C;
	v4 =	vmov s2;
	v11 =	vsel vm6, $0x380, v10  }
0x13: {  	p0 =	sne.s32 s3, s1;
	s24 =	sadd.s32 $0x280, s2;
	v10 =	vimm.s32 $0xFFFFFFFF;
	v12 =	vsel vm6, $0x2B80, v12;
	v13 =	vsel vm6, $0x5380, v13;
	s4 =	sadd.s32 s6, s4  }
0x14: {  	s21 =	sadd.s32 $0x27F, s2;
	v14 =	vsel vm6, $0x7B80, v14;
	vm6 =	vcmask $0x1320;
	v5 =	vmov s24;
	s6 =	sshrl.u32 s4, $0x1F;
	s4 =	sshra.s32 s4, $0xB  }
0x15: {  	s3 =	simm.s32 $0x1;
	s8 =	smulhi.u32 $0x66666667, s21;
	v11 =	vsel vm5, $0x1400, v11;
	v12 =	vsel vm5, $0x3C00, v12;
	v13 =	vsel vm5, $0x6400, v13;
	s4 =	sadd.s32 s6, s4  }
0x16: {  	s3 =	simm.s32 @!p0 $0x0;
	v14 =	vsel vm5, $0x8C00, v14;
	vm5 =	vcmask $0xF20;
	v11 =	vsel vm8, $0x1480, v11;
	s6 =	sshra.s32 s21, $0x1F;
	s20 =	smul.u32 $0xFFFFEC00, s4  }
0x17: {  	s7 =	ssub.s32 $0x0, s2;
	s3 =	sor.u32 s3, s5;
	v12 =	vsel vm8, $0x3C80, v12;
	v13 =	vsel vm8, $0x6480, v13;
	v14 =	vsel vm8, $0x8C80, v14;
	s22 =	smul.u32 $0x66666667, s6  }
0x18: {  	s5 =	sadd.s32 $0x400, s28;
	s24 =	simm.s32 $0x1C180;
	p6 =	sne.s32 s3, $0x1;
	vm8 =	vcmask $0x3330;
	v11 =	vsel vm9, $0x1500, v11;
	v12 =	vsel vm9, $0x3D00, v12  }
0x19: {  	v13 =	vsel vm9, $0x6500, v13;
	v14 =	vsel vm9, $0x8D00, v14;
	vm9 =	vcmask $0x3734;
	p1 =	sne.s32 s20, s7;
	s7 =	simm.s32 $0x1;
	s3 =	sadd.s32 s22, s8  }
0x1a: {  	v11 =	vsel vm7, $0x1580, v11;
	v12 =	vsel vm7, $0x3D80, v12;
	v13 =	vsel vm7, $0x6580, v13;
	p0 =	por !p1, !p6;
	s8 =	sshrl.u32 s3, $0x1F;
	s3 =	sshra.s32 s3, $0xB  }
0x1b: {  	v14 =	vsel vm7, $0x8D80, v14;
	vm7 =	vcmask $0x1720;
	v11 =	vsel vm8, $0x1600, v11;
	p0 =	por !p0, !p0;
	s3 =	sadd.s32 s8, s3;
	s8 =	simm.s32 $0x0  }
0x1c: {  	v12 =	vsel vm8, $0x3E00, v12;
	v13 =	vsel vm8, $0x6600, v13;
	v14 =	vsel vm8, $0x8E00, v14;
	s21 =	simm.s32 $0x12180;
	s7 =	simm.s32 @!p0 $0x0;
	[smem:$0x7FF] =	sst s8  }
0x1d: {  	vm8 =	vcmask $0x3B38;
	v11 =	vsel vm9, $0x1680, v11;
	v12 =	vsel vm9, $0x3E80, v12;
	s20 =	simm.s32 $0x8180;
	s4 =	ssub.s32 s4, s7;
	s7 =	rddreg [dreg:$0x3]  }
.Ltmp0:
0x1e: {  	v15 =	vsel vm9, $0x6680, v13;
	v16 =	vsel vm9, $0x8E80, v14;
	s3 =	sadd.s32 s6, s3;
	v2 =	vmov s4;
	s4 =	rddreg [dreg:$0x0];
	(pc) =	sbr.rel .LBB2_1-.Ltmp0, $4  }
0x1f: {  	v13 =	vmul.u32 $0x80, v9;
	v11 =	vsel vm8, $0x1700, v11;
	v3 =	vmov s3;
	s3 =	ssub.s32 $0xF4200, s1;
	_ =	strace $0x80000047;
	[dreg:$0x5] =	wrdreg s5  }
0x20: {  	v12 =	vsel vm8, $0x3F00, v12;
	v14 =	vsel vm8, $0x6700, v15;
	v15 =	vsel vm8, $0x8F00, v16;
	s25 =	smulhi.u32 $0xCCCCD, s3;
	[dreg:$0x8] =	wrdreg s0;
	s30 =	sadd.s32 s4, s1  }
0x21: {  	vm8 =	vcmask $0x1B20;
	s22 =	simm.s32 $0x2;
	v16 =	vor.u32 $0x800, v13;
	v17 =	vor.u32 $0x1000, v13;
	s31 =	sadd.s32 s4, s10;
	[dreg:$0x6] =	wrdreg s30  }
0x22: {  	v18 =	vor.u32 $0x1800, v13;
	v7 =	vmov s3;
	s5 =	simm.s32 $0x0;
	v6 =	vmov s25;
	[dreg:$0x7] =	wrdreg s31;
	s25 =	simm.s32 $0x3  }
.LBB2_80:
0x23: {  	[sflag:s15] =	ssyncadd.s32 $0xFFFFFFC0  }
.LBB2_81:
0x24: {  	s5 =	sadd.s32 $0x1, s5;
	s0 =	rddreg [dreg:$0x8]  }
0x25: {  	p0 =	sne.s32 s5, s0  }
.Ltmp1:
0x26: {  	_ = 	snop;
	(pc) =	sbr.rel @!p0 .LBB2_82-.Ltmp1, $1  }
0x27: {  	_ =	sdelay $0x3  }
.LBB2_1:
0x28: {  	[dreg:$0x9] =	wrdreg s5  }
0x29: {  	s0 =	rddreg [dreg:$0x2]  }
0x2a: {  	[tilespmem:s8], [sflag:$0x3] =	stream.linear.gather [hbm4b:s0+s8], $0x4000, $0x38;
	[tilespmem:$0x1F180] =	vst v63  }
0x2b: {  	_ =	swait.ge [sflag:s25], $0x4000  }
0x2c: {  	[sflag:s25] =	ssyncset.done $0x0  }
0x2d: {  	s30 =	rddreg [dreg:$0x6];
	[sflag:s25] =	ssyncadd.s32 $0xFFFFC000  }
0x2e: {  	[tilespmem:s20], [sflag:$0x2] =	stream.strided.gather [hbm4b:s30+s18], $0xA000, s19, s18, $0x38;
	[tilespmem:$0x1F180] =	vst v63  }
0x2f: {  	s31 =	rddreg [dreg:$0x7]  }
0x30: {  	[tilespmem:s21], [sflag:$0x2] =	stream.strided.gather [hbm4b:s31+s18], $0xA000, s19, s18, $0x38;
	[tilespmem:$0x1F180] =	vst v63  }
0x31: {  	v19 =	vld [tilespmem:s8+$0x0];
	_ =	sdelay $0x4  }
0x32: {  	vm9 =	vge.s32 v19, v0;
	vm10 =	vlt.s32 v19, v1  }
0x33: {  	vm9 =	vmand vm9, vm10  }
0x34: {  	v20 =	vmpcnt.ones.xlane vm9;
	_ =	sdelay $0x1  }
0x35: {  	(v2sf) =	vpush v20, $0x0  }
0x36: {  	v19 =	vsub.s32 v19, v0  }
0x37: {  	v19 =	vshll.u32 v19, $0xE  }
0x38: {  	v19 =	vadd.s32 s8, v19  }
0x39: {  	v19 =	vadd.s32 v9, v19  }
0x3a: {  	s0 =	simm.s32 $0x10;
	[tilespmem:s8+$0x4080] =	vst.msk vm9, v19  }
0x3b: {  	v19 =	vld [tilespmem:s0+$0x0];
	_ =	sdelay $0x4  }
0x3c: {  	vm9 =	vge.s32 v19, v0;
	vm10 =	vlt.s32 v19, v1  }
0x3d: {  	v19 =	vsub.s32 v19, v0;
	vm9 =	vmand vm9, vm10  }
0x3e: {  	v19 =	vshll.u32 v19, $0xE;
	v20 =	vmpcnt.ones.xlane vm9  }
0x3f: {  	v19 =	vadd.s32 s0, v19  }
0x40: {  	s5 =	simm.s32 $0x20;
	s6 =	simm.s32 $0x0;
	v19 =	vadd.s32 v9, v19;
	(v2sf) =	vpush v20, $0x0;
	s9 =	spop (v2sf)  }
.LBB2_2:
0x41: {  	p0 =	sne.s32 s5, $0x3FF0  }
0x42: {  	s6 =	sadd.s32 s6, s9;
	s9 =	smov.u32 s5;
	s5 =	sadd.s32 $0x10, s5  }
0x43: {  	[tilespmem:s6+$0x4080] =	vst.msk vm9, v19  }
0x44: {  	s0 =	sadd.s32 $0x10, s0  }
0x45: {  	v19 =	vld [tilespmem:s0+$0x0];
	_ =	sdelay $0x4  }
0x46: {  	vm9 =	vge.s32 v19, v0;
	vm10 =	vlt.s32 v19, v1;
	v19 =	vsub.s32 v19, v0  }
.Ltmp2:
0x47: {  	vm9 =	vmand vm9, vm10;
	v19 =	vshll.u32 v19, $0xE;
	(pc) =	sbr.rel @p0 .LBB2_2-.Ltmp2, $4  }
0x48: {  	v19 =	vadd.s32 s9, v19;
	v20 =	vmpcnt.ones.xlane vm9  }
0x49: {  	v19 =	vadd.s32 v9, v19  }
0x4a: {  	(v2sf) =	vpush v20, $0x0  }
0x4b: {  	s9 =	spop (v2sf)  }
0x4c: {  	_ =	sdelay $0xc  }
0x4d: {  	s5 =	sadd.s32 s6, s9;
	s0 =	spop (v2sf)  }
0x4e: {  	s6 =	sadd.s32 s5, s0  }
0x4f: {  	s0 =	sadd.s32 $0xF, s6  }
0x50: {  	s25 =	sand.u32 $0xF, s0  }
0x51: {  	s11 =	sshra.s32 s0, $0x1F;
	p0 =	slt.s32 s0, $0x1;
	p1 =	sne.s32 s25, $0x0  }
0x52: {  	s26 =	sshrl.u32 s11, $0x1C;
	p0 =	por !p0, !p1  }
0x53: {  	s9 =	simm.s32 $0x1;
	s0 =	sadd.s32 s26, s0;
	p0 =	por !p0, !p0  }
0x54: {  	s0 =	sshra.s32 s0, $0x4;
	s9 =	simm.s32 @!p0 $0x0  }
0x55: {  	s11 =	ssub.s32 s0, s9  }
0x56: {  	p0 =	slt.s32 s11, $0x1  }
.Ltmp3:
0x57: {  	_ = 	snop;
	(pc) =	sbr.rel @p0 .LBB2_45-.Ltmp3, $4  }
0x58: {  	s30 =	simm.s32 $0x4080  }
0x59: {  	s31 =	simm.s32 $0x0;
	s28 =	simm.s32 $0x0;
	s29 =	simm.s32 $0x0;
	[tilespmem:s5+$0x4080] =	vst.msk vm9, v19  }
0x5a: {  	s12 =	simm.s32 $0x0;
	s5 =	simm.s32 $0x0;
	[tilespmem:s6+$0x4080] =	vst v10;
	s6 =	simm.s32 $0x0  }
0x5b: {  	s26 =	simm.s32 $0x0;
	s9 =	simm.s32 $0x0;
	s0 =	simm.s32 $0x0  }
0x5c: {  	p0 =	sne.s32 s11, $0x1  }
.Ltmp4:
0x5d: {  	_ = 	snop;
	(pc) =	sbr.rel @!p0 .LBB2_5-.Ltmp4, $2  }
0x5e: {  	_ =	sdelay $0x2  }
0x5f: {  	v19 =	vld [tilespmem:s30+$0x0];
	s0 =	sadd.s32 $0xFFFFFFFF, s11;
	p1 =	por $0x0, $0x0  }
0x60: {  	_ =	sdelay $0x3  }
0x61: {  	vm9 =	vlt.u32 v19, $0x5000000  }
0x62: {  	v20 =	vmpcnt.ones.xlane vm9;
	_ =	sdelay $0x1  }
0x63: {  	(v2sf) =	vpush v20, $0x0;
	_ =	sdelay $0x2  }
0x64: {  	p2 =	sne.s32 s0, $0x1  }
.Ltmp5:
0x65: {  	_ = 	snop;
	(pc) =	sbr.rel @!p2 .LBB2_7-.Ltmp5, $3  }
0x66: {  	_ =	sdelay $0x1  }
0x67: {  	s5 =	sadd.s32 $0x10, s30;
	[tilespmem:s26+$0x0] =	vst.msk vm9, v19  }
0x68: {  	s6 =	sadd.s32 $0xFFFFFFFF, s0;
	p0 =	por $0x1, $0x1;
	s0 =	simm.s32 $0x0;
	v19 =	vld [tilespmem:s5+$0x0]  }
.LBB2_8:
0x69: {  	p2 =	sne.s32 s6, $0x1;
	_ =	sdelay $0x3  }
0x6a: {  	vm9 =	vlt.u32 v19, $0x5000000  }
0x6b: {  	v20 =	vmpcnt.ones.xlane vm9  }
0x6c: {  	s9 =	spop (v2sf)  }
0x6d: {  	(v2sf) =	vpush v20, $0x0;
	s0 =	sadd.s32 s0, s9  }
0x6e: {  	[tilespmem:s0+$0x0] =	vst.msk vm9, v19;
	_ =	sdelay $0x2  }
.Ltmp6:
0x6f: {  	(pc) =	sbr.rel @p2 .LBB2_8-.Ltmp6, $3  }
0x70: {  	_ =	sdelay $0x1  }
0x71: {  	s5 =	sadd.s32 $0x10, s5  }
0x72: {  	s6 =	sadd.s32 $0xFFFFFFFF, s6;
	v19 =	vld [tilespmem:s5+$0x0]  }
.LBB2_9:
0x73: {  	_ =	sdelay $0x3  }
0x74: {  	vm9 =	vlt.u32 v19, $0x5000000  }
0x75: {  	v20 =	vmpcnt.ones.xlane vm9;
	_ =	sdelay $0x1  }
0x76: {  	(v2sf) =	vpush v20, $0x0;
	_ =	sdelay $0x8  }
0x77: {  	s5 =	spop @p0 (v2sf)  }
0x78: {  	s0 =	sadd.s32 @p0 s0, s5;
	s5 =	simm.s32 $0x0  }
0x79: {  	s5 =	smov.u32 @p0 s0;
	p0 =	sne.s32 s11, $0x1  }
.Ltmp7:
0x7a: {  	_ = 	snop;
	(pc) =	sbr.rel @!p0 .LBB2_10-.Ltmp7, $3  }
0x7b: {  	_ =	sdelay $0x1  }
0x7c: {  	[tilespmem:s5+$0x0] =	vst.msk vm9, v19;
	s31 =	spop (v2sf)  }
0x7d: {  	v19 =	vld [tilespmem:s30+$0x0];
	s30 =	sadd.s32 $0xFFFFFFFF, s11;
	s28 =	sadd.s32 s5, s31  }
0x7e: {  	_ =	sdelay $0x3  }
0x7f: {  	v20 =	vshra.s32 v19, $0xE  }
0x80: {  	v20 =	vadd.s32 $0xFFFFEC00, v20  }
0x81: {  	vm9 =	vlt.u32 v20, $0x1400  }
0x82: {  	v20 =	vmpcnt.ones.xlane vm9;
	_ =	sdelay $0x1  }
0x83: {  	(v2sf) =	vpush v20, $0x0  }
0x84: {  	p2 =	sne.s32 s30, $0x1  }
.Ltmp8:
0x85: {  	_ = 	snop;
	(pc) =	sbr.rel @!p2 .LBB2_12-.Ltmp8, $3  }
0x86: {  	_ =	sdelay $0x1  }
0x87: {  	s5 =	simm.s32 $0x4090;
	[tilespmem:s28+$0x0] =	vst.msk vm9, v19  }
0x88: {  	s6 =	sadd.s32 $0xFFFFFFFF, s30;
	p1 =	por $0x1, $0x1;
	s0 =	smov.u32 s28;
	v19 =	vld [tilespmem:s5+$0x0]  }
.LBB2_13:
0x89: {  	p2 =	sne.s32 s6, $0x1;
	_ =	sdelay $0x3  }
0x8a: {  	v20 =	vshra.s32 v19, $0xE  }
0x8b: {  	v20 =	vadd.s32 $0xFFFFEC00, v20  }
0x8c: {  	vm9 =	vlt.u32 v20, $0x1400  }
0x8d: {  	v20 =	vmpcnt.ones.xlane vm9  }
0x8e: {  	s9 =	spop (v2sf)  }
0x8f: {  	(v2sf) =	vpush v20, $0x0;
	s0 =	sadd.s32 s0, s9  }
0x90: {  	[tilespmem:s0+$0x0] =	vst.msk vm9, v19  }
.Ltmp9:
0x91: {  	(pc) =	sbr.rel @p2 .LBB2_13-.Ltmp9, $3  }
0x92: {  	_ =	sdelay $0x1  }
0x93: {  	s5 =	sadd.s32 $0x10, s5  }
0x94: {  	s6 =	sadd.s32 $0xFFFFFFFF, s6;
	v19 =	vld [tilespmem:s5+$0x0]  }
.LBB2_14:
0x95: {  	_ =	sdelay $0x3  }
0x96: {  	v20 =	vshra.s32 v19, $0xE  }
0x97: {  	v20 =	vadd.s32 $0xFFFFEC00, v20  }
0x98: {  	vm9 =	vlt.u32 v20, $0x1400  }
0x99: {  	v20 =	vmpcnt.ones.xlane vm9;
	_ =	sdelay $0x1  }
0x9a: {  	(v2sf) =	vpush v20, $0x0;
	_ =	sdelay $0xb  }
.Ltmp10:
0x9b: {  	s5 =	spop @p1 (v2sf);
	(pc) =	sbr.rel @!p0 .LBB2_15-.Ltmp10, $4  }
0x9c: {  	s0 =	sadd.s32 @p1 s0, s5;
	s5 =	smov.u32 s28  }
0x9d: {  	s5 =	smov.u32 @p1 s0  }
0x9e: {  	s0 =	simm.s32 $0x4080;
	[tilespmem:s5+$0x0] =	vst.msk vm9, v19;
	s6 =	spop (v2sf)  }
0x9f: {  	p1 =	por $0x0, $0x0;
	v19 =	vld [tilespmem:s0+$0x0];
	s29 =	sadd.s32 s5, s6  }
0xa0: {  	_ =	sdelay $0x3  }
0xa1: {  	v20 =	vshra.s32 v19, $0xE  }
0xa2: {  	v20 =	vadd.s32 $0xFFFFD800, v20  }
0xa3: {  	vm9 =	vlt.u32 v20, $0x1400  }
0xa4: {  	v20 =	vmpcnt.ones.xlane vm9;
	_ =	sdelay $0x1  }
0xa5: {  	(v2sf) =	vpush v20, $0x0  }
0xa6: {  	p3 =	sne.s32 s30, $0x1  }
.Ltmp11:
0xa7: {  	_ = 	snop;
	(pc) =	sbr.rel @!p3 .LBB2_17-.Ltmp11, $3  }
0xa8: {  	_ =	sdelay $0x1  }
0xa9: {  	s6 =	simm.s32 $0x4090;
	[tilespmem:s29+$0x0] =	vst.msk vm9, v19  }
0xaa: {  	s9 =	sadd.s32 $0xFFFFFFFF, s30;
	p2 =	por $0x1, $0x1;
	s5 =	smov.u32 s29;
	v19 =	vld [tilespmem:s6+$0x0]  }
.LBB2_18:
0xab: {  	p3 =	sne.s32 s9, $0x1;
	_ =	sdelay $0x3  }
0xac: {  	v20 =	vshra.s32 v19, $0xE  }
0xad: {  	v20 =	vadd.s32 $0xFFFFD800, v20  }
0xae: {  	vm9 =	vlt.u32 v20, $0x1400  }
0xaf: {  	v20 =	vmpcnt.ones.xlane vm9  }
0xb0: {  	s11 =	spop (v2sf)  }
0xb1: {  	(v2sf) =	vpush v20, $0x0;
	s5 =	sadd.s32 s5, s11  }
0xb2: {  	[tilespmem:s5+$0x0] =	vst.msk vm9, v19  }
.Ltmp12:
0xb3: {  	(pc) =	sbr.rel @p3 .LBB2_18-.Ltmp12, $3  }
0xb4: {  	_ =	sdelay $0x1  }
0xb5: {  	s6 =	sadd.s32 $0x10, s6  }
0xb6: {  	s9 =	sadd.s32 $0xFFFFFFFF, s9;
	v19 =	vld [tilespmem:s6+$0x0]  }
.LBB2_19:
0xb7: {  	_ =	sdelay $0x3  }
0xb8: {  	v20 =	vshra.s32 v19, $0xE  }
0xb9: {  	v20 =	vadd.s32 $0xFFFFD800, v20  }
0xba: {  	vm9 =	vlt.u32 v20, $0x1400  }
0xbb: {  	v20 =	vmpcnt.ones.xlane vm9;
	_ =	sdelay $0x1  }
0xbc: {  	(v2sf) =	vpush v20, $0x0;
	_ =	sdelay $0xb  }
.Ltmp13:
0xbd: {  	s6 =	spop @p2 (v2sf);
	(pc) =	sbr.rel @!p0 .LBB2_20-.Ltmp13, $4  }
0xbe: {  	s5 =	sadd.s32 @p2 s5, s6;
	s6 =	smov.u32 s29  }
0xbf: {  	s6 =	smov.u32 @p2 s5  }
0xc0: {  	[tilespmem:s6+$0x0] =	vst.msk vm9, v19;
	s25 =	spop (v2sf)  }
0xc1: {  	v19 =	vld [tilespmem:s0+$0x0];
	s31 =	sadd.s32 s6, s25  }
0xc2: {  	_ =	sdelay $0x3  }
0xc3: {  	v20 =	vshra.s32 v19, $0xE  }
0xc4: {  	v20 =	vadd.s32 $0xFFFFC400, v20  }
0xc5: {  	vm9 =	vlt.u32 v20, $0x1400  }
0xc6: {  	v20 =	vmpcnt.ones.xlane vm9;
	_ =	sdelay $0x1  }
0xc7: {  	(v2sf) =	vpush v20, $0x0  }
0xc8: {  	p2 =	sne.s32 s30, $0x1  }
.Ltmp14:
0xc9: {  	_ = 	snop;
	(pc) =	sbr.rel @!p2 .LBB2_22-.Ltmp14, $3  }
0xca: {  	_ =	sdelay $0x1  }
0xcb: {  	s5 =	simm.s32 $0x4090;
	[tilespmem:s31+$0x0] =	vst.msk vm9, v19  }
0xcc: {  	s6 =	sadd.s32 $0xFFFFFFFF, s30;
	p1 =	por $0x1, $0x1;
	s0 =	smov.u32 s31;
	v19 =	vld [tilespmem:s5+$0x0]  }
.LBB2_23:
0xcd: {  	p2 =	sne.s32 s6, $0x1;
	_ =	sdelay $0x3  }
0xce: {  	v20 =	vshra.s32 v19, $0xE  }
0xcf: {  	v20 =	vadd.s32 $0xFFFFC400, v20  }
0xd0: {  	vm9 =	vlt.u32 v20, $0x1400  }
0xd1: {  	v20 =	vmpcnt.ones.xlane vm9  }
0xd2: {  	s9 =	spop (v2sf)  }
0xd3: {  	(v2sf) =	vpush v20, $0x0;
	s0 =	sadd.s32 s0, s9  }
0xd4: {  	[tilespmem:s0+$0x0] =	vst.msk vm9, v19  }
.Ltmp15:
0xd5: {  	(pc) =	sbr.rel @p2 .LBB2_23-.Ltmp15, $3  }
0xd6: {  	_ =	sdelay $0x1  }
0xd7: {  	s5 =	sadd.s32 $0x10, s5  }
0xd8: {  	s6 =	sadd.s32 $0xFFFFFFFF, s6;
	v19 =	vld [tilespmem:s5+$0x0]  }
.LBB2_24:
0xd9: {  	_ =	sdelay $0x3  }
0xda: {  	v20 =	vshra.s32 v19, $0xE  }
0xdb: {  	v20 =	vadd.s32 $0xFFFFC400, v20  }
0xdc: {  	vm9 =	vlt.u32 v20, $0x1400  }
0xdd: {  	v20 =	vmpcnt.ones.xlane vm9;
	_ =	sdelay $0x1  }
0xde: {  	(v2sf) =	vpush v20, $0x0;
	_ =	sdelay $0xb  }
.Ltmp16:
0xdf: {  	s5 =	spop @p1 (v2sf);
	(pc) =	sbr.rel @!p0 .LBB2_25-.Ltmp16, $4  }
0xe0: {  	s6 =	smov.u32 s31;
	s0 =	sadd.s32 @p1 s0, s5  }
0xe1: {  	s6 =	smov.u32 @p1 s0  }
0xe2: {  	s5 =	simm.s32 $0x4080;
	[tilespmem:s6+$0x0] =	vst.msk vm9, v19;
	s25 =	spop (v2sf)  }
0xe3: {  	p1 =	por $0x0, $0x0;
	v19 =	vld [tilespmem:s5+$0x0];
	s6 =	sadd.s32 s6, s25  }
0xe4: {  	_ =	sdelay $0x3  }
0xe5: {  	v20 =	vshra.s32 v19, $0xE  }
0xe6: {  	v20 =	vadd.s32 $0xFFFFB000, v20  }
0xe7: {  	vm9 =	vlt.u32 v20, $0x1400  }
0xe8: {  	v20 =	vmpcnt.ones.xlane vm9;
	_ =	sdelay $0x1  }
0xe9: {  	(v2sf) =	vpush v20, $0x0  }
0xea: {  	p3 =	sne.s32 s30, $0x1  }
.Ltmp17:
0xeb: {  	_ = 	snop;
	(pc) =	sbr.rel @!p3 .LBB2_27-.Ltmp17, $3  }
0xec: {  	_ =	sdelay $0x1  }
0xed: {  	s9 =	simm.s32 $0x4090;
	[tilespmem:s6+$0x0] =	vst.msk vm9, v19  }
0xee: {  	s11 =	sadd.s32 $0xFFFFFFFF, s30;
	p2 =	por $0x1, $0x1;
	s0 =	smov.u32 s6;
	v19 =	vld [tilespmem:s9+$0x0]  }
.LBB2_28:
0xef: {  	p3 =	sne.s32 s11, $0x1;
	_ =	sdelay $0x3  }
0xf0: {  	v20 =	vshra.s32 v19, $0xE  }
0xf1: {  	v20 =	vadd.s32 $0xFFFFB000, v20  }
0xf2: {  	vm9 =	vlt.u32 v20, $0x1400  }
0xf3: {  	v20 =	vmpcnt.ones.xlane vm9  }
0xf4: {  	s12 =	spop (v2sf)  }
0xf5: {  	(v2sf) =	vpush v20, $0x0;
	s0 =	sadd.s32 s0, s12  }
0xf6: {  	[tilespmem:s0+$0x0] =	vst.msk vm9, v19  }
.Ltmp18:
0xf7: {  	(pc) =	sbr.rel @p3 .LBB2_28-.Ltmp18, $3  }
0xf8: {  	_ =	sdelay $0x1  }
0xf9: {  	s9 =	sadd.s32 $0x10, s9  }
0xfa: {  	s11 =	sadd.s32 $0xFFFFFFFF, s11;
	v19 =	vld [tilespmem:s9+$0x0]  }
.LBB2_29:
0xfb: {  	_ =	sdelay $0x3  }
0xfc: {  	v20 =	vshra.s32 v19, $0xE  }
0xfd: {  	v20 =	vadd.s32 $0xFFFFB000, v20  }
0xfe: {  	vm9 =	vlt.u32 v20, $0x1400  }
0xff: {  	v20 =	vmpcnt.ones.xlane vm9;
	_ =	sdelay $0x1  }
0x100: {  	(v2sf) =	vpush v20, $0x0;
	_ =	sdelay $0xb  }
.Ltmp19:
0x101: {  	s9 =	spop @p2 (v2sf);
	(pc) =	sbr.rel @!p0 .LBB2_30-.Ltmp19, $4  }
0x102: {  	s0 =	sadd.s32 @p2 s0, s9;
	s9 =	smov.u32 s6  }
0x103: {  	s9 =	smov.u32 @p2 s0  }
0x104: {  	[tilespmem:s9+$0x0] =	vst.msk vm9, v19;
	s25 =	spop (v2sf)  }
0x105: {  	v19 =	vld [tilespmem:s5+$0x0];
	s0 =	sadd.s32 s9, s25  }
0x106: {  	_ =	sdelay $0x3  }
0x107: {  	v20 =	vshra.s32 v19, $0xE  }
0x108: {  	v20 =	vadd.s32 $0xFFFF9C00, v20  }
0x109: {  	vm9 =	vlt.u32 v20, $0x1400  }
0x10a: {  	v20 =	vmpcnt.ones.xlane vm9;
	_ =	sdelay $0x1  }
0x10b: {  	(v2sf) =	vpush v20, $0x0  }
0x10c: {  	p2 =	sne.s32 s30, $0x1  }
.Ltmp20:
0x10d: {  	_ = 	snop;
	(pc) =	sbr.rel @!p2 .LBB2_32-.Ltmp20, $3  }
0x10e: {  	_ =	sdelay $0x1  }
0x10f: {  	s9 =	simm.s32 $0x4090;
	[tilespmem:s0+$0x0] =	vst.msk vm9, v19  }
0x110: {  	s11 =	sadd.s32 $0xFFFFFFFF, s30;
	p1 =	por $0x1, $0x1;
	s5 =	smov.u32 s0;
	v19 =	vld [tilespmem:s9+$0x0]  }
.LBB2_33:
0x111: {  	p2 =	sne.s32 s11, $0x1;
	_ =	sdelay $0x3  }
0x112: {  	v20 =	vshra.s32 v19, $0xE  }
0x113: {  	v20 =	vadd.s32 $0xFFFF9C00, v20  }
0x114: {  	vm9 =	vlt.u32 v20, $0x1400  }
0x115: {  	v20 =	vmpcnt.ones.xlane vm9  }
0x116: {  	s12 =	spop (v2sf)  }
0x117: {  	(v2sf) =	vpush v20, $0x0;
	s5 =	sadd.s32 s5, s12  }
0x118: {  	[tilespmem:s5+$0x0] =	vst.msk vm9, v19  }
.Ltmp21:
0x119: {  	(pc) =	sbr.rel @p2 .LBB2_33-.Ltmp21, $3  }
0x11a: {  	_ =	sdelay $0x1  }
0x11b: {  	s9 =	sadd.s32 $0x10, s9  }
0x11c: {  	s11 =	sadd.s32 $0xFFFFFFFF, s11;
	v19 =	vld [tilespmem:s9+$0x0]  }
.LBB2_34:
0x11d: {  	_ =	sdelay $0x3  }
0x11e: {  	v20 =	vshra.s32 v19, $0xE  }
0x11f: {  	v20 =	vadd.s32 $0xFFFF9C00, v20  }
0x120: {  	vm9 =	vlt.u32 v20, $0x1400  }
0x121: {  	v20 =	vmpcnt.ones.xlane vm9;
	_ =	sdelay $0x1  }
0x122: {  	(v2sf) =	vpush v20, $0x0;
	_ =	sdelay $0xb  }
.Ltmp22:
0x123: {  	s9 =	spop @p1 (v2sf);
	(pc) =	sbr.rel @!p0 .LBB2_35-.Ltmp22, $4  }
0x124: {  	s5 =	sadd.s32 @p1 s5, s9;
	s9 =	smov.u32 s0  }
0x125: {  	s9 =	smov.u32 @p1 s5  }
0x126: {  	s11 =	simm.s32 $0x4080;
	[tilespmem:s9+$0x0] =	vst.msk vm9, v19;
	s25 =	spop (v2sf)  }
0x127: {  	p1 =	por $0x0, $0x0;
	v19 =	vld [tilespmem:s11+$0x0];
	s5 =	sadd.s32 s9, s25  }
0x128: {  	_ =	sdelay $0x3  }
0x129: {  	v20 =	vshra.s32 v19, $0xE  }
0x12a: {  	v20 =	vadd.s32 $0xFFFF8800, v20  }
0x12b: {  	vm9 =	vlt.u32 v20, $0x1400  }
0x12c: {  	v20 =	vmpcnt.ones.xlane vm9;
	_ =	sdelay $0x1  }
0x12d: {  	(v2sf) =	vpush v20, $0x0  }
0x12e: {  	p3 =	sne.s32 s30, $0x1  }
.Ltmp23:
0x12f: {  	_ = 	snop;
	(pc) =	sbr.rel @!p3 .LBB2_37-.Ltmp23, $3  }
0x130: {  	_ =	sdelay $0x1  }
0x131: {  	s12 =	simm.s32 $0x4090;
	[tilespmem:s5+$0x0] =	vst.msk vm9, v19  }
0x132: {  	s16 =	sadd.s32 $0xFFFFFFFF, s30;
	p2 =	por $0x1, $0x1;
	s9 =	smov.u32 s5;
	v19 =	vld [tilespmem:s12+$0x0]  }
.LBB2_38:
0x133: {  	p3 =	sne.s32 s16, $0x1;
	_ =	sdelay $0x3  }
0x134: {  	v20 =	vshra.s32 v19, $0xE  }
0x135: {  	v20 =	vadd.s32 $0xFFFF8800, v20  }
0x136: {  	vm9 =	vlt.u32 v20, $0x1400  }
0x137: {  	v20 =	vmpcnt.ones.xlane vm9  }
0x138: {  	s17 =	spop (v2sf)  }
0x139: {  	(v2sf) =	vpush v20, $0x0;
	s9 =	sadd.s32 s9, s17  }
0x13a: {  	[tilespmem:s9+$0x0] =	vst.msk vm9, v19  }
.Ltmp24:
0x13b: {  	(pc) =	sbr.rel @p3 .LBB2_38-.Ltmp24, $3  }
0x13c: {  	_ =	sdelay $0x1  }
0x13d: {  	s12 =	sadd.s32 $0x10, s12  }
0x13e: {  	s16 =	sadd.s32 $0xFFFFFFFF, s16;
	v19 =	vld [tilespmem:s12+$0x0]  }
.LBB2_39:
0x13f: {  	_ =	sdelay $0x3  }
0x140: {  	v20 =	vshra.s32 v19, $0xE  }
0x141: {  	v20 =	vadd.s32 $0xFFFF8800, v20  }
0x142: {  	vm9 =	vlt.u32 v20, $0x1400  }
0x143: {  	v20 =	vmpcnt.ones.xlane vm9;
	_ =	sdelay $0x1  }
0x144: {  	(v2sf) =	vpush v20, $0x0;
	_ =	sdelay $0xb  }
.Ltmp25:
0x145: {  	s12 =	spop @p2 (v2sf);
	(pc) =	sbr.rel @!p0 .LBB2_40-.Ltmp25, $4  }
0x146: {  	s9 =	sadd.s32 @p2 s9, s12;
	s12 =	smov.u32 s5  }
0x147: {  	s12 =	smov.u32 @p2 s9  }
0x148: {  	[tilespmem:s12+$0x0] =	vst.msk vm9, v19;
	s25 =	spop (v2sf)  }
0x149: {  	v19 =	vld [tilespmem:s11+$0x0];
	s9 =	sadd.s32 s12, s25  }
0x14a: {  	_ =	sdelay $0x3  }
0x14b: {  	v20 =	vshra.s32 v19, $0xE  }
0x14c: {  	v20 =	vadd.s32 $0xFFFF7400, v20  }
0x14d: {  	vm9 =	vlt.u32 v20, $0x1400  }
0x14e: {  	v20 =	vmpcnt.ones.xlane vm9;
	_ =	sdelay $0x1  }
0x14f: {  	(v2sf) =	vpush v20, $0x0  }
0x150: {  	p0 =	sne.s32 s30, $0x1  }
.Ltmp26:
0x151: {  	_ = 	snop;
	(pc) =	sbr.rel @!p0 .LBB2_42-.Ltmp26, $3  }
0x152: {  	_ =	sdelay $0x1  }
0x153: {  	s12 =	simm.s32 $0x4090;
	[tilespmem:s9+$0x0] =	vst.msk vm9, v19  }
0x154: {  	s16 =	sadd.s32 $0xFFFFFFFF, s30;
	p1 =	por $0x1, $0x1;
	s11 =	smov.u32 s9;
	v19 =	vld [tilespmem:s12+$0x0]  }
.LBB2_43:
0x155: {  	p0 =	sne.s32 s16, $0x1;
	_ =	sdelay $0x3  }
0x156: {  	v20 =	vshra.s32 v19, $0xE  }
0x157: {  	v20 =	vadd.s32 $0xFFFF7400, v20  }
0x158: {  	vm9 =	vlt.u32 v20, $0x1400  }
0x159: {  	v20 =	vmpcnt.ones.xlane vm9  }
0x15a: {  	s17 =	spop (v2sf)  }
0x15b: {  	(v2sf) =	vpush v20, $0x0;
	s11 =	sadd.s32 s11, s17  }
0x15c: {  	[tilespmem:s11+$0x0] =	vst.msk vm9, v19  }
.Ltmp27:
0x15d: {  	(pc) =	sbr.rel @p0 .LBB2_43-.Ltmp27, $3  }
0x15e: {  	_ =	sdelay $0x1  }
0x15f: {  	s12 =	sadd.s32 $0x10, s12  }
0x160: {  	s16 =	sadd.s32 $0xFFFFFFFF, s16;
	v19 =	vld [tilespmem:s12+$0x0]  }
.LBB2_44:
0x161: {  	_ =	sdelay $0x3  }
0x162: {  	v20 =	vshra.s32 v19, $0xE  }
0x163: {  	v20 =	vadd.s32 $0xFFFF7400, v20  }
0x164: {  	vm9 =	vlt.u32 v20, $0x1400  }
0x165: {  	v20 =	vmpcnt.ones.xlane vm9;
	_ =	sdelay $0x1  }
0x166: {  	(v2sf) =	vpush v20, $0x0;
	_ =	sdelay $0xc  }
0x167: {  	s12 =	spop @p1 (v2sf)  }
0x168: {  	s11 =	sadd.s32 @p1 s11, s12;
	s12 =	smov.u32 s9  }
0x169: {  	s12 =	smov.u32 @p1 s11;
	s30 =	spop (v2sf)  }
0x16a: {  	[tilespmem:s12+$0x0] =	vst.msk vm9, v19;
	s12 =	sadd.s32 s12, s30  }
.LBB2_45:
0x16b: {  	v19 =	vmov s28  }
0x16c: {  	v20 =	vnsel vm0, $0x0, v19  }
0x16d: {  	v19 =	vnsel vm1, $0x0, v19;
	v20 =	vsel vm1, s29, v20  }
0x16e: {  	v19 =	vsel vm2, s29, v19;
	v20 =	vnsel vm3, s31, v20  }
.Ltmp28:
0x16f: {  	v19 =	vnsel vm4, s31, v19;
	v20 =	vnsel vm4, s6, v20;
	(pc) =	sbr.rel .LBB2_46-.Ltmp28, $4  }
0x170: {  	v19 =	vnsel vm5, s6, v19;
	v20 =	vnsel vm5, s0, v20  }
0x171: {  	v19 =	vnsel vm6, s0, v19;
	v20 =	vnsel vm6, s5, v20  }
0x172: {  	vm9 =	veq.s32 v9, $0x7;
	v19 =	vnsel vm7, s5, v19;
	v21 =	vnsel vm7, s9, v20  }
0x173: {  	[tilespmem:s12+$0x0] =	vst v10;
	s28 =	simm.s32 $0x0;
	v20 =	vnsel vm8, s9, v19;
	v19 =	vsel vm9, s12, v21  }
.LBB2_56:
0x174: {  	s26 =	smov.u32 s6  }
.LBB2_64:
0x175: {  	s0 =	sadd.s32 s29, s14  }
0x176: {  	s28 =	sadd.s32 $0x1, s28;
	p0 =	slt.s32 s0, $0xF3F80  }
0x177: {  	s0 =	simm.s32 @!p0 $0xF3F80;
	p0 =	sne.s32 s28, $0x18  }
.Ltmp29:
0x178: {  	_ = 	snop;
	(pc) =	sbr.rel @!p0 .LBB2_65-.Ltmp29, $3  }
0x179: {  	_ =	sdelay $0x1  }
0x17a: {  	s0 =	sadd.s32 s4, s0  }
0x17b: {  	[tilespmem:s21], [sflag:$0x2] =	stream.strided.gather [hbm4b:s0+s18], $0xA000, s19, s18, $0x38;
	[tilespmem:$0x1F180] =	vst v63  }
.LBB2_46:
0x17c: {  	s29 =	smul.u32 $0x500, s28;
	_ =	sdelay $0x1  }
0x17d: {  	s0 =	sadd.s32 s1, s29  }
0x17e: {  	p0 =	slt.s32 s0, $0xF3F80  }
0x17f: {  	s0 =	simm.s32 @!p0 $0xF3F80  }
0x180: {  	s30 =	ssub.s32 s0, s1  }
0x181: {  	s5 =	smulhi.u32 $0x66666667, s30;
	s6 =	sshra.s32 s30, $0x1F  }
0x182: {  	s9 =	smul.u32 $0x66666667, s6;
	_ =	sdelay $0x1  }
0x183: {  	p0 =	sne.s32 s0, s1;
	s5 =	sadd.s32 s9, s5  }
0x184: {  	s0 =	simm.s32 $0x1;
	s9 =	sshrl.u32 s5, $0x1F;
	s5 =	sshra.s32 s5, $0xB  }
0x185: {  	s0 =	simm.s32 @!p0 $0x0;
	s5 =	sadd.s32 s9, s5  }
0x186: {  	s11 =	ssub.s32 $0x0, s30;
	s12 =	sadd.s32 $0x27F, s30;
	s9 =	smul.u32 $0xFFFFEC00, s5  }
0x187: {  	s0 =	sor.u32 s0, s6;
	s16 =	smulhi.u32 $0x66666667, s12;
	s17 =	sshra.s32 s12, $0x1F  }
0x188: {  	p3 =	sne.s32 s0, $0x1;
	p1 =	sne.s32 s9, s11;
	s9 =	smul.u32 $0x66666667, s17  }
0x189: {  	p0 =	por !p1, !p3  }
0x18a: {  	s11 =	simm.s32 $0x1;
	p0 =	por !p0, !p0;
	s0 =	sadd.s32 s9, s16  }
0x18b: {  	s11 =	simm.s32 @!p0 $0x0;
	s9 =	sshrl.u32 s0, $0x1F;
	s0 =	sshra.s32 s0, $0xB  }
0x18c: {  	s5 =	ssub.s32 s5, s11;
	s0 =	sadd.s32 s9, s0  }
0x18d: {  	v21 =	vmov s5;
	s0 =	sadd.s32 s17, s0  }
0x18e: {  	vm9 =	veq.s32 v21, v9;
	v22 =	vmov s0  }
0x18f: {  	_ =	swait.ge [sflag:s22], $0xA000;
	v21 =	vnsel vm9, $0x0, v20;
	vm9 =	veq.s32 v22, v9  }
0x190: {  	(xrf0) =	vadd.scan.msk.s32 $0xffff, v21;
	v21 =	vnsel vm9, $0x0, v19  }
0x191: {  	(xrf0) =	vadd.scan.msk.s32 $0xffff, v21;
	_ =	sdelay $0x4  }
0x192: {  	v21, _, _ =	vpop (xrf0)  }
0x193: {  	(v2sf) =	vpush v21, $0xF;
	v21, _, _ =	vpop (xrf0)  }
0x194: {  	(v2sf) =	vpush v21, $0xF;
	_ =	sdelay $0xd  }
0x195: {  	s25 =	spop (v2sf)  }
0x196: {  	s9 =	sshra.s32 s25, $0x1F;
	s11 =	spop (v2sf);
	s12 =	sand.u32 $0xF, s25  }
0x197: {  	p4 =	slt.s32 s25, $0x1;
	s5 =	sshrl.u32 s9, $0x1C;
	s6 =	sadd.s32 $0xF, s11  }
0x198: {  	p5 =	sne.s32 s12, $0x0;
	s9 =	simm.s32 $0x1;
	s5 =	sadd.s32 s5, s25  }
0x199: {  	s16 =	sand.u32 $0xF, s6;
	p0 =	por !p4, !p5;
	p6 =	slt.s32 s6, $0x1  }
0x19a: {  	s25 =	sshra.s32 s6, $0x1F;
	p2 =	sne.s32 s16, $0x0;
	s17 =	sshra.s32 s5, $0x4  }
0x19b: {  	p0 =	por !p0, !p0;
	s5 =	sshrl.u32 s25, $0x1C;
	p1 =	por !p6, !p2  }
0x19c: {  	s5 =	sadd.s32 s5, s6;
	s6 =	simm.s32 $0x1;
	p1 =	por !p1, !p1  }
0x19d: {  	s9 =	simm.s32 @!p0 $0x0;
	s5 =	sshra.s32 s5, $0x4;
	s6 =	simm.s32 @!p1 $0x0  }
0x19e: {  	s0 =	ssub.s32 s17, s9;
	s31 =	ssub.s32 s5, s6  }
0x19f: {  	p0 =	sge.s32 s0, s31  }
.Ltmp30:
0x1a0: {  	_ = 	snop;
	(pc) =	sbr.rel @p0 .LBB2_47-.Ltmp30, $3  }
0x1a1: {  	_ =	sdelay $0x1  }
0x1a2: {  	[sflag:s22] =	ssyncset.done $0x0  }
0x1a3: {  	[sflag:s22] =	ssyncadd.s32 $0xFFFF6000  }
.Ltmp31:
0x1a4: {  	(pc) =	sbr.rel .LBB2_49-.Ltmp31, $3  }
0x1a5: {  	_ =	sdelay $0x1  }
0x1a6: {  	s5 =	sadd.s32 $0x280, s30  }
0x1a7: {  	v21 =	vmov s30;
	v22 =	vmov s5  }
.LBB2_50:
0x1a8: {  	s6 =	smov.u32 s26  }
.LBB2_54:
0x1a9: {  	s0 =	sadd.s32 $0x1, s0  }
0x1aa: {  	p0 =	slt.s32 s0, s31  }
.Ltmp32:
0x1ab: {  	_ = 	snop;
	(pc) =	sbr.rel @!p0 .LBB2_55-.Ltmp32, $1  }
0x1ac: {  	_ =	sdelay $0x3  }
.LBB2_49:
0x1ad: {  	s5 =	sshll.u32 s0, $0x6  }
0x1ae: {  	s5 =	sshra.s32 s5, $0x2  }
0x1af: {  	v23 =	vld [tilespmem:s5+$0x0];
	_ =	sdelay $0x4  }
0x1b0: {  	v24 =	vshra.s32 v23, $0xE  }
0x1b1: {  	vm9 =	vle.s32 v21, v24;
	vm10 =	vlt.s32 v24, v22  }
0x1b2: {  	vm9 =	vmand vm9, vm10  }
0x1b3: {  	v63 =	vmpcnt.ones.xlane vm9;
	_ =	sdelay $0x1  }
0x1b4: {  	(v2sf) =	vpush v63, $0x0;
	_ =	sdelay $0xe  }
0x1b5: {  	s6 =	spop (v2sf)  }
0x1b6: {  	p0 =	slt.s32 s6, $0x1  }
.Ltmp33:
0x1b7: {  	_ = 	snop;
	(pc) =	sbr.rel @p0 .LBB2_50-.Ltmp33, $2  }
0x1b8: {  	_ =	sdelay $0x2  }
0x1b9: {  	[tilespmem:s23+$0x0] =	vst.msk vm9, v23  }
0x1ba: {  	s5 =	simm.s32 $0x8100  }
0x1bb: {  	v23 =	vld [tilespmem:s5+$0x0];
	_ =	sdelay $0x4  }
0x1bc: {  	(v2sf) =	vpush v23, $0x0;
	_ =	sdelay $0xe  }
0x1bd: {  	s9 =	spop (v2sf)  }
0x1be: {  	s25 =	sshra.s32 s9, $0xE  }
0x1bf: {  	s5 =	ssub.s32 s25, s30  }
0x1c0: {  	v23 =	vmov s5  }
0x1c1: {  	v24 =	vshll.u32 v23, $0x3  }
0x1c2: {  	v23 =	vand.u32 $0x7F, v23;
	v24 =	vand.u32 $0xFFFFFC00, v24  }
0x1c3: {  	v23 =	vor.u32 v23, v24  }
0x1c4: {  	p0 =	slt.s32 s26, $0x40;
	v24 =	vadd.s32 v11, v23  }
0x1c5: {  	s5 =	simm.s32 @!p0 $0x1  }
0x1c6: {  	_ =	swait.ge @!p0 [sflag:s5], $0x40  }
0x1c7: {  	[sflag:s5] =	ssyncset.done @!p0 $0x0  }
0x1c8: {  	[sflag:s5] =	ssyncadd.s32 @!p0 $0xFFFFFFC0  }
0x1c9: {  	v24 =	vld.idx.msk [tilespmem:v24+s20+$0x0], $0xffff  }
0x1ca: {  	v25 =	vadd.s32 v12, v23;
	_ =	sdelay $0x1  }
0x1cb: {  	s11 =	sshll.u32 s26, $0x6  }
0x1cc: {  	s12 =	sand.u32 $0xFC0, s11  }
0x1cd: {  	[tilespmem:s12+$0x1E180] =	vst v24  }
0x1ce: {  	v24 =	vld.idx.msk [tilespmem:v25+s20+$0x0], $0xffff  }
0x1cf: {  	v63 =	vadd.s32 v14, v23;
	_ =	sdelay $0x3  }
0x1d0: {  	[tilespmem:s12+$0x1E190] =	vst v24  }
0x1d1: {  	v24 =	vld.idx.msk [tilespmem:v63+s20+$0x0], $0xffff  }
0x1d2: {  	v23 =	vadd.s32 v15, v23;
	_ =	sdelay $0x3  }
0x1d3: {  	s5 =	sadd.s32 $0xFFFFFFFF, s6;
	[tilespmem:s12+$0x1E1A0] =	vst v24  }
0x1d4: {  	p0 =	sne.s32 s5, $0x0;
	v23 =	vld.idx.msk [tilespmem:v23+s20+$0x0], $0xffff  }
.Ltmp34:
0x1d5: {  	_ = 	snop;
	(pc) =	sbr.rel @!p0 .LBB2_53-.Ltmp34, $4  }
0x1d6: {  	_ = 	snop  }
0x1d7: {  	s16 =	sadd.s32 $0x1E180, s12;
	s9 =	sshll.u32 s9, $0x3  }
0x1d8: {  	s17 =	sand.u32 $0x1FFF8, s9;
	s9 =	sadd.s32 $0x40, s11;
	s11 =	simm.s32 $0x8101  }
0x1d9: {  	s6 =	sadd.s32 s26, s6;
	s26 =	sadd.s32 $0x1, s26;
	[tilespmem:s12+$0x1E1B0] =	vst v23;
	s12 =	sadd.s32 s7, s17  }
.LBB2_52:
0x1da: {  	[hbm4b:s12+s8] =	stream.linear.scatter [tilespmem:s16], [sflag:$0x1], $0x40, $0x38;
	[tilespmem:$0x1F180] =	vst v63  }
0x1db: {  	s5 =	sadd.s32 $0xFFFFFFFF, s5;
	v23 =	vld [tilespmem:s11+$0x0]  }
0x1dc: {  	p0 =	sne.s32 s5, $0x0;
	_ =	sdelay $0x3  }
0x1dd: {  	(v2sf) =	vpush v23, $0x0;
	_ =	sdelay $0xe  }
0x1de: {  	s12 =	spop (v2sf)  }
0x1df: {  	s16 =	sshra.s32 s12, $0xE;
	s12 =	sshll.u32 s12, $0x3  }
0x1e0: {  	s16 =	ssub.s32 s16, s30;
	s12 =	sand.u32 $0x1FFF8, s12  }
0x1e1: {  	v23 =	vmov s16  }
0x1e2: {  	v24 =	vshll.u32 v23, $0x3  }
0x1e3: {  	v23 =	vand.u32 $0x7F, v23;
	v24 =	vand.u32 $0xFFFFFC00, v24  }
0x1e4: {  	v23 =	vor.u32 v23, v24  }
0x1e5: {  	p1 =	slt.s32 s26, $0x40;
	v24 =	vadd.s32 v11, v23  }
0x1e6: {  	s16 =	simm.s32 @!p1 $0x1  }
0x1e7: {  	_ =	swait.ge @!p1 [sflag:s16], $0x40  }
0x1e8: {  	[sflag:s16] =	ssyncset.done @!p1 $0x0  }
0x1e9: {  	[sflag:s16] =	ssyncadd.s32 @!p1 $0xFFFFFFC0  }
0x1ea: {  	v24 =	vld.idx.msk [tilespmem:v24+s20+$0x0], $0xffff;
	_ =	sdelay $0x1  }
0x1eb: {  	v25 =	vadd.s32 v12, v23;
	_ =	sdelay $0x2  }
0x1ec: {  	s17 =	sand.u32 $0xFC0, s9  }
0x1ed: {  	[tilespmem:s17+$0x1E180] =	vst v24  }
0x1ee: {  	v24 =	vld.idx.msk [tilespmem:v25+s20+$0x0], $0xffff;
	_ =	sdelay $0x1  }
0x1ef: {  	v25 =	vadd.s32 v14, v23;
	_ =	sdelay $0x3  }
0x1f0: {  	[tilespmem:s17+$0x1E190] =	vst v24  }
0x1f1: {  	v24 =	vld.idx.msk [tilespmem:v25+s20+$0x0], $0xffff;
	_ =	sdelay $0x1  }
0x1f2: {  	v23 =	vadd.s32 v15, v23;
	_ =	sdelay $0x3  }
0x1f3: {  	[tilespmem:s17+$0x1E1A0] =	vst v24  }
0x1f4: {  	v23 =	vld.idx.msk [tilespmem:v23+s20+$0x0], $0xffff;
	_ =	sdelay $0x1  }
.Ltmp35:
0x1f5: {  	(pc) =	sbr.rel @p0 .LBB2_52-.Ltmp35, $3  }
0x1f6: {  	_ =	sdelay $0x1  }
0x1f7: {  	s9 =	sadd.s32 $0x40, s9;
	s11 =	sadd.s32 $0x1, s11  }
0x1f8: {  	s26 =	sadd.s32 $0x1, s26;
	s12 =	sadd.s32 s7, s12;
	s16 =	sadd.s32 $0x1E180, s17;
	[tilespmem:s17+$0x1E1B0] =	vst v23  }
.LBB2_53:
.Ltmp36:
0x1f9: {  	(pc) =	sbr.rel .LBB2_54-.Ltmp36, $3  }
0x1fa: {  	_ =	sdelay $0x1  }
0x1fb: {  	[hbm4b:s12+s8] =	stream.linear.scatter [tilespmem:s16], [sflag:$0x1], $0x40, $0x38;
	[tilespmem:$0x1F180] =	vst v63  }
0x1fc: {  	s26 =	smov.u32 s6  }
.LBB2_47:
0x1fd: {  	s6 =	smov.u32 s26  }
.LBB2_55:
0x1fe: {  	s0 =	sadd.s32 s29, s13  }
0x1ff: {  	p0 =	slt.s32 s0, $0xF3F80  }
0x200: {  	s0 =	simm.s32 @!p0 $0xF3F80  }
0x201: {  	s0 =	sadd.s32 s4, s0  }
0x202: {  	[tilespmem:s20], [sflag:$0x2] =	stream.strided.gather [hbm4b:s0+s18], $0xA000, s19, s18, $0x38;
	[tilespmem:$0x1F180] =	vst v63  }
0x203: {  	s0 =	sadd.s32 s29, s10  }
0x204: {  	p0 =	slt.s32 s0, $0xF3F80  }
0x205: {  	s0 =	simm.s32 @!p0 $0xF3F80  }
0x206: {  	s30 =	ssub.s32 s0, s1  }
0x207: {  	s0 =	smulhi.u32 $0x66666667, s30;
	s5 =	sshra.s32 s30, $0x1F  }
0x208: {  	s9 =	sadd.s32 $0x27F, s30;
	s5 =	smul.u32 $0x66666667, s5  }
0x209: {  	s25 =	smulhi.u32 $0x66666667, s9;
	s9 =	sshra.s32 s9, $0x1F  }
0x20a: {  	s9 =	smul.u32 $0x66666667, s9;
	s0 =	sadd.s32 s5, s0  }
0x20b: {  	s11 =	sshrl.u32 s0, $0x1F;
	s0 =	sshra.s32 s0, $0xB  }
0x20c: {  	s5 =	sadd.s32 s9, s25;
	s0 =	sadd.s32 s11, s0  }
0x20d: {  	s12 =	sshrl.u32 s5, $0x1F;
	s5 =	sshra.s32 s5, $0xB;
	s11 =	smul.u32 $0xFFFFEC00, s0  }
0x20e: {  	s26 =	ssub.s32 $0x0, s30;
	s5 =	sadd.s32 s12, s5  }
0x20f: {  	p1 =	slt.s32 s30, $0x0;
	s16 =	smul.u32 $0xFFFFEC00, s5;
	p5 =	sne.s32 s11, s26  }
0x210: {  	s17 =	ssub.s32 $0xFFFFFD81, s30;
	p2 =	slt.s32 s30, $0xFFFFFD81;
	p0 =	por !p1, !p5  }
0x211: {  	s9 =	simm.s32 $0x1;
	p6 =	sne.s32 s16, s17;
	p0 =	por !p0, !p0  }
0x212: {  	p2 =	por !p2, !p6;
	s9 =	simm.s32 @!p0 $0x0  }
0x213: {  	p0 =	por !p2, !p2;
	s0 =	ssub.s32 s0, s9;
	s9 =	simm.s32 $0x1  }
0x214: {  	s9 =	simm.s32 @!p0 $0x0;
	v21 =	vmov s0  }
0x215: {  	s25 =	ssub.s32 s5, s9;
	vm9 =	veq.s32 v21, v9  }
0x216: {  	_ =	swait.ge [sflag:s22], $0xA000;
	v21 =	vnsel vm9, $0x0, v20;
	v22 =	vmov s25  }
0x217: {  	vm9 =	veq.s32 v22, v9;
	(xrf0) =	vadd.scan.msk.s32 $0xffff, v21  }
0x218: {  	v21 =	vnsel vm9, $0x0, v19  }
0x219: {  	(xrf0) =	vadd.scan.msk.s32 $0xffff, v21;
	_ =	sdelay $0x3  }
0x21a: {  	v21, _, _ =	vpop (xrf0)  }
0x21b: {  	(v2sf) =	vpush v21, $0xF  }
0x21c: {  	v21, _, _ =	vpop (xrf0)  }
0x21d: {  	(v2sf) =	vpush v21, $0xF;
	_ =	sdelay $0xc  }
0x21e: {  	s26 =	spop (v2sf)  }
0x21f: {  	s11 =	sshra.s32 s26, $0x1F;
	s16 =	sand.u32 $0xF, s26;
	p3 =	slt.s32 s26, $0x1  }
0x220: {  	s5 =	sshrl.u32 s11, $0x1C;
	s12 =	spop (v2sf);
	p4 =	sne.s32 s16, $0x0  }
0x221: {  	s11 =	simm.s32 $0x1;
	s5 =	sadd.s32 s5, s26;
	s9 =	sadd.s32 $0xF, s12  }
0x222: {  	p0 =	por !p3, !p4;
	s17 =	sand.u32 $0xF, s9;
	p5 =	slt.s32 s9, $0x1  }
0x223: {  	s25 =	sshra.s32 s5, $0x4;
	s26 =	sshra.s32 s9, $0x1F;
	p6 =	sne.s32 s17, $0x0  }
0x224: {  	p0 =	por !p0, !p0;
	s5 =	sshrl.u32 s26, $0x1C;
	p1 =	por !p5, !p6  }
0x225: {  	s5 =	sadd.s32 s5, s9;
	s9 =	simm.s32 $0x1;
	p1 =	por !p1, !p1  }
0x226: {  	s11 =	simm.s32 @!p0 $0x0;
	s5 =	sshra.s32 s5, $0x4;
	s9 =	simm.s32 @!p1 $0x0  }
0x227: {  	s0 =	ssub.s32 s25, s11;
	s31 =	ssub.s32 s5, s9  }
0x228: {  	p0 =	sge.s32 s0, s31  }
.Ltmp37:
0x229: {  	_ = 	snop;
	(pc) =	sbr.rel @p0 .LBB2_56-.Ltmp37, $3  }
0x22a: {  	_ =	sdelay $0x1  }
0x22b: {  	[sflag:s22] =	ssyncset.done $0x0  }
0x22c: {  	[sflag:s22] =	ssyncadd.s32 $0xFFFF6000  }
.Ltmp38:
0x22d: {  	(pc) =	sbr.rel .LBB2_58-.Ltmp38, $3  }
0x22e: {  	_ =	sdelay $0x1  }
0x22f: {  	s5 =	sadd.s32 $0x280, s30  }
0x230: {  	v21 =	vmov s30;
	v22 =	vmov s5  }
.LBB2_59:
0x231: {  	s26 =	smov.u32 s6  }
.LBB2_63:
0x232: {  	s0 =	sadd.s32 $0x1, s0  }
0x233: {  	p0 =	slt.s32 s0, s31  }
.Ltmp39:
0x234: {  	_ = 	snop;
	(pc) =	sbr.rel @!p0 .LBB2_64-.Ltmp39, $1  }
0x235: {  	_ =	sdelay $0x3  }
.LBB2_58:
0x236: {  	s5 =	sshll.u32 s0, $0x6  }
0x237: {  	s5 =	sshra.s32 s5, $0x2  }
0x238: {  	v23 =	vld [tilespmem:s5+$0x0];
	_ =	sdelay $0x4  }
0x239: {  	v24 =	vshra.s32 v23, $0xE  }
0x23a: {  	vm9 =	vle.s32 v21, v24;
	vm10 =	vlt.s32 v24, v22  }
0x23b: {  	vm9 =	vmand vm9, vm10  }
0x23c: {  	v63 =	vmpcnt.ones.xlane vm9;
	_ =	sdelay $0x1  }
0x23d: {  	(v2sf) =	vpush v63, $0x0;
	_ =	sdelay $0xe  }
0x23e: {  	s9 =	spop (v2sf)  }
0x23f: {  	p0 =	slt.s32 s9, $0x1  }
.Ltmp40:
0x240: {  	_ = 	snop;
	(pc) =	sbr.rel @p0 .LBB2_59-.Ltmp40, $2  }
0x241: {  	_ =	sdelay $0x2  }
0x242: {  	[tilespmem:s23+$0x0] =	vst.msk vm9, v23  }
0x243: {  	s5 =	simm.s32 $0x8100  }
0x244: {  	v23 =	vld [tilespmem:s5+$0x0];
	_ =	sdelay $0x4  }
0x245: {  	(v2sf) =	vpush v23, $0x0;
	_ =	sdelay $0xe  }
0x246: {  	s11 =	spop (v2sf)  }
0x247: {  	s17 =	sshra.s32 s11, $0xE  }
0x248: {  	s5 =	ssub.s32 s17, s30  }
0x249: {  	v23 =	vmov s5  }
0x24a: {  	v24 =	vshll.u32 v23, $0x3  }
0x24b: {  	v23 =	vand.u32 $0x7F, v23;
	v24 =	vand.u32 $0xFFFFFC00, v24  }
0x24c: {  	v23 =	vor.u32 v23, v24  }
0x24d: {  	p0 =	slt.s32 s6, $0x40;
	v24 =	vadd.s32 v11, v23  }
0x24e: {  	s5 =	simm.s32 @!p0 $0x1  }
0x24f: {  	_ =	swait.ge @!p0 [sflag:s5], $0x40  }
0x250: {  	[sflag:s5] =	ssyncset.done @!p0 $0x0  }
0x251: {  	[sflag:s5] =	ssyncadd.s32 @!p0 $0xFFFFFFC0  }
0x252: {  	v24 =	vld.idx.msk [tilespmem:v24+s21+$0x0], $0xffff  }
0x253: {  	v25 =	vadd.s32 v12, v23;
	_ =	sdelay $0x1  }
0x254: {  	s12 =	sshll.u32 s6, $0x6  }
0x255: {  	s17 =	sand.u32 $0xFC0, s12  }
0x256: {  	[tilespmem:s17+$0x1E180] =	vst v24  }
0x257: {  	v24 =	vld.idx.msk [tilespmem:v25+s21+$0x0], $0xffff  }
0x258: {  	v63 =	vadd.s32 v14, v23;
	_ =	sdelay $0x3  }
0x259: {  	[tilespmem:s17+$0x1E190] =	vst v24  }
0x25a: {  	v24 =	vld.idx.msk [tilespmem:v63+s21+$0x0], $0xffff  }
0x25b: {  	v23 =	vadd.s32 v15, v23;
	_ =	sdelay $0x3  }
0x25c: {  	s5 =	sadd.s32 $0xFFFFFFFF, s9;
	[tilespmem:s17+$0x1E1A0] =	vst v24  }
0x25d: {  	p0 =	sne.s32 s5, $0x0;
	v23 =	vld.idx.msk [tilespmem:v23+s21+$0x0], $0xffff  }
.Ltmp41:
0x25e: {  	_ = 	snop;
	(pc) =	sbr.rel @!p0 .LBB2_62-.Ltmp41, $4  }
0x25f: {  	_ = 	snop  }
0x260: {  	s26 =	sadd.s32 s6, s9;
	s25 =	sshll.u32 s11, $0x3  }
0x261: {  	s6 =	sadd.s32 $0x1, s6;
	s11 =	simm.s32 $0x8101;
	s25 =	sand.u32 $0x1FFF8, s25  }
0x262: {  	s16 =	sadd.s32 $0x1E180, s17;
	s9 =	sadd.s32 $0x40, s12;
	s12 =	sadd.s32 s7, s25;
	[tilespmem:s17+$0x1E1B0] =	vst v23  }
.LBB2_61:
0x263: {  	[hbm4b:s12+s8] =	stream.linear.scatter [tilespmem:s16], [sflag:$0x1], $0x40, $0x38;
	[tilespmem:$0x1F180] =	vst v63  }
0x264: {  	s5 =	sadd.s32 $0xFFFFFFFF, s5;
	v23 =	vld [tilespmem:s11+$0x0]  }
0x265: {  	p0 =	sne.s32 s5, $0x0;
	_ =	sdelay $0x3  }
0x266: {  	(v2sf) =	vpush v23, $0x0;
	_ =	sdelay $0xe  }
0x267: {  	s12 =	spop (v2sf)  }
0x268: {  	s16 =	sshra.s32 s12, $0xE;
	s12 =	sshll.u32 s12, $0x3  }
0x269: {  	s16 =	ssub.s32 s16, s30;
	s12 =	sand.u32 $0x1FFF8, s12  }
0x26a: {  	v23 =	vmov s16  }
0x26b: {  	v24 =	vshll.u32 v23, $0x3  }
0x26c: {  	v23 =	vand.u32 $0x7F, v23;
	v24 =	vand.u32 $0xFFFFFC00, v24  }
0x26d: {  	v23 =	vor.u32 v23, v24  }
0x26e: {  	p1 =	slt.s32 s6, $0x40;
	v24 =	vadd.s32 v11, v23  }
0x26f: {  	s16 =	simm.s32 @!p1 $0x1  }
0x270: {  	_ =	swait.ge @!p1 [sflag:s16], $0x40  }
0x271: {  	[sflag:s16] =	ssyncset.done @!p1 $0x0  }
0x272: {  	[sflag:s16] =	ssyncadd.s32 @!p1 $0xFFFFFFC0  }
0x273: {  	v24 =	vld.idx.msk [tilespmem:v24+s21+$0x0], $0xffff;
	_ =	sdelay $0x1  }
0x274: {  	v25 =	vadd.s32 v12, v23;
	_ =	sdelay $0x2  }
0x275: {  	s17 =	sand.u32 $0xFC0, s9  }
0x276: {  	[tilespmem:s17+$0x1E180] =	vst v24  }
0x277: {  	v24 =	vld.idx.msk [tilespmem:v25+s21+$0x0], $0xffff;
	_ =	sdelay $0x1  }
0x278: {  	v25 =	vadd.s32 v14, v23;
	_ =	sdelay $0x3  }
0x279: {  	[tilespmem:s17+$0x1E190] =	vst v24  }
0x27a: {  	v24 =	vld.idx.msk [tilespmem:v25+s21+$0x0], $0xffff;
	_ =	sdelay $0x1  }
0x27b: {  	v23 =	vadd.s32 v15, v23;
	_ =	sdelay $0x3  }
0x27c: {  	[tilespmem:s17+$0x1E1A0] =	vst v24  }
0x27d: {  	v23 =	vld.idx.msk [tilespmem:v23+s21+$0x0], $0xffff;
	_ =	sdelay $0x1  }
.Ltmp42:
0x27e: {  	(pc) =	sbr.rel @p0 .LBB2_61-.Ltmp42, $3  }
0x27f: {  	_ =	sdelay $0x1  }
0x280: {  	s9 =	sadd.s32 $0x40, s9;
	s11 =	sadd.s32 $0x1, s11  }
0x281: {  	s6 =	sadd.s32 $0x1, s6;
	s12 =	sadd.s32 s7, s12;
	s16 =	sadd.s32 $0x1E180, s17;
	[tilespmem:s17+$0x1E1B0] =	vst v23  }
.LBB2_62:
.Ltmp43:
0x282: {  	(pc) =	sbr.rel .LBB2_63-.Ltmp43, $3  }
0x283: {  	_ =	sdelay $0x1  }
0x284: {  	[hbm4b:s12+s8] =	stream.linear.scatter [tilespmem:s16], [sflag:$0x1], $0x40, $0x38;
	[tilespmem:$0x1F180] =	vst v63  }
0x285: {  	s6 =	smov.u32 s26  }
.LBB2_65:
0x286: {  	vm9 =	veq.s32 v2, v9  }
0x287: {  	_ =	swait.ge [sflag:s22], $0xA000;
	v21 =	vnsel vm9, $0x0, v20;
	vm9 =	veq.s32 v3, v9  }
0x288: {  	(xrf0) =	vadd.scan.msk.s32 $0xffff, v21;
	v21 =	vnsel vm9, $0x0, v19  }
0x289: {  	(xrf0) =	vadd.scan.msk.s32 $0xffff, v21;
	_ =	sdelay $0x4  }
0x28a: {  	v21, _, _ =	vpop (xrf0)  }
0x28b: {  	(v2sf) =	vpush v21, $0xF;
	v21, _, _ =	vpop (xrf0)  }
0x28c: {  	(v2sf) =	vpush v21, $0xF;
	_ =	sdelay $0xd  }
0x28d: {  	s0 =	spop (v2sf)  }
0x28e: {  	s5 =	sshra.s32 s0, $0x1F;
	s6 =	spop (v2sf);
	s9 =	sand.u32 $0xF, s0  }
0x28f: {  	p0 =	slt.s32 s0, $0x1;
	s5 =	sshrl.u32 s5, $0x1C;
	s6 =	sadd.s32 $0xF, s6  }
0x290: {  	p1 =	sne.s32 s9, $0x0;
	s9 =	simm.s32 $0x1;
	s5 =	sadd.s32 s5, s0  }
0x291: {  	s29 =	sand.u32 $0xF, s6;
	p0 =	por !p0, !p1;
	p6 =	slt.s32 s6, $0x1  }
0x292: {  	s31 =	sshra.s32 s6, $0x1F;
	p2 =	sne.s32 s29, $0x0;
	s30 =	sshra.s32 s5, $0x4  }
0x293: {  	p0 =	por !p0, !p0;
	s5 =	sshrl.u32 s31, $0x1C;
	p1 =	por !p6, !p2  }
0x294: {  	s5 =	sadd.s32 s5, s6;
	s6 =	simm.s32 $0x1;
	p1 =	por !p1, !p1  }
0x295: {  	s9 =	simm.s32 @!p0 $0x0;
	s5 =	sshra.s32 s5, $0x4;
	s6 =	simm.s32 @!p1 $0x0  }
0x296: {  	s0 =	ssub.s32 s30, s9;
	s6 =	ssub.s32 s5, s6  }
0x297: {  	p0 =	sge.s32 s0, s6  }
.Ltmp44:
0x298: {  	_ = 	snop;
	(pc) =	sbr.rel @!p0 .LBB2_66-.Ltmp44, $3  }
0x299: {  	_ =	sdelay $0x1  }
0x29a: {  	[sflag:s22] =	ssyncset.done $0x0  }
0x29b: {  	s25 =	simm.s32 $0x3;
	[sflag:s22] =	ssyncadd.s32 $0xFFFF6000  }
.LBB2_71:
0x29c: {  	_ =	swait.ge [sflag:s22], $0xA000  }
0x29d: {  	[sflag:s22] =	ssyncset.done $0x0  }
0x29e: {  	s0 =	rddreg [dreg:$0x5];
	[sflag:s22] =	ssyncadd.s32 $0xFFFF6000  }
0x29f: {  	vm9 =	veq.s32 v6, v9;
	[tilespmem:s24], [sflag:$0x3] =	stream.linear.gather [hbm4b:s0+s8], $0x2000, $0x38;
	[tilespmem:$0x1F180] =	vst v63  }
0x2a0: {  	v20 =	vnsel vm9, $0x0, v20;
	_ =	swait.ge [sflag:s25], $0x2000  }
0x2a1: {  	v19 =	vnsel vm9, $0x0, v19;
	(xrf0) =	vadd.scan.msk.s32 $0xffff, v20  }
0x2a2: {  	(xrf0) =	vadd.scan.msk.s32 $0xffff, v19;
	_ =	sdelay $0x4  }
0x2a3: {  	v19, _, _ =	vpop (xrf0)  }
0x2a4: {  	(v2sf) =	vpush v19, $0xF;
	v19, _, _ =	vpop (xrf0)  }
0x2a5: {  	(v2sf) =	vpush v19, $0xF;
	_ =	sdelay $0xd  }
0x2a6: {  	s28 =	spop (v2sf)  }
0x2a7: {  	s5 =	sshra.s32 s28, $0x1F;
	s6 =	spop (v2sf);
	s9 =	sand.u32 $0xF, s28  }
0x2a8: {  	p0 =	slt.s32 s28, $0x1;
	s5 =	sshrl.u32 s5, $0x1C;
	s6 =	sadd.s32 $0xF, s6  }
0x2a9: {  	p1 =	sne.s32 s9, $0x0;
	s9 =	simm.s32 $0x1;
	s5 =	sadd.s32 s5, s28  }
0x2aa: {  	s29 =	sand.u32 $0xF, s6;
	p0 =	por !p0, !p1;
	p6 =	slt.s32 s6, $0x1  }
0x2ab: {  	s31 =	sshra.s32 s6, $0x1F;
	p2 =	sne.s32 s29, $0x0;
	s30 =	sshra.s32 s5, $0x4  }
0x2ac: {  	p0 =	por !p0, !p0;
	s5 =	sshrl.u32 s31, $0x1C;
	p1 =	por !p6, !p2  }
0x2ad: {  	s5 =	sadd.s32 s5, s6;
	s6 =	simm.s32 $0x1;
	p1 =	por !p1, !p1  }
0x2ae: {  	s9 =	simm.s32 @!p0 $0x0;
	s5 =	sshra.s32 s5, $0x4;
	s6 =	simm.s32 @!p1 $0x0  }
0x2af: {  	s0 =	ssub.s32 s30, s9;
	s6 =	ssub.s32 s5, s6  }
0x2b0: {  	p0 =	sge.s32 s0, s6  }
.Ltmp45:
0x2b1: {  	_ = 	snop;
	(pc) =	sbr.rel @!p0 .LBB2_72-.Ltmp45, $3  }
0x2b2: {  	_ =	sdelay $0x1  }
0x2b3: {  	[sflag:s25] =	ssyncset.done $0x0  }
0x2b4: {  	[sflag:s25] =	ssyncadd.s32 $0xFFFFE000  }
.LBB2_77:
0x2b5: {  	p0 =	slt.s32 s26, $0x1  }
.Ltmp46:
0x2b6: {  	_ = 	snop;
	(pc) =	sbr.rel @p0 .LBB2_81-.Ltmp46, $2  }
0x2b7: {  	_ =	sdelay $0x2  }
0x2b8: {  	s5 =	rddreg [dreg:$0x9]  }
0x2b9: {  	p0 =	slt.s32 s26, $0x40  }
0x2ba: {  	s26 =	simm.s32 @!p0 $0x40  }
0x2bb: {  	p0 =	sne.s32 s26, $0x1  }
.Ltmp47:
0x2bc: {  	_ = 	snop;
	(pc) =	sbr.rel @!p0 .LBB2_80-.Ltmp47, $3  }
0x2bd: {  	_ =	sdelay $0x1  }
0x2be: {  	_ =	swait.ge [sflag:s15], $0x40  }
0x2bf: {  	[sflag:s15] =	ssyncset.done $0x0;
	s0 =	sadd.s32 $0xFFFFFFFF, s26  }
.LBB2_79:
0x2c0: {  	p0 =	sne.s32 s0, $0x1;
	s0 =	sadd.s32 $0xFFFFFFFF, s0;
	[sflag:s15] =	ssyncadd.s32 $0xFFFFFFC0  }
.Ltmp48:
0x2c1: {  	(pc) =	sbr.rel @p0 .LBB2_79-.Ltmp48, $3  }
0x2c2: {  	_ =	sdelay $0x1  }
0x2c3: {  	_ =	swait.ge [sflag:s15], $0x40  }
0x2c4: {  	[sflag:s15] =	ssyncset.done $0x0  }
.Ltmp49:
0x2c5: {  	_ = 	snop;
	(pc) =	sbr.rel .LBB2_80-.Ltmp49, $1  }
0x2c6: {  	_ =	sdelay $0x3  }
.LBB2_69:
0x2c7: {  	[hbm4b:s12+s8] =	stream.linear.scatter [tilespmem:s16], [sflag:$0x1], $0x40, $0x38;
	[tilespmem:$0x1F180] =	vst v63  }
0x2c8: {  	s26 =	smov.u32 s5  }
.LBB2_70:
0x2c9: {  	s0 =	sadd.s32 $0x1, s0  }
0x2ca: {  	p0 =	slt.s32 s0, s6  }
.Ltmp50:
0x2cb: {  	_ = 	snop;
	(pc) =	sbr.rel @!p0 .LBB2_71-.Ltmp50, $1  }
0x2cc: {  	_ =	sdelay $0x3  }
.LBB2_66:
0x2cd: {  	s5 =	sshll.u32 s0, $0x6  }
0x2ce: {  	s5 =	sshra.s32 s5, $0x2  }
0x2cf: {  	v21 =	vld [tilespmem:s5+$0x0];
	_ =	sdelay $0x4  }
0x2d0: {  	v22 =	vshra.s32 v21, $0xE  }
0x2d1: {  	vm9 =	vle.s32 v4, v22;
	vm10 =	vlt.s32 v22, v5  }
0x2d2: {  	vm9 =	vmand vm9, vm10  }
0x2d3: {  	v22 =	vmpcnt.ones.xlane vm9;
	_ =	sdelay $0x1  }
0x2d4: {  	(v2sf) =	vpush v22, $0x0;
	_ =	sdelay $0xe  }
0x2d5: {  	s5 =	spop (v2sf)  }
0x2d6: {  	p0 =	slt.s32 s5, $0x1  }
.Ltmp51:
0x2d7: {  	_ = 	snop;
	(pc) =	sbr.rel @p0 .LBB2_70-.Ltmp51, $2  }
0x2d8: {  	_ =	sdelay $0x2  }
0x2d9: {  	[tilespmem:s23+$0x0] =	vst.msk vm9, v21  }
0x2da: {  	s9 =	simm.s32 $0x8100  }
0x2db: {  	v21 =	vld [tilespmem:s9+$0x0];
	_ =	sdelay $0x4  }
0x2dc: {  	(v2sf) =	vpush v21, $0x0;
	_ =	sdelay $0xe  }
0x2dd: {  	s30 =	spop (v2sf)  }
0x2de: {  	s11 =	sshra.s32 s30, $0xE  }
0x2df: {  	s11 =	ssub.s32 s11, s2  }
0x2e0: {  	v21 =	vmov s11  }
0x2e1: {  	v22 =	vshll.u32 v21, $0x3  }
0x2e2: {  	v21 =	vand.u32 $0x7F, v21;
	v22 =	vand.u32 $0xFFFFFC00, v22  }
0x2e3: {  	v21 =	vor.u32 v21, v22  }
0x2e4: {  	p0 =	slt.s32 s26, $0x40;
	v22 =	vadd.s32 v11, v21  }
0x2e5: {  	s11 =	simm.s32 @!p0 $0x1  }
0x2e6: {  	_ =	swait.ge @!p0 [sflag:s11], $0x40  }
0x2e7: {  	[sflag:s11] =	ssyncset.done @!p0 $0x0  }
0x2e8: {  	[sflag:s11] =	ssyncadd.s32 @!p0 $0xFFFFFFC0  }
0x2e9: {  	v22 =	vld.idx.msk [tilespmem:v22+s20+$0x0], $0xffff  }
0x2ea: {  	v23 =	vadd.s32 v12, v21;
	_ =	sdelay $0x1  }
0x2eb: {  	s31 =	sshll.u32 s26, $0x6  }
0x2ec: {  	s12 =	sand.u32 $0xFC0, s31  }
0x2ed: {  	[tilespmem:s12+$0x1E180] =	vst v22  }
0x2ee: {  	v22 =	vld.idx.msk [tilespmem:v23+s20+$0x0], $0xffff  }
0x2ef: {  	v23 =	vadd.s32 v14, v21;
	_ =	sdelay $0x3  }
0x2f0: {  	[tilespmem:s12+$0x1E190] =	vst v22  }
0x2f1: {  	v22 =	vld.idx.msk [tilespmem:v23+s20+$0x0], $0xffff  }
0x2f2: {  	v21 =	vadd.s32 v15, v21;
	_ =	sdelay $0x3  }
0x2f3: {  	s28 =	sadd.s32 $0xFFFFFFFF, s5;
	[tilespmem:s12+$0x1E1A0] =	vst v22  }
0x2f4: {  	p0 =	sne.s32 s28, $0x0;
	v21 =	vld.idx.msk [tilespmem:v21+s20+$0x0], $0xffff  }
.Ltmp52:
0x2f5: {  	_ = 	snop;
	(pc) =	sbr.rel @!p0 .LBB2_69-.Ltmp52, $4  }
0x2f6: {  	_ = 	snop  }
0x2f7: {  	s5 =	sadd.s32 s26, s5;
	s9 =	sshll.u32 s30, $0x3  }
0x2f8: {  	s26 =	sadd.s32 $0x1, s26;
	s16 =	sadd.s32 $0x1E180, s12;
	s17 =	sand.u32 $0x1FFF8, s9  }
0x2f9: {  	s9 =	sadd.s32 $0x40, s31;
	s11 =	simm.s32 $0x8101;
	[tilespmem:s12+$0x1E1B0] =	vst v21;
	s12 =	sadd.s32 s7, s17  }
.LBB2_68:
0x2fa: {  	[hbm4b:s12+s8] =	stream.linear.scatter [tilespmem:s16], [sflag:$0x1], $0x40, $0x38;
	[tilespmem:$0x1F180] =	vst v63  }
0x2fb: {  	s28 =	sadd.s32 $0xFFFFFFFF, s28;
	v21 =	vld [tilespmem:s11+$0x0]  }
0x2fc: {  	p0 =	sne.s32 s28, $0x0;
	_ =	sdelay $0x3  }
0x2fd: {  	(v2sf) =	vpush v21, $0x0;
	_ =	sdelay $0xe  }
0x2fe: {  	s12 =	spop (v2sf)  }
0x2ff: {  	s16 =	sshra.s32 s12, $0xE;
	s12 =	sshll.u32 s12, $0x3  }
0x300: {  	s16 =	ssub.s32 s16, s2;
	s12 =	sand.u32 $0x1FFF8, s12  }
0x301: {  	v21 =	vmov s16  }
0x302: {  	v22 =	vshll.u32 v21, $0x3  }
0x303: {  	v21 =	vand.u32 $0x7F, v21;
	v22 =	vand.u32 $0xFFFFFC00, v22  }
0x304: {  	v21 =	vor.u32 v21, v22  }
0x305: {  	p1 =	slt.s32 s26, $0x40;
	v22 =	vadd.s32 v11, v21  }
0x306: {  	s16 =	simm.s32 @!p1 $0x1  }
0x307: {  	_ =	swait.ge @!p1 [sflag:s16], $0x40  }
0x308: {  	[sflag:s16] =	ssyncset.done @!p1 $0x0  }
0x309: {  	[sflag:s16] =	ssyncadd.s32 @!p1 $0xFFFFFFC0  }
0x30a: {  	v22 =	vld.idx.msk [tilespmem:v22+s20+$0x0], $0xffff;
	_ =	sdelay $0x1  }
0x30b: {  	v23 =	vadd.s32 v12, v21;
	_ =	sdelay $0x2  }
0x30c: {  	s17 =	sand.u32 $0xFC0, s9  }
0x30d: {  	[tilespmem:s17+$0x1E180] =	vst v22  }
0x30e: {  	v22 =	vld.idx.msk [tilespmem:v23+s20+$0x0], $0xffff;
	_ =	sdelay $0x1  }
0x30f: {  	v23 =	vadd.s32 v14, v21;
	_ =	sdelay $0x3  }
0x310: {  	[tilespmem:s17+$0x1E190] =	vst v22  }
0x311: {  	v22 =	vld.idx.msk [tilespmem:v23+s20+$0x0], $0xffff;
	_ =	sdelay $0x1  }
0x312: {  	v21 =	vadd.s32 v15, v21;
	_ =	sdelay $0x3  }
0x313: {  	[tilespmem:s17+$0x1E1A0] =	vst v22  }
0x314: {  	v21 =	vld.idx.msk [tilespmem:v21+s20+$0x0], $0xffff;
	_ =	sdelay $0x1  }
.Ltmp53:
0x315: {  	(pc) =	sbr.rel @p0 .LBB2_68-.Ltmp53, $3  }
0x316: {  	_ =	sdelay $0x1  }
0x317: {  	s9 =	sadd.s32 $0x40, s9;
	s11 =	sadd.s32 $0x1, s11  }
0x318: {  	s26 =	sadd.s32 $0x1, s26;
	s12 =	sadd.s32 s7, s12;
	s16 =	sadd.s32 $0x1E180, s17;
	[tilespmem:s17+$0x1E1B0] =	vst v21  }
.Ltmp54:
0x319: {  	_ = 	snop;
	(pc) =	sbr.rel .LBB2_69-.Ltmp54, $1  }
0x31a: {  	_ =	sdelay $0x3  }
.LBB2_75:
0x31b: {  	[hbm4b:s16+s8] =	stream.linear.scatter [tilespmem:s12], [sflag:$0x1], $0x40, $0x38;
	[tilespmem:$0x1F180] =	vst v63  }
0x31c: {  	s26 =	smov.u32 s5  }
.LBB2_76:
0x31d: {  	s0 =	sadd.s32 $0x1, s0  }
0x31e: {  	p0 =	slt.s32 s0, s6  }
.Ltmp55:
0x31f: {  	_ = 	snop;
	(pc) =	sbr.rel @!p0 .LBB2_77-.Ltmp55, $1  }
0x320: {  	_ =	sdelay $0x3  }
.LBB2_72:
0x321: {  	s5 =	sshll.u32 s0, $0x6  }
0x322: {  	s5 =	sshra.s32 s5, $0x2  }
0x323: {  	v19 =	vld [tilespmem:s5+$0x0];
	_ =	sdelay $0x4  }
0x324: {  	v20 =	vshra.s32 v19, $0xE  }
0x325: {  	vm9 =	vle.s32 v7, v20;
	vm10 =	vlt.s32 v20, v8  }
0x326: {  	vm9 =	vmand vm9, vm10  }
0x327: {  	v20 =	vmpcnt.ones.xlane vm9;
	_ =	sdelay $0x1  }
0x328: {  	(v2sf) =	vpush v20, $0x0;
	_ =	sdelay $0xe  }
0x329: {  	s5 =	spop (v2sf)  }
0x32a: {  	p0 =	slt.s32 s5, $0x1  }
.Ltmp56:
0x32b: {  	_ = 	snop;
	(pc) =	sbr.rel @p0 .LBB2_76-.Ltmp56, $2  }
0x32c: {  	_ =	sdelay $0x2  }
0x32d: {  	[tilespmem:s23+$0x0] =	vst.msk vm9, v19  }
0x32e: {  	s9 =	simm.s32 $0x8100  }
0x32f: {  	v19 =	vld [tilespmem:s9+$0x0];
	_ =	sdelay $0x4  }
0x330: {  	(v2sf) =	vpush v19, $0x0;
	_ =	sdelay $0xe  }
0x331: {  	s11 =	spop (v2sf)  }
0x332: {  	s31 =	sshra.s32 s11, $0xE  }
0x333: {  	s9 =	ssub.s32 s31, s3  }
0x334: {  	v19 =	vmov s9  }
0x335: {  	p0 =	slt.s32 s26, $0x40;
	v20 =	vadd.s32 v13, v19  }
0x336: {  	s9 =	simm.s32 @!p0 $0x1  }
0x337: {  	_ =	swait.ge @!p0 [sflag:s9], $0x40  }
0x338: {  	[sflag:s9] =	ssyncset.done @!p0 $0x0  }
0x339: {  	[sflag:s9] =	ssyncadd.s32 @!p0 $0xFFFFFFC0  }
0x33a: {  	v20 =	vld.idx.msk [tilespmem:v20+s24+$0x0], $0xffff  }
0x33b: {  	v21 =	vadd.s32 v16, v19;
	_ =	sdelay $0x1  }
0x33c: {  	s12 =	sshll.u32 s26, $0x6  }
0x33d: {  	s16 =	sand.u32 $0xFC0, s12  }
0x33e: {  	[tilespmem:s16+$0x1E180] =	vst v20  }
0x33f: {  	v20 =	vld.idx.msk [tilespmem:v21+s24+$0x0], $0xffff  }
0x340: {  	v63 =	vadd.s32 v17, v19;
	_ =	sdelay $0x3  }
0x341: {  	[tilespmem:s16+$0x1E190] =	vst v20  }
0x342: {  	v20 =	vld.idx.msk [tilespmem:v63+s24+$0x0], $0xffff  }
0x343: {  	v19 =	vadd.s32 v18, v19;
	_ =	sdelay $0x3  }
0x344: {  	s9 =	sadd.s32 $0xFFFFFFFF, s5;
	[tilespmem:s16+$0x1E1A0] =	vst v20  }
0x345: {  	p0 =	sne.s32 s9, $0x0;
	v19 =	vld.idx.msk [tilespmem:v19+s24+$0x0], $0xffff  }
.Ltmp57:
0x346: {  	_ = 	snop;
	(pc) =	sbr.rel @!p0 .LBB2_75-.Ltmp57, $4  }
0x347: {  	_ = 	snop  }
0x348: {  	s28 =	simm.s32 $0x8101;
	s11 =	sshll.u32 s11, $0x3  }
0x349: {  	s17 =	sand.u32 $0x1FFF8, s11;
	s11 =	sadd.s32 $0x40, s12;
	s12 =	sadd.s32 $0x1E180, s16  }
0x34a: {  	s5 =	sadd.s32 s26, s5;
	s26 =	sadd.s32 $0x1, s26;
	[tilespmem:s16+$0x1E1B0] =	vst v19;
	s16 =	sadd.s32 s7, s17  }
.LBB2_74:
0x34b: {  	[hbm4b:s16+s8] =	stream.linear.scatter [tilespmem:s12], [sflag:$0x1], $0x40, $0x38;
	[tilespmem:$0x1F180] =	vst v63  }
0x34c: {  	s9 =	sadd.s32 $0xFFFFFFFF, s9;
	v19 =	vld [tilespmem:s28+$0x0]  }
0x34d: {  	p0 =	sne.s32 s9, $0x0;
	_ =	sdelay $0x3  }
0x34e: {  	(v2sf) =	vpush v19, $0x0;
	_ =	sdelay $0xe  }
0x34f: {  	s12 =	spop (v2sf)  }
0x350: {  	s16 =	sshra.s32 s12, $0xE;
	s12 =	sshll.u32 s12, $0x3  }
0x351: {  	s16 =	ssub.s32 s16, s3;
	s17 =	sand.u32 $0x1FFF8, s12  }
0x352: {  	v19 =	vmov s16  }
0x353: {  	p1 =	slt.s32 s26, $0x40;
	v20 =	vadd.s32 v13, v19  }
0x354: {  	s12 =	simm.s32 @!p1 $0x1  }
0x355: {  	_ =	swait.ge @!p1 [sflag:s12], $0x40  }
0x356: {  	[sflag:s12] =	ssyncset.done @!p1 $0x0  }
0x357: {  	[sflag:s12] =	ssyncadd.s32 @!p1 $0xFFFFFFC0  }
0x358: {  	v20 =	vld.idx.msk [tilespmem:v20+s24+$0x0], $0xffff;
	_ =	sdelay $0x1  }
0x359: {  	v21 =	vadd.s32 v16, v19;
	_ =	sdelay $0x2  }
0x35a: {  	s16 =	sand.u32 $0xFC0, s11  }
0x35b: {  	[tilespmem:s16+$0x1E180] =	vst v20  }
0x35c: {  	v20 =	vld.idx.msk [tilespmem:v21+s24+$0x0], $0xffff;
	_ =	sdelay $0x1  }
0x35d: {  	v21 =	vadd.s32 v17, v19;
	_ =	sdelay $0x3  }
0x35e: {  	[tilespmem:s16+$0x1E190] =	vst v20  }
0x35f: {  	v20 =	vld.idx.msk [tilespmem:v21+s24+$0x0], $0xffff;
	_ =	sdelay $0x1  }
0x360: {  	v19 =	vadd.s32 v18, v19;
	_ =	sdelay $0x3  }
0x361: {  	[tilespmem:s16+$0x1E1A0] =	vst v20  }
0x362: {  	v19 =	vld.idx.msk [tilespmem:v19+s24+$0x0], $0xffff;
	_ =	sdelay $0x1  }
.Ltmp58:
0x363: {  	(pc) =	sbr.rel @p0 .LBB2_74-.Ltmp58, $3  }
0x364: {  	_ =	sdelay $0x1  }
0x365: {  	s28 =	sadd.s32 $0x1, s28;
	s11 =	sadd.s32 $0x40, s11  }
0x366: {  	s26 =	sadd.s32 $0x1, s26;
	s12 =	sadd.s32 $0x1E180, s16;
	[tilespmem:s16+$0x1E1B0] =	vst v19;
	s16 =	sadd.s32 s7, s17  }
.Ltmp59:
0x367: {  	_ = 	snop;
	(pc) =	sbr.rel .LBB2_75-.Ltmp59, $1  }
0x368: {  	_ =	sdelay $0x3  }
.LBB2_5:
.Ltmp60:
0x369: {  	(pc) =	sbr.rel .LBB2_9-.Ltmp60, $2  }
0x36a: {  	_ =	sdelay $0x2  }
0x36b: {  	s0 =	simm.s32 $0x0;
	p0 =	por $0x0, $0x0  }
.LBB2_10:
.Ltmp61:
0x36c: {  	(pc) =	sbr.rel .LBB2_14-.Ltmp61, $2  }
0x36d: {  	_ =	sdelay $0x2  }
0x36e: {  	s0 =	smov.u32 s28  }
.LBB2_15:
.Ltmp62:
0x36f: {  	(pc) =	sbr.rel .LBB2_19-.Ltmp62, $2  }
0x370: {  	_ =	sdelay $0x2  }
0x371: {  	s5 =	smov.u32 s29;
	p2 =	por $0x0, $0x0  }
.LBB2_20:
.Ltmp63:
0x372: {  	(pc) =	sbr.rel .LBB2_24-.Ltmp63, $2  }
0x373: {  	_ =	sdelay $0x2  }
0x374: {  	s0 =	smov.u32 s31  }
.LBB2_25:
.Ltmp64:
0x375: {  	(pc) =	sbr.rel .LBB2_29-.Ltmp64, $2  }
0x376: {  	_ =	sdelay $0x2  }
0x377: {  	s0 =	smov.u32 s6;
	p2 =	por $0x0, $0x0  }
.LBB2_30:
.Ltmp65:
0x378: {  	(pc) =	sbr.rel .LBB2_34-.Ltmp65, $2  }
0x379: {  	_ =	sdelay $0x2  }
0x37a: {  	s5 =	smov.u32 s0  }
.LBB2_35:
.Ltmp66:
0x37b: {  	(pc) =	sbr.rel .LBB2_39-.Ltmp66, $2  }
0x37c: {  	_ =	sdelay $0x2  }
0x37d: {  	s9 =	smov.u32 s5;
	p2 =	por $0x0, $0x0  }
.LBB2_40:
.Ltmp67:
0x37e: {  	(pc) =	sbr.rel .LBB2_44-.Ltmp67, $2  }
0x37f: {  	_ =	sdelay $0x2  }
0x380: {  	s11 =	smov.u32 s9  }
.LBB2_7:
.Ltmp68:
0x381: {  	(pc) =	sbr.rel .LBB2_9-.Ltmp68, $2  }
0x382: {  	_ =	sdelay $0x2  }
0x383: {  	s0 =	simm.s32 $0x0  }
.LBB2_12:
.Ltmp69:
0x384: {  	(pc) =	sbr.rel .LBB2_14-.Ltmp69, $2  }
0x385: {  	_ =	sdelay $0x2  }
0x386: {  	s0 =	smov.u32 s28  }
.LBB2_17:
.Ltmp70:
0x387: {  	(pc) =	sbr.rel .LBB2_19-.Ltmp70, $2  }
0x388: {  	_ =	sdelay $0x2  }
0x389: {  	s5 =	smov.u32 s29  }
.LBB2_22:
.Ltmp71:
0x38a: {  	(pc) =	sbr.rel .LBB2_24-.Ltmp71, $2  }
0x38b: {  	_ =	sdelay $0x2  }
0x38c: {  	s0 =	smov.u32 s31  }
.LBB2_27:
.Ltmp72:
0x38d: {  	(pc) =	sbr.rel .LBB2_29-.Ltmp72, $2  }
0x38e: {  	_ =	sdelay $0x2  }
0x38f: {  	s0 =	smov.u32 s6  }
.LBB2_32:
.Ltmp73:
0x390: {  	(pc) =	sbr.rel .LBB2_34-.Ltmp73, $2  }
0x391: {  	_ =	sdelay $0x2  }
0x392: {  	s5 =	smov.u32 s0  }
.LBB2_37:
.Ltmp74:
0x393: {  	(pc) =	sbr.rel .LBB2_39-.Ltmp74, $2  }
0x394: {  	_ =	sdelay $0x2  }
0x395: {  	s9 =	smov.u32 s5  }
.LBB2_42:
.Ltmp75:
0x396: {  	(pc) =	sbr.rel .LBB2_44-.Ltmp75, $2  }
0x397: {  	_ =	sdelay $0x2  }
0x398: {  	s11 =	smov.u32 s9  }
.LBB2_82:
0x399: {  	_ =	sfence.sel $0x180000  }
0x39a: {  	[bflag:$0x0] =	sbarrier.arrive $0xFFFF  }
0x39b: {  	_ =	strace $0x90000047  }
0x39c: {  	s0 =	stileid.u32;
	[bflag:$0x2] =	sbarrier.arrive $0xFFFF  }
0x39d: {  	p0 =	sne.s32 s0, $0x0;
	s0 =	rddreg [dreg:$0x4]  }
0x39e: {  	s0 =	sadd.s32 @!p0 $0x100000, s0  }
0x39f: {  	[sflag:s0] =	ssyncadd.tile.s32 @!p0 $0x1;
	_ =	shalt  }
.Lfunc_end2:
_tile_overlayer_lowered:
.L_overlay_start_2:
0x3a0: {  	(tag) =	ssettag $0x2  }
0x3a1: {  	s0 =	rddreg [dreg:$0x0];
	s2 =	stileid.u32  }
0x3a2: {  	s1 =	rddreg [dreg:$0x1];
	p0 =	sne.s32 s2, $0x0  }
0x3a3: {  	s3 =	rddreg [dreg:$0x2];
	[bflag:$0x3] =	sbarrier.arrive $0xFFFF;
	s2 =	simm.s32 @!p0 $0x1C03  }
0x3a4: {  	[timem:s3], [sflag:s2] =	dma.local @!p0 [hbm:s0], s1  }
0x3a5: {  	s0 =	simm.s32 @!p0 $0x3  }
0x3a6: {  	_ =	swait.ge @!p0 [sflag:s0], s1  }
0x3a7: {  	s1 =	ssub.s32 @!p0 $0x0, s1;
	[sflag:s0] =	ssyncset.done @!p0 $0x0  }
0x3a8: {  	[sflag:s0] =	ssyncadd.s32 @!p0 s1  }
0x3a9: {  	[bflag:$0x3] =	sbarrier.arrive $0xFFFF  }
0x3aa: {  	_ =	shalt  }

</sc_bundles>
